<compile_context>
chip_gen: v7x
topology: tpu7x:2x2x1
jax: 0.10.2.dev20260603
libtpu: 0.0.44.dev20260713+nightly
codegen_flags: <defaults>
</compile_context>

<pallas_src>
import functools

import jax
import jax.numpy as jnp
from jax import lax
from jax.experimental import pallas as pl
from jax.experimental.pallas import tpu as pltpu
from jax.experimental.pallas import tpu_sc as plsc

_NC, _NS = 2, 16
_NW = _NC * _NS
_EL = 128


def _leaky(v):
    return jnp.where(v >= 0, v, jnp.float32(0.1) * v)


def _sc_mesh():
    return plsc.VectorSubcoreMesh(core_axis_name="c", subcore_axis_name="s",
                                  num_cores=_NC, num_subcores=_NS)


def _hist_kernel(TAB, R):
    HALF = TAB // 2

    @functools.partial(
        pl.kernel,
        out_type=jax.ShapeDtypeStruct((_NC, _NS, 2, 16, HALF), jnp.float32),
        mesh=_sc_mesh(),
        compiler_params=pltpu.CompilerParams(needs_layout_passes=False),
        scratch_types=[
            pltpu.VMEM((R, _EL), jnp.int32),
            pltpu.VMEM((R, _EL), jnp.int32),
            pltpu.VMEM((R, _EL), jnp.int32),
            pltpu.VMEM((R, _EL), jnp.int32),
            pltpu.VMEM((16,), jnp.int32),
            pltpu.VMEM((16, HALF), jnp.float32),
        ],
    )
    def k(src_hbm, dst_hbm, cur_hbm, zh_hbm, hist_out,
          srcA, srcB, dstA, dstB, cur_v, hist_v):
        c = lax.axis_index("c")
        s = lax.axis_index("s")
        pltpu.sync_copy(src_hbm.at[s * 2], srcA)
        pltpu.sync_copy(src_hbm.at[s * 2 + 1], srcB)
        pltpu.sync_copy(dst_hbm.at[s * 2], dstA)
        pltpu.sync_copy(dst_hbm.at[s * 2 + 1], dstB)
        pltpu.sync_copy(cur_hbm, cur_v)

        curv = cur_v[...]
        ones = jnp.ones((16,), jnp.float32)
        lane16 = lax.iota(jnp.int32, 16)
        lo = c * HALF

        for p in range(2):
            pltpu.sync_copy(zh_hbm, hist_v)
            for sv_ref, dv_ref in ((srcA, dstA), (srcB, dstB)):

                @pl.loop(0, R)
                def _(j):
                    for c8 in range(_EL // 16):
                        d16 = dv_ref[j, pl.ds(c8 * 16, 16)]
                        rel = d16 - lo
                        m = (rel >= 0) & (rel < HALF)
                        if p == 1:
                            s16 = sv_ref[j, pl.ds(c8 * 16, 16)]
                            m = m & (s16 == curv)
                        plsc.addupdate_scatter(hist_v, [lane16, rel], ones,
                                               mask=m)

            pltpu.sync_copy(hist_v, hist_out.at[c].at[s].at[p])

    return k


def _agg_kernel(TAB, R):
    stripe = TAB // _NS

    H1 = (R + 1) // 2

    @functools.partial(
        pl.kernel,
        out_type=jax.ShapeDtypeStruct((_NC, TAB, 128), jnp.float32),
        mesh=_sc_mesh(),
        scratch_types=[
            pltpu.VMEM((H1, _EL), jnp.int32),
            pltpu.VMEM((H1, _EL), jnp.int32),
            pltpu.VMEM((_EL, 128), jnp.float32),
            pltpu.VMEM((_EL, 128), jnp.float32),
            pltpu.SemaphoreType.DMA,
            pltpu.SemaphoreType.DMA,
            pltpu.VMEM_SHARED((TAB, 128), jnp.float32),
        ],
    )
    def k(xs_hbm, src_hbm, dst_hbm, z128_hbm, agg_out,
          src_v, dst_v, rb0, rb1, sem0, sem1, agg_t):
        c = lax.axis_index("c")
        s = lax.axis_index("s")
        wid = s * _NC + c
        pltpu.sync_copy(z128_hbm, agg_t.at[pl.ds(s * stripe, stripe)])
        plsc.subcore_barrier()

        def gather(j, rb, sem):
            return pltpu.async_copy(xs_hbm.at[src_v.at[j]], rb, sem)

        def wait(j, rb, sem):
            pltpu.make_async_copy(xs_hbm.at[src_v.at[j]], rb, sem).wait()

        def scatter(j, rb):
            pltpu.sync_copy(rb, agg_t.at[dst_v.at[j]], add=True)

        for h in range(2):
            lo = h * H1
            cnt = H1 if h == 0 else R - H1
            pltpu.sync_copy(src_hbm.at[wid].at[pl.ds(lo, cnt)],
                            src_v.at[pl.ds(0, cnt)])
            pltpu.sync_copy(dst_hbm.at[wid].at[pl.ds(lo, cnt)],
                            dst_v.at[pl.ds(0, cnt)])
            base = 0
            if cnt % 2 == 0:
                gather(0, rb0, sem0)
                wait(0, rb0, sem0)
                scatter(0, rb0)
                base = 1
            gather(base, rb0, sem0)

            @pl.loop(0, (cnt - base - 1) // 2)
            def _(t):
                j0 = base + 2 * t
                gather(j0 + 1, rb1, sem1)
                wait(j0, rb0, sem0)
                scatter(j0, rb0)
                gather(j0 + 2, rb0, sem0)
                wait(j0 + 1, rb1, sem1)
                scatter(j0 + 1, rb1)

            wait(cnt - 1, rb0, sem0)
            scatter(cnt - 1, rb0)

        plsc.subcore_barrier()
        pltpu.sync_copy(agg_t.at[pl.ds(s * stripe, stripe)],
                        agg_out.at[c].at[pl.ds(s * stripe, stripe)])

    return k


def _histred_body(hist_ref, red_ref):
    i = pl.program_id(0)
    t = hist_ref[0, :, 0, :, :]
    red_ref[pl.ds(i, 1), :] = jnp.sum(t, axis=(0, 1), keepdims=False)[None, :]


def _prep_body(N, TAB, x_ref, deg_ref, xs_ref):
    x = x_ref[...]
    deg = deg_ref[0:N, :] + jnp.float32(1.0)
    dv = lax.rsqrt(deg)
    xs_ref[0:N, :] = x * dv
    xs_ref[N:TAB, :] = jnp.zeros((TAB - N, 128), jnp.float32)


def _scores_body(RB, D,
                 cur_ref, x_ref, Wp1_ref, bp1_ref, Wp2_ref, bp2_ref,
                 Wp3_ref, bp3_ref, sc_ref):
    i = pl.program_id(0)
    r0 = i * RB
    xb = x_ref[pl.ds(r0, RB), :]
    f32 = jnp.float32
    emb = jnp.tanh(xb)
    cur = cur_ref[0]
    curemb = jnp.tanh(x_ref[pl.ds(cur, 1), :])
    base = jnp.dot(curemb, Wp1_ref[pl.ds(D, D), :],
                   preferred_element_type=f32, precision=lax.Precision.DEFAULT) + bp1_ref[...]
    h1 = _leaky(jnp.dot(emb, Wp1_ref[pl.ds(0, D), :],
                        preferred_element_type=f32, precision=lax.Precision.DEFAULT) + base)
    h2 = _leaky(jnp.dot(h1, Wp2_ref[...], preferred_element_type=f32, precision=lax.Precision.DEFAULT) + bp2_ref[...])
    sc_ref[...] = jnp.dot(h2, Wp3_ref[...], preferred_element_type=f32, precision=lax.Precision.DEFAULT) + bp3_ref[...]


def _critic_body(RB, G,
                 x_ref, deg_ref, agg_ref, nb_ref, sc_ref,
                 Wc_ref, bc_ref, Wl1_ref, bl1_ref, Wl2_ref, bl2_ref,
                 Wl3_ref, bl3_ref, Wo_ref, bo_ref,
                 probs_ref, val_ref, logit_sc):
    i = pl.program_id(0)
    f32 = jnp.float32

    @pl.when(i < G)
    def _():
        r0 = i * RB
        xb = x_ref[pl.ds(r0, RB), :]
        dv = lax.rsqrt(deg_ref[pl.ds(r0, RB), :] + f32(1.0))
        a = agg_ref[0, pl.ds(r0, RB), :] + agg_ref[1, pl.ds(r0, RB), :]
        nb = nb_ref[pl.ds(r0, RB), :]
        aggf = dv * a + dv * dv * xb

        cmat = jnp.dot(aggf, Wc_ref[...], preferred_element_type=f32, precision=lax.Precision.DEFAULT) + bc_ref[...]
        c1 = _leaky(jnp.dot(cmat, Wl1_ref[...], preferred_element_type=f32, precision=lax.Precision.DEFAULT) + bl1_ref[...])
        c2 = _leaky(jnp.dot(c1, Wl2_ref[...], preferred_element_type=f32, precision=lax.Precision.DEFAULT) + bl2_ref[...])
        c3 = _leaky(jnp.dot(c2, Wl3_ref[...], preferred_element_type=f32, precision=lax.Precision.DEFAULT) + bl3_ref[...])
        val_ref[pl.ds(r0, RB), :] = (jnp.dot(c3, Wo_ref[...],
                                             preferred_element_type=f32, precision=lax.Precision.DEFAULT)
                                     + bo_ref[...])
        logit_sc[pl.ds(r0, RB), :] = jnp.where(
            nb > f32(0.5), sc_ref[pl.ds(r0, RB), :], f32(-1e9))

    @pl.when(i == G)
    def _():
        l = logit_sc[...]
        m = jnp.max(l)
        e = jnp.exp(l - m)
        probs_ref[...] = e / jnp.sum(e)


def kernel(x, edge_index, current_vertex_idx, W1, b1, W2, b2, W3, b3,
           Wp1, bp1, Wp2, bp2, Wp3, bp3, Wc, bc, Wl1, bl1, Wl2, bl2,
           Wl3, bl3, Wo, bo):
    N, D = x.shape
    E = edge_index.shape[1]
    R = -(-E // (_NW * _EL))
    EP = _NW * _EL * R
    TAB = -(-(N + 64) // (_NS * 16)) * (_NS * 16)
    stripe = TAB // _NS
    HALF = TAB // 2

    src = edge_index[0]
    dst = edge_index[1]
    padn = EP - E
    pad = (N + (jnp.arange(padn, dtype=jnp.int32) % 64)).astype(jnp.int32)
    srcb = jnp.concatenate([src, pad]).reshape(_NW, R, _EL)
    dstb = jnp.concatenate([dst, pad]).reshape(_NW, R, _EL)

    cur = jnp.asarray(current_vertex_idx, jnp.int32)
    cur1 = cur.reshape((1,))
    cur16 = jnp.full((16,), cur, jnp.int32)
    zh = jnp.zeros((16, HALF), jnp.float32)
    z4 = jnp.zeros((4, HALF), jnp.float32)
    z128 = jnp.zeros((stripe, 128), jnp.float32)
    rowid = (jnp.arange(4, dtype=jnp.int32)[:, None] * 16
             + jnp.arange(16, dtype=jnp.int32)[None, :])

    hist2 = _hist_kernel(TAB, R)(srcb, dstb, cur16, zh)

    red = pl.pallas_call(
        _histred_body,
        grid=(4,),
        in_specs=[pl.BlockSpec((1, _NS, 1, 16, HALF),
                               lambda i: (i % 2, 0, i // 2, 0, 0))],
        out_specs=pl.BlockSpec((4, HALF), lambda i: (0, 0)),
        out_shape=jax.ShapeDtypeStruct((4, HALF), jnp.float32),
    )(hist2)

    deg_col = red[0:2].reshape(TAB, 1)
    nb_col = red[2:4].reshape(TAB, 1)

    xs = pl.pallas_call(
        functools.partial(_prep_body, N, TAB),
        in_specs=[pl.BlockSpec(x.shape, lambda: (0, 0)),
                  pl.BlockSpec((TAB, 1), lambda: (0, 0))],
        out_specs=pl.BlockSpec((TAB, 128), lambda: (0, 0)),
        out_shape=jax.ShapeDtypeStruct((TAB, 128), jnp.float32),
    )(x, deg_col)

    agg2 = _agg_kernel(TAB, R)(xs, srcb, dstb, z128)

    RB = 2000 if N % 2000 == 0 else (1000 if N % 1000 == 0 else 8)
    G = N // RB
    full = lambda arr: pl.BlockSpec(arr.shape, lambda i: (0,) * arr.ndim)

    def wspecs(ws):
        return [w for w in ws], [pl.BlockSpec(w.shape, lambda i: (0, 0))
                                 for w in ws]

    wp_args, wp_specs = wspecs((Wp1, bp1.reshape(1, -1), Wp2,
                                bp2.reshape(1, -1), Wp3, bp3.reshape(1, -1)))
    scores = pl.pallas_call(
        functools.partial(_scores_body, RB, D),
        grid=(G,),
        in_specs=[pl.BlockSpec(memory_space=pltpu.SMEM), full(x)] + wp_specs,
        out_specs=pl.BlockSpec((RB, 1), lambda i: (i, 0)),
        out_shape=jax.ShapeDtypeStruct((N, 1), jnp.float32),
    )(cur1, x, *wp_args)

    wc_args, wc_specs = wspecs((Wc, bc.reshape(1, -1), Wl1,
                                bl1.reshape(1, -1), Wl2, bl2.reshape(1, -1),
                                Wl3, bl3.reshape(1, -1), Wo,
                                bo.reshape(1, -1)))
    probs, value = pl.pallas_call(
        functools.partial(_critic_body, RB, G),
        grid=(G + 1,),
        in_specs=[full(x), full(deg_col), full(agg2), full(nb_col),
                  full(scores)] + wc_specs,
        out_specs=(pl.BlockSpec((N, 1), lambda i: (0, 0)),
                   pl.BlockSpec((N, 1), lambda i: (0, 0))),
        out_shape=(jax.ShapeDtypeStruct((N, 1), jnp.float32),
                   jax.ShapeDtypeStruct((N, 1), jnp.float32)),
        scratch_shapes=[pltpu.VMEM((N, 1), jnp.float32)],
    )(x, deg_col, agg2, nb_col, scores, *wc_args)

    return probs[:, 0], value

# --- scband reference (transcript-rebuilt; emitter-appended) ---
"""Pipeline reference for scband-deep-ham-model-58222576664663 (READ-ONLY COPY).

The authoritative reference and input builder live on the scoring server;
editing this copy changes nothing except your own understanding.
"""

import jax, jax.numpy as jnp
import numpy as np

N = 10000
E = 320000
D = 128
EMB = 128
H = 256
ALPHA = 0.1


def _gcn(x, src, dst, W, b):
    n = x.shape[0]
    loop = jnp.arange(n, dtype=src.dtype)
    s = jnp.concatenate([src, loop])
    d = jnp.concatenate([dst, loop])
    deg = jnp.zeros((n,), x.dtype).at[d].add(1.0)
    dinv = jax.lax.rsqrt(jnp.maximum(deg, 1e-12))
    norm = dinv[s] * dinv[d]
    h = x @ W
    msg = jnp.take(h, s, axis=0) * norm[:, None]
    agg = jnp.zeros((n, W.shape[1]), x.dtype).at[d].add(msg)
    return agg + b


def _leaky(x):
    return jnp.where(x >= 0, x, ALPHA * x)


def _w(k, fi, fo):
    return jax.random.normal(k, (fi, fo), jnp.float32) / np.sqrt(fi)


def setup_inputs(seed: int = 0) -> dict:
    key = jax.random.key(seed)
    ks = jax.random.split(key, 30)
    inp = {}
    inp['x'] = jax.random.normal(ks[0], (N, D), jnp.float32)
    inp['edge_index'] = jax.random.randint(ks[1], (2, E), 0, N, dtype=jnp.int32)
    inp['current_vertex_idx'] = 42
    # actor GCN stack (note: outputs discarded by a bug in the original forward, kept faithful)
    inp['W1'] = _w(ks[2], D, EMB); inp['b1'] = jnp.zeros((EMB,), jnp.float32)
    inp['W2'] = _w(ks[3], EMB, EMB); inp['b2'] = jnp.zeros((EMB,), jnp.float32)
    inp['W3'] = _w(ks[4], EMB, EMB); inp['b3'] = jnp.zeros((EMB,), jnp.float32)
    # predictor MLP over [emb, emb[cur]] concat
    inp['Wp1'] = _w(ks[5], 2 * D, H); inp['bp1'] = jnp.zeros((H,), jnp.float32)
    inp['Wp2'] = _w(ks[6], H, H); inp['bp2'] = jnp.zeros((H,), jnp.float32)
    inp['Wp3'] = _w(ks[7], H, 1); inp['bp3'] = jnp.zeros((1,), jnp.float32)
    # critic: GCNConv(-1, 512) then MLP head
    inp['Wc'] = _w(ks[8], D, 512); inp['bc'] = jnp.zeros((512,), jnp.float32)
    inp['Wl1'] = _w(ks[9], 512, H); inp['bl1'] = jnp.zeros((H,), jnp.float32)
    inp['Wl2'] = _w(ks[10], H, H); inp['bl2'] = jnp.zeros((H,), jnp.float32)
    inp['Wl3'] = _w(ks[11], H, H); inp['bl3'] = jnp.zeros((H,), jnp.float32)
    inp['Wo'] = _w(ks[12], H, 1); inp['bo'] = jnp.zeros((1,), jnp.float32)
    return inp


def _forward(x, edge_index, cur, params):
    (W1, b1, W2, b2, W3, b3, Wp1, bp1, Wp2, bp2, Wp3, bp3,
     Wc, bc, Wl1, bl1, Wl2, bl2, Wl3, bl3, Wo, bo) = params
    src, dst = edge_index[0], edge_index[1]
    # actor GCN stack (result overwritten by vertices.tanh() in original code)
    e = jnp.tanh(_gcn(x, src, dst, W1, b1))
    e = jnp.tanh(_gcn(e, src, dst, W2, b2))
    e = _gcn(e, src, dst, W3, b3)
    emb = jnp.tanh(x)  # bug-faithful: embeddings replaced by tanh of raw vertices
    curv = jnp.take(emb, cur, axis=0)
    h = jnp.concatenate([emb, jnp.broadcast_to(curv[None, :], emb.shape)], axis=1)
    h = _leaky(h @ Wp1 + bp1)
    h = _leaky(h @ Wp2 + bp2)
    scores = (h @ Wp3 + bp3)[:, 0]
    nb = jnp.zeros((x.shape[0],), x.dtype).at[dst].add(jnp.where(src == cur, 1.0, 0.0))
    logits = jnp.where(nb > 0, scores, -1e9)
    probs = jax.nn.softmax(logits)
    # critic
    c = _gcn(x, src, dst, Wc, bc)
    c = _leaky(c @ Wl1 + bl1)
    c = _leaky(c @ Wl2 + bl2)
    c = _leaky(c @ Wl3 + bl3)
    value = c @ Wo + bo
    return probs, value


def reference(x, edge_index, current_vertex_idx, W1, b1, W2, b2, W3, b3, Wp1, bp1, Wp2, bp2, Wp3, bp3, Wc, bc, Wl1, bl1, Wl2, bl2, Wl3, bl3, Wo, bo):
    params = (W1, b1, W2, b2, W3, b3, Wp1, bp1, Wp2, bp2, Wp3, bp3,
              Wc, bc, Wl1, bl1, Wl2, bl2, Wl3, bl3, Wo, bo)
    return _forward(x, edge_index, current_vertex_idx, params)

if __name__ == "__main__":
    import jax
    _d = setup_inputs()
    print(jax.jit(kernel)(*tuple(_d.values())))

</pallas_src>

<mosaic_0001>
#map = affine_map<(d0, d1) -> (0, 0)>
#map1 = affine_map<(d0, d1) -> (0, 0, 0)>
module attributes {stable_mosaic.version = 14 : i64} {
  func.func @k(%arg0: i32, %arg1: i32, %arg2: memref<10240x128xf32, #tpu.memory_space<hbm>>, %arg3: memref<32x79x128xi32, #tpu.memory_space<hbm>>, %arg4: memref<32x79x128xi32, #tpu.memory_space<hbm>>, %arg5: memref<640x128xf32, #tpu.memory_space<hbm>>, %arg6: memref<2x10240x128xf32, #tpu.memory_space<hbm>>, %arg7: memref<40x128xi32, #tpu.memory_space<vmem>>, %arg8: memref<40x128xi32, #tpu.memory_space<vmem>>, %arg9: memref<128x128xf32, #tpu.memory_space<vmem>>, %arg10: memref<128x128xf32, #tpu.memory_space<vmem>>, %arg11: memref<!tpu.dma_semaphore, #tpu.memory_space<semaphore_mem>>, %arg12: memref<!tpu.dma_semaphore, #tpu.memory_space<semaphore_mem>>, %arg13: memref<10240x128xf32, #tpu.memory_space<vmem_shared>>) attributes {dimension_semantics = [#tpu.dimension_semantics<core_parallel>, #tpu.dimension_semantics<subcore_parallel>], iteration_bounds = array<i64: 2, 16>, scalar_prefetch = 0 : i64, scratch_operands = 7 : i64, tpu.core_type = #tpu.core_type<sc_vector_subcore>, window_params = [{transform_indices = #map}, {transform_indices = #map1}, {transform_indices = #map1}, {transform_indices = #map}, {transform_indices = #map1}]} {
    %mul3A = arith.constant 2 : i32
    %mul3A_0 = arith.muli %arg1, %mul3A : i32
    %add3A = arith.addi %mul3A_0, %arg0 : i32
    %mul3A_1 = arith.constant 640 : i32
    %mul3A_2 = arith.muli %arg1, %mul3A_1 : i32
    "tpu.region"() ({
      %run_scoped3A_59 = tpu.sem_alloc : memref<!tpu.dma_semaphore, #tpu.memory_space<semaphore_mem>>
      %dma_start3A_60 = arith.constant 0 : i32
      %dma_start3A_61 = tpu.memref_slice %arg13[%mul3A_2, %dma_start3A_60] : memref<10240x128xf32, #tpu.memory_space<vmem_shared>> -> memref<640x128xf32, #tpu.memory_space<vmem_shared>>
      tpu.enqueue_dma source(%arg5 : memref<640x128xf32, #tpu.memory_space<hbm>>) target(%dma_start3A_61 : memref<640x128xf32, #tpu.memory_space<vmem_shared>>) target_semaphore(%run_scoped3A_59 : memref<!tpu.dma_semaphore, #tpu.memory_space<semaphore_mem>>)
      %dma_wait3A_62 = arith.constant 0 : i32
      %dma_wait3A_63 = tpu.memref_slice %arg13[%mul3A_2, %dma_wait3A_62] : memref<10240x128xf32, #tpu.memory_space<vmem_shared>> -> memref<640x128xf32, #tpu.memory_space<vmem_shared>>
      tpu.wait_dma2 semaphore(%run_scoped3A_59 : memref<!tpu.dma_semaphore, #tpu.memory_space<semaphore_mem>>) src(%arg5 : memref<640x128xf32, #tpu.memory_space<hbm>>) dst(%dma_wait3A_63 : memref<640x128xf32, #tpu.memory_space<vmem_shared>>)
      tpu.yield
    }) : () -> ()
    %barrier3A = arith.constant 0 : index
    tpu.barrier barrier_id(%barrier3A)
    "tpu.region"() ({
      %run_scoped3A_59 = tpu.sem_alloc : memref<!tpu.dma_semaphore, #tpu.memory_space<semaphore_mem>>
      %dma_start3A_60 = arith.constant 0 : i32
      %dma_start3A_61 = arith.constant 0 : i32
      %dma_start3A_62 = tpu.memref_slice %arg7[%dma_start3A_60, %dma_start3A_61] : memref<40x128xi32, #tpu.memory_space<vmem>> -> memref<40x128xi32, #tpu.memory_space<vmem>>
      %dma_start3A_63 = arith.constant 0 : i32
      %dma_start3A_64 = arith.constant 0 : i32
      %dma_start3A_65 = tpu.memref_slice %arg3[%add3A, %dma_start3A_63, %dma_start3A_64] : memref<32x79x128xi32, #tpu.memory_space<hbm>> -> memref<1x79x128xi32, #tpu.memory_space<hbm>>
      %dma_start3A_66 = tpu.memref_squeeze %dma_start3A_65 : memref<1x79x128xi32, #tpu.memory_space<hbm>> -> memref<79x128xi32, #tpu.memory_space<hbm>>
      %dma_start3A_67 = arith.constant 0 : i32
      %dma_start3A_68 = arith.constant 0 : i32
      %dma_start3A_69 = tpu.memref_slice %dma_start3A_66[%dma_start3A_67, %dma_start3A_68] : memref<79x128xi32, #tpu.memory_space<hbm>> -> memref<40x128xi32, #tpu.memory_space<hbm>>
      %dma_start3A_70 = arith.constant 0 : i32
      %dma_start3A_71 = arith.constant 0 : i32
      %dma_start3A_72 = tpu.memref_slice %arg7[%dma_start3A_70, %dma_start3A_71] : memref<40x128xi32, #tpu.memory_space<vmem>> -> memref<40x128xi32, #tpu.memory_space<vmem>>
      %dma_start3A_73 = arith.constant 0 : i32
      %dma_start3A_74 = arith.constant 0 : i32
      %dma_start3A_75 = tpu.memref_slice %arg3[%add3A, %dma_start3A_73, %dma_start3A_74] : memref<32x79x128xi32, #tpu.memory_space<hbm>> -> memref<1x79x128xi32, #tpu.memory_space<hbm>>
      %dma_start3A_76 = tpu.memref_squeeze %dma_start3A_75 : memref<1x79x128xi32, #tpu.memory_space<hbm>> -> memref<79x128xi32, #tpu.memory_space<hbm>>
      %dma_start3A_77 = arith.constant 0 : i32
      %dma_start3A_78 = arith.constant 0 : i32
      %dma_start3A_79 = tpu.memref_slice %dma_start3A_76[%dma_start3A_77, %dma_start3A_78] : memref<79x128xi32, #tpu.memory_space<hbm>> -> memref<40x128xi32, #tpu.memory_space<hbm>>
      tpu.enqueue_dma source(%dma_start3A_79 : memref<40x128xi32, #tpu.memory_space<hbm>>) target(%dma_start3A_72 : memref<40x128xi32, #tpu.memory_space<vmem>>) target_semaphore(%run_scoped3A_59 : memref<!tpu.dma_semaphore, #tpu.memory_space<semaphore_mem>>)
      %dma_wait3A_80 = arith.constant 0 : i32
      %dma_wait3A_81 = arith.constant 0 : i32
      %dma_wait3A_82 = tpu.memref_slice %arg7[%dma_wait3A_80, %dma_wait3A_81] : memref<40x128xi32, #tpu.memory_space<vmem>> -> memref<40x128xi32, #tpu.memory_space<vmem>>
      %dma_wait3A_83 = arith.constant 0 : i32
      %dma_wait3A_84 = arith.constant 0 : i32
      %dma_wait3A_85 = tpu.memref_slice %arg3[%add3A, %dma_wait3A_83, %dma_wait3A_84] : memref<32x79x128xi32, #tpu.memory_space<hbm>> -> memref<1x79x128xi32, #tpu.memory_space<hbm>>
      %dma_wait3A_86 = tpu.memref_squeeze %dma_wait3A_85 : memref<1x79x128xi32, #tpu.memory_space<hbm>> -> memref<79x128xi32, #tpu.memory_space<hbm>>
      %dma_wait3A_87 = arith.constant 0 : i32
      %dma_wait3A_88 = arith.constant 0 : i32
      %dma_wait3A_89 = tpu.memref_slice %dma_wait3A_86[%dma_wait3A_87, %dma_wait3A_88] : memref<79x128xi32, #tpu.memory_space<hbm>> -> memref<40x128xi32, #tpu.memory_space<hbm>>
      %dma_wait3A_90 = arith.constant 0 : i32
      %dma_wait3A_91 = arith.constant 0 : i32
      %dma_wait3A_92 = tpu.memref_slice %arg7[%dma_wait3A_90, %dma_wait3A_91] : memref<40x128xi32, #tpu.memory_space<vmem>> -> memref<40x128xi32, #tpu.memory_space<vmem>>
      %dma_wait3A_93 = arith.constant 0 : i32
      %dma_wait3A_94 = arith.constant 0 : i32
      %dma_wait3A_95 = tpu.memref_slice %arg3[%add3A, %dma_wait3A_93, %dma_wait3A_94] : memref<32x79x128xi32, #tpu.memory_space<hbm>> -> memref<1x79x128xi32, #tpu.memory_space<hbm>>
      %dma_wait3A_96 = tpu.memref_squeeze %dma_wait3A_95 : memref<1x79x128xi32, #tpu.memory_space<hbm>> -> memref<79x128xi32, #tpu.memory_space<hbm>>
      %dma_wait3A_97 = arith.constant 0 : i32
      %dma_wait3A_98 = arith.constant 0 : i32
      %dma_wait3A_99 = tpu.memref_slice %dma_wait3A_96[%dma_wait3A_97, %dma_wait3A_98] : memref<79x128xi32, #tpu.memory_space<hbm>> -> memref<40x128xi32, #tpu.memory_space<hbm>>
      tpu.wait_dma2 semaphore(%run_scoped3A_59 : memref<!tpu.dma_semaphore, #tpu.memory_space<semaphore_mem>>) src(%dma_wait3A_99 : memref<40x128xi32, #tpu.memory_space<hbm>>) dst(%dma_wait3A_92 : memref<40x128xi32, #tpu.memory_space<vmem>>)
      tpu.yield
    }) : () -> ()
    "tpu.region"() ({
      %run_scoped3A_59 = tpu.sem_alloc : memref<!tpu.dma_semaphore, #tpu.memory_space<semaphore_mem>>
      %dma_start3A_60 = arith.constant 0 : i32
      %dma_start3A_61 = arith.constant 0 : i32
      %dma_start3A_62 = tpu.memref_slice %arg8[%dma_start3A_60, %dma_start3A_61] : memref<40x128xi32, #tpu.memory_space<vmem>> -> memref<40x128xi32, #tpu.memory_space<vmem>>
      %dma_start3A_63 = arith.constant 0 : i32
      %dma_start3A_64 = arith.constant 0 : i32
      %dma_start3A_65 = tpu.memref_slice %arg4[%add3A, %dma_start3A_63, %dma_start3A_64] : memref<32x79x128xi32, #tpu.memory_space<hbm>> -> memref<1x79x128xi32, #tpu.memory_space<hbm>>
      %dma_start3A_66 = tpu.memref_squeeze %dma_start3A_65 : memref<1x79x128xi32, #tpu.memory_space<hbm>> -> memref<79x128xi32, #tpu.memory_space<hbm>>
      %dma_start3A_67 = arith.constant 0 : i32
      %dma_start3A_68 = arith.constant 0 : i32
      %dma_start3A_69 = tpu.memref_slice %dma_start3A_66[%dma_start3A_67, %dma_start3A_68] : memref<79x128xi32, #tpu.memory_space<hbm>> -> memref<40x128xi32, #tpu.memory_space<hbm>>
      %dma_start3A_70 = arith.constant 0 : i32
      %dma_start3A_71 = arith.constant 0 : i32
      %dma_start3A_72 = tpu.memref_slice %arg8[%dma_start3A_70, %dma_start3A_71] : memref<40x128xi32, #tpu.memory_space<vmem>> -> memref<40x128xi32, #tpu.memory_space<vmem>>
      %dma_start3A_73 = arith.constant 0 : i32
      %dma_start3A_74 = arith.constant 0 : i32
      %dma_start3A_75 = tpu.memref_slice %arg4[%add3A, %dma_start3A_73, %dma_start3A_74] : memref<32x79x128xi32, #tpu.memory_space<hbm>> -> memref<1x79x128xi32, #tpu.memory_space<hbm>>
      %dma_start3A_76 = tpu.memref_squeeze %dma_start3A_75 : memref<1x79x128xi32, #tpu.memory_space<hbm>> -> memref<79x128xi32, #tpu.memory_space<hbm>>
      %dma_start3A_77 = arith.constant 0 : i32
      %dma_start3A_78 = arith.constant 0 : i32
      %dma_start3A_79 = tpu.memref_slice %dma_start3A_76[%dma_start3A_77, %dma_start3A_78] : memref<79x128xi32, #tpu.memory_space<hbm>> -> memref<40x128xi32, #tpu.memory_space<hbm>>
      tpu.enqueue_dma source(%dma_start3A_79 : memref<40x128xi32, #tpu.memory_space<hbm>>) target(%dma_start3A_72 : memref<40x128xi32, #tpu.memory_space<vmem>>) target_semaphore(%run_scoped3A_59 : memref<!tpu.dma_semaphore, #tpu.memory_space<semaphore_mem>>)
      %dma_wait3A_80 = arith.constant 0 : i32
      %dma_wait3A_81 = arith.constant 0 : i32
      %dma_wait3A_82 = tpu.memref_slice %arg8[%dma_wait3A_80, %dma_wait3A_81] : memref<40x128xi32, #tpu.memory_space<vmem>> -> memref<40x128xi32, #tpu.memory_space<vmem>>
      %dma_wait3A_83 = arith.constant 0 : i32
      %dma_wait3A_84 = arith.constant 0 : i32
      %dma_wait3A_85 = tpu.memref_slice %arg4[%add3A, %dma_wait3A_83, %dma_wait3A_84] : memref<32x79x128xi32, #tpu.memory_space<hbm>> -> memref<1x79x128xi32, #tpu.memory_space<hbm>>
      %dma_wait3A_86 = tpu.memref_squeeze %dma_wait3A_85 : memref<1x79x128xi32, #tpu.memory_space<hbm>> -> memref<79x128xi32, #tpu.memory_space<hbm>>
      %dma_wait3A_87 = arith.constant 0 : i32
      %dma_wait3A_88 = arith.constant 0 : i32
      %dma_wait3A_89 = tpu.memref_slice %dma_wait3A_86[%dma_wait3A_87, %dma_wait3A_88] : memref<79x128xi32, #tpu.memory_space<hbm>> -> memref<40x128xi32, #tpu.memory_space<hbm>>
      %dma_wait3A_90 = arith.constant 0 : i32
      %dma_wait3A_91 = arith.constant 0 : i32
      %dma_wait3A_92 = tpu.memref_slice %arg8[%dma_wait3A_90, %dma_wait3A_91] : memref<40x128xi32, #tpu.memory_space<vmem>> -> memref<40x128xi32, #tpu.memory_space<vmem>>
      %dma_wait3A_93 = arith.constant 0 : i32
      %dma_wait3A_94 = arith.constant 0 : i32
      %dma_wait3A_95 = tpu.memref_slice %arg4[%add3A, %dma_wait3A_93, %dma_wait3A_94] : memref<32x79x128xi32, #tpu.memory_space<hbm>> -> memref<1x79x128xi32, #tpu.memory_space<hbm>>
      %dma_wait3A_96 = tpu.memref_squeeze %dma_wait3A_95 : memref<1x79x128xi32, #tpu.memory_space<hbm>> -> memref<79x128xi32, #tpu.memory_space<hbm>>
      %dma_wait3A_97 = arith.constant 0 : i32
      %dma_wait3A_98 = arith.constant 0 : i32
      %dma_wait3A_99 = tpu.memref_slice %dma_wait3A_96[%dma_wait3A_97, %dma_wait3A_98] : memref<79x128xi32, #tpu.memory_space<hbm>> -> memref<40x128xi32, #tpu.memory_space<hbm>>
      tpu.wait_dma2 semaphore(%run_scoped3A_59 : memref<!tpu.dma_semaphore, #tpu.memory_space<semaphore_mem>>) src(%dma_wait3A_99 : memref<40x128xi32, #tpu.memory_space<hbm>>) dst(%dma_wait3A_92 : memref<40x128xi32, #tpu.memory_space<vmem>>)
      tpu.yield
    }) : () -> ()
    %dma_start3A = arith.constant 0 : i32
    %dma_start3A_3 = arith.constant 0 : i32
    %dma_start3A_4 = tpu.memref_slice %arg7[%dma_start3A, %dma_start3A_3] : memref<40x128xi32, #tpu.memory_space<vmem>> -> memref<1x128xi32, #tpu.memory_space<vmem>>
    %dma_start3A_5 = tpu.memref_squeeze %dma_start3A_4 : memref<1x128xi32, #tpu.memory_space<vmem>> -> memref<128xi32, #tpu.memory_space<vmem>>
    %dma_start3A_6 = arith.constant 0 : i32
    %dma_start3A_7 = arith.constant 0 : i32
    %dma_start3A_8 = tpu.memref_slice %arg2[%dma_start3A_6, %dma_start3A_7] : memref<10240x128xf32, #tpu.memory_space<hbm>> -> memref<10240x128xf32, #tpu.memory_space<hbm>>
    tpu.enqueue_indirect_dma source(%dma_start3A_8 : memref<10240x128xf32, #tpu.memory_space<hbm>>) target(%arg9 : memref<128x128xf32, #tpu.memory_space<vmem>>) offsets(%dma_start3A_5 : memref<128xi32, #tpu.memory_space<vmem>>) semaphore(%arg11 : memref<!tpu.dma_semaphore, #tpu.memory_space<semaphore_mem>>)
    %dma_wait3A = arith.constant 0 : i32
    %dma_wait3A_9 = arith.constant 0 : i32
    %dma_wait3A_10 = tpu.memref_slice %arg7[%dma_wait3A, %dma_wait3A_9] : memref<40x128xi32, #tpu.memory_space<vmem>> -> memref<1x128xi32, #tpu.memory_space<vmem>>
    %dma_wait3A_11 = tpu.memref_squeeze %dma_wait3A_10 : memref<1x128xi32, #tpu.memory_space<vmem>> -> memref<128xi32, #tpu.memory_space<vmem>>
    %dma_wait3A_12 = arith.constant 0 : i32
    %dma_wait3A_13 = arith.constant 0 : i32
    %dma_wait3A_14 = tpu.memref_slice %arg2[%dma_wait3A_12, %dma_wait3A_13] : memref<10240x128xf32, #tpu.memory_space<hbm>> -> memref<10240x128xf32, #tpu.memory_space<hbm>>
    tpu.wait_indirect_dma semaphore(%arg11 : memref<!tpu.dma_semaphore, #tpu.memory_space<semaphore_mem>>) src(%dma_wait3A_14 : memref<10240x128xf32, #tpu.memory_space<hbm>>) dst(%arg9 : memref<128x128xf32, #tpu.memory_space<vmem>>)
    %run_scoped3A = arith.constant 0 : i32
    "tpu.region"() ({
      %run_scoped3A_59 = tpu.sem_alloc : memref<!tpu.dma_semaphore, #tpu.memory_space<semaphore_mem>>
      %dma_start3A_60 = arith.constant 0 : i32
      %dma_start3A_61 = tpu.memref_slice %arg8[%run_scoped3A, %dma_start3A_60] : memref<40x128xi32, #tpu.memory_space<vmem>> -> memref<1x128xi32, #tpu.memory_space<vmem>>
      %dma_start3A_62 = tpu.memref_squeeze %dma_start3A_61 : memref<1x128xi32, #tpu.memory_space<vmem>> -> memref<128xi32, #tpu.memory_space<vmem>>
      %dma_start3A_63 = arith.constant 0 : i32
      %dma_start3A_64 = arith.constant 0 : i32
      %dma_start3A_65 = tpu.memref_slice %arg13[%dma_start3A_63, %dma_start3A_64] : memref<10240x128xf32, #tpu.memory_space<vmem_shared>> -> memref<10240x128xf32, #tpu.memory_space<vmem_shared>>
      tpu.enqueue_indirect_dma source(%arg9 : memref<128x128xf32, #tpu.memory_space<vmem>>) target(%dma_start3A_65 : memref<10240x128xf32, #tpu.memory_space<vmem_shared>>) offsets(%dma_start3A_62 : memref<128xi32, #tpu.memory_space<vmem>>) semaphore(%run_scoped3A_59 : memref<!tpu.dma_semaphore, #tpu.memory_space<semaphore_mem>>) {add = true}
      %dma_wait3A_66 = arith.constant 0 : i32
      %dma_wait3A_67 = tpu.memref_slice %arg8[%run_scoped3A, %dma_wait3A_66] : memref<40x128xi32, #tpu.memory_space<vmem>> -> memref<1x128xi32, #tpu.memory_space<vmem>>
      %dma_wait3A_68 = tpu.memref_squeeze %dma_wait3A_67 : memref<1x128xi32, #tpu.memory_space<vmem>> -> memref<128xi32, #tpu.memory_space<vmem>>
      %dma_wait3A_69 = arith.constant 0 : i32
      %dma_wait3A_70 = arith.constant 0 : i32
      %dma_wait3A_71 = tpu.memref_slice %arg13[%dma_wait3A_69, %dma_wait3A_70] : memref<10240x128xf32, #tpu.memory_space<vmem_shared>> -> memref<10240x128xf32, #tpu.memory_space<vmem_shared>>
      tpu.wait_indirect_dma semaphore(%run_scoped3A_59 : memref<!tpu.dma_semaphore, #tpu.memory_space<semaphore_mem>>) src(%arg9 : memref<128x128xf32, #tpu.memory_space<vmem>>) dst(%dma_wait3A_71 : memref<10240x128xf32, #tpu.memory_space<vmem_shared>>)
      tpu.yield
    }) : () -> ()
    %dma_start3A_15 = arith.constant 1 : i32
    %dma_start3A_16 = arith.constant 0 : i32
    %dma_start3A_17 = tpu.memref_slice %arg7[%dma_start3A_15, %dma_start3A_16] : memref<40x128xi32, #tpu.memory_space<vmem>> -> memref<1x128xi32, #tpu.memory_space<vmem>>
    %dma_start3A_18 = tpu.memref_squeeze %dma_start3A_17 : memref<1x128xi32, #tpu.memory_space<vmem>> -> memref<128xi32, #tpu.memory_space<vmem>>
    %dma_start3A_19 = arith.constant 0 : i32
    %dma_start3A_20 = arith.constant 0 : i32
    %dma_start3A_21 = tpu.memref_slice %arg2[%dma_start3A_19, %dma_start3A_20] : memref<10240x128xf32, #tpu.memory_space<hbm>> -> memref<10240x128xf32, #tpu.memory_space<hbm>>
    tpu.enqueue_indirect_dma source(%dma_start3A_21 : memref<10240x128xf32, #tpu.memory_space<hbm>>) target(%arg9 : memref<128x128xf32, #tpu.memory_space<vmem>>) offsets(%dma_start3A_18 : memref<128xi32, #tpu.memory_space<vmem>>) semaphore(%arg11 : memref<!tpu.dma_semaphore, #tpu.memory_space<semaphore_mem>>)
    %scan3A = arith.constant 0 : i32
    %scan3A_22 = arith.constant 19 : i32
    %scan3A_23 = arith.addi %scan3A, %scan3A_22 : i32
    %scan3A_24 = arith.constant 1 : i32
    scf.for %scan3A_59 = %scan3A to %scan3A_23 step %scan3A_24  : i32 {
      %mul3A_60 = arith.constant 1 : i32
      %mul3A_61 = arith.muli %scan3A_59, %mul3A_60 : i32
      %add3A_62 = arith.constant 0 : i32
      %add3A_63 = arith.addi %add3A_62, %mul3A_61 : i32
      %mul3A_64 = arith.constant 2 : i32
      %mul3A_65 = arith.muli %mul3A_64, %add3A_63 : i32
      %add3A_66 = arith.constant 1 : i32
      %add3A_67 = arith.addi %add3A_66, %mul3A_65 : i32
      %add3A_68 = arith.constant 1 : i32
      %add3A_69 = arith.addi %add3A_67, %add3A_68 : i32
      %dma_start3A_70 = arith.constant 0 : i32
      %dma_start3A_71 = tpu.memref_slice %arg7[%add3A_69, %dma_start3A_70] : memref<40x128xi32, #tpu.memory_space<vmem>> -> memref<1x128xi32, #tpu.memory_space<vmem>>
      %dma_start3A_72 = tpu.memref_squeeze %dma_start3A_71 : memref<1x128xi32, #tpu.memory_space<vmem>> -> memref<128xi32, #tpu.memory_space<vmem>>
      %dma_start3A_73 = arith.constant 0 : i32
      %dma_start3A_74 = arith.constant 0 : i32
      %dma_start3A_75 = tpu.memref_slice %arg2[%dma_start3A_73, %dma_start3A_74] : memref<10240x128xf32, #tpu.memory_space<hbm>> -> memref<10240x128xf32, #tpu.memory_space<hbm>>
      tpu.enqueue_indirect_dma source(%dma_start3A_75 : memref<10240x128xf32, #tpu.memory_space<hbm>>) target(%arg10 : memref<128x128xf32, #tpu.memory_space<vmem>>) offsets(%dma_start3A_72 : memref<128xi32, #tpu.memory_space<vmem>>) semaphore(%arg12 : memref<!tpu.dma_semaphore, #tpu.memory_space<semaphore_mem>>)
      %dma_wait3A_76 = arith.constant 0 : i32
      %dma_wait3A_77 = tpu.memref_slice %arg7[%add3A_67, %dma_wait3A_76] : memref<40x128xi32, #tpu.memory_space<vmem>> -> memref<1x128xi32, #tpu.memory_space<vmem>>
      %dma_wait3A_78 = tpu.memref_squeeze %dma_wait3A_77 : memref<1x128xi32, #tpu.memory_space<vmem>> -> memref<128xi32, #tpu.memory_space<vmem>>
      %dma_wait3A_79 = arith.constant 0 : i32
      %dma_wait3A_80 = arith.constant 0 : i32
      %dma_wait3A_81 = tpu.memref_slice %arg2[%dma_wait3A_79, %dma_wait3A_80] : memref<10240x128xf32, #tpu.memory_space<hbm>> -> memref<10240x128xf32, #tpu.memory_space<hbm>>
      tpu.wait_indirect_dma semaphore(%arg11 : memref<!tpu.dma_semaphore, #tpu.memory_space<semaphore_mem>>) src(%dma_wait3A_81 : memref<10240x128xf32, #tpu.memory_space<hbm>>) dst(%arg9 : memref<128x128xf32, #tpu.memory_space<vmem>>)
      "tpu.region"() ({
        %run_scoped3A_100 = tpu.sem_alloc : memref<!tpu.dma_semaphore, #tpu.memory_space<semaphore_mem>>
        %dma_start3A_101 = arith.constant 0 : i32
        %dma_start3A_102 = tpu.memref_slice %arg8[%add3A_67, %dma_start3A_101] : memref<40x128xi32, #tpu.memory_space<vmem>> -> memref<1x128xi32, #tpu.memory_space<vmem>>
        %dma_start3A_103 = tpu.memref_squeeze %dma_start3A_102 : memref<1x128xi32, #tpu.memory_space<vmem>> -> memref<128xi32, #tpu.memory_space<vmem>>
        %dma_start3A_104 = arith.constant 0 : i32
        %dma_start3A_105 = arith.constant 0 : i32
        %dma_start3A_106 = tpu.memref_slice %arg13[%dma_start3A_104, %dma_start3A_105] : memref<10240x128xf32, #tpu.memory_space<vmem_shared>> -> memref<10240x128xf32, #tpu.memory_space<vmem_shared>>
        tpu.enqueue_indirect_dma source(%arg9 : memref<128x128xf32, #tpu.memory_space<vmem>>) target(%dma_start3A_106 : memref<10240x128xf32, #tpu.memory_space<vmem_shared>>) offsets(%dma_start3A_103 : memref<128xi32, #tpu.memory_space<vmem>>) semaphore(%run_scoped3A_100 : memref<!tpu.dma_semaphore, #tpu.memory_space<semaphore_mem>>) {add = true}
        %dma_wait3A_107 = arith.constant 0 : i32
        %dma_wait3A_108 = tpu.memref_slice %arg8[%add3A_67, %dma_wait3A_107] : memref<40x128xi32, #tpu.memory_space<vmem>> -> memref<1x128xi32, #tpu.memory_space<vmem>>
        %dma_wait3A_109 = tpu.memref_squeeze %dma_wait3A_108 : memref<1x128xi32, #tpu.memory_space<vmem>> -> memref<128xi32, #tpu.memory_space<vmem>>
        %dma_wait3A_110 = arith.constant 0 : i32
        %dma_wait3A_111 = arith.constant 0 : i32
        %dma_wait3A_112 = tpu.memref_slice %arg13[%dma_wait3A_110, %dma_wait3A_111] : memref<10240x128xf32, #tpu.memory_space<vmem_shared>> -> memref<10240x128xf32, #tpu.memory_space<vmem_shared>>
        tpu.wait_indirect_dma semaphore(%run_scoped3A_100 : memref<!tpu.dma_semaphore, #tpu.memory_space<semaphore_mem>>) src(%arg9 : memref<128x128xf32, #tpu.memory_space<vmem>>) dst(%dma_wait3A_112 : memref<10240x128xf32, #tpu.memory_space<vmem_shared>>)
        tpu.yield
      }) : () -> ()
      %add3A_82 = arith.constant 2 : i32
      %add3A_83 = arith.addi %add3A_67, %add3A_82 : i32
      %dma_start3A_84 = arith.constant 0 : i32
      %dma_start3A_85 = tpu.memref_slice %arg7[%add3A_83, %dma_start3A_84] : memref<40x128xi32, #tpu.memory_space<vmem>> -> memref<1x128xi32, #tpu.memory_space<vmem>>
      %dma_start3A_86 = tpu.memref_squeeze %dma_start3A_85 : memref<1x128xi32, #tpu.memory_space<vmem>> -> memref<128xi32, #tpu.memory_space<vmem>>
      %dma_start3A_87 = arith.constant 0 : i32
      %dma_start3A_88 = arith.constant 0 : i32
      %dma_start3A_89 = tpu.memref_slice %arg2[%dma_start3A_87, %dma_start3A_88] : memref<10240x128xf32, #tpu.memory_space<hbm>> -> memref<10240x128xf32, #tpu.memory_space<hbm>>
      tpu.enqueue_indirect_dma source(%dma_start3A_89 : memref<10240x128xf32, #tpu.memory_space<hbm>>) target(%arg9 : memref<128x128xf32, #tpu.memory_space<vmem>>) offsets(%dma_start3A_86 : memref<128xi32, #tpu.memory_space<vmem>>) semaphore(%arg11 : memref<!tpu.dma_semaphore, #tpu.memory_space<semaphore_mem>>)
      %add3A_90 = arith.constant 1 : i32
      %add3A_91 = arith.addi %add3A_67, %add3A_90 : i32
      %dma_wait3A_92 = arith.constant 0 : i32
      %dma_wait3A_93 = tpu.memref_slice %arg7[%add3A_91, %dma_wait3A_92] : memref<40x128xi32, #tpu.memory_space<vmem>> -> memref<1x128xi32, #tpu.memory_space<vmem>>
      %dma_wait3A_94 = tpu.memref_squeeze %dma_wait3A_93 : memref<1x128xi32, #tpu.memory_space<vmem>> -> memref<128xi32, #tpu.memory_space<vmem>>
      %dma_wait3A_95 = arith.constant 0 : i32
      %dma_wait3A_96 = arith.constant 0 : i32
      %dma_wait3A_97 = tpu.memref_slice %arg2[%dma_wait3A_95, %dma_wait3A_96] : memref<10240x128xf32, #tpu.memory_space<hbm>> -> memref<10240x128xf32, #tpu.memory_space<hbm>>
      tpu.wait_indirect_dma semaphore(%arg12 : memref<!tpu.dma_semaphore, #tpu.memory_space<semaphore_mem>>) src(%dma_wait3A_97 : memref<10240x128xf32, #tpu.memory_space<hbm>>) dst(%arg10 : memref<128x128xf32, #tpu.memory_space<vmem>>)
      %add3A_98 = arith.constant 1 : i32
      %add3A_99 = arith.addi %add3A_67, %add3A_98 : i32
      "tpu.region"() ({
        %run_scoped3A_100 = tpu.sem_alloc : memref<!tpu.dma_semaphore, #tpu.memory_space<semaphore_mem>>
        %dma_start3A_101 = arith.constant 0 : i32
        %dma_start3A_102 = tpu.memref_slice %arg8[%add3A_99, %dma_start3A_101] : memref<40x128xi32, #tpu.memory_space<vmem>> -> memref<1x128xi32, #tpu.memory_space<vmem>>
        %dma_start3A_103 = tpu.memref_squeeze %dma_start3A_102 : memref<1x128xi32, #tpu.memory_space<vmem>> -> memref<128xi32, #tpu.memory_space<vmem>>
        %dma_start3A_104 = arith.constant 0 : i32
        %dma_start3A_105 = arith.constant 0 : i32
        %dma_start3A_106 = tpu.memref_slice %arg13[%dma_start3A_104, %dma_start3A_105] : memref<10240x128xf32, #tpu.memory_space<vmem_shared>> -> memref<10240x128xf32, #tpu.memory_space<vmem_shared>>
        tpu.enqueue_indirect_dma source(%arg10 : memref<128x128xf32, #tpu.memory_space<vmem>>) target(%dma_start3A_106 : memref<10240x128xf32, #tpu.memory_space<vmem_shared>>) offsets(%dma_start3A_103 : memref<128xi32, #tpu.memory_space<vmem>>) semaphore(%run_scoped3A_100 : memref<!tpu.dma_semaphore, #tpu.memory_space<semaphore_mem>>) {add = true}
        %dma_wait3A_107 = arith.constant 0 : i32
        %dma_wait3A_108 = tpu.memref_slice %arg8[%add3A_99, %dma_wait3A_107] : memref<40x128xi32, #tpu.memory_space<vmem>> -> memref<1x128xi32, #tpu.memory_space<vmem>>
        %dma_wait3A_109 = tpu.memref_squeeze %dma_wait3A_108 : memref<1x128xi32, #tpu.memory_space<vmem>> -> memref<128xi32, #tpu.memory_space<vmem>>
        %dma_wait3A_110 = arith.constant 0 : i32
        %dma_wait3A_111 = arith.constant 0 : i32
        %dma_wait3A_112 = tpu.memref_slice %arg13[%dma_wait3A_110, %dma_wait3A_111] : memref<10240x128xf32, #tpu.memory_space<vmem_shared>> -> memref<10240x128xf32, #tpu.memory_space<vmem_shared>>
        tpu.wait_indirect_dma semaphore(%run_scoped3A_100 : memref<!tpu.dma_semaphore, #tpu.memory_space<semaphore_mem>>) src(%arg10 : memref<128x128xf32, #tpu.memory_space<vmem>>) dst(%dma_wait3A_112 : memref<10240x128xf32, #tpu.memory_space<vmem_shared>>)
        tpu.yield
      }) : () -> ()
    }
    %scan3A_25 = arith.constant 19 : i32
    %dma_wait3A_26 = arith.constant 39 : i32
    %dma_wait3A_27 = arith.constant 0 : i32
    %dma_wait3A_28 = tpu.memref_slice %arg7[%dma_wait3A_26, %dma_wait3A_27] : memref<40x128xi32, #tpu.memory_space<vmem>> -> memref<1x128xi32, #tpu.memory_space<vmem>>
    %dma_wait3A_29 = tpu.memref_squeeze %dma_wait3A_28 : memref<1x128xi32, #tpu.memory_space<vmem>> -> memref<128xi32, #tpu.memory_space<vmem>>
    %dma_wait3A_30 = arith.constant 0 : i32
    %dma_wait3A_31 = arith.constant 0 : i32
    %dma_wait3A_32 = tpu.memref_slice %arg2[%dma_wait3A_30, %dma_wait3A_31] : memref<10240x128xf32, #tpu.memory_space<hbm>> -> memref<10240x128xf32, #tpu.memory_space<hbm>>
    tpu.wait_indirect_dma semaphore(%arg11 : memref<!tpu.dma_semaphore, #tpu.memory_space<semaphore_mem>>) src(%dma_wait3A_32 : memref<10240x128xf32, #tpu.memory_space<hbm>>) dst(%arg9 : memref<128x128xf32, #tpu.memory_space<vmem>>)
    %run_scoped3A_33 = arith.constant 39 : i32
    "tpu.region"() ({
      %run_scoped3A_59 = tpu.sem_alloc : memref<!tpu.dma_semaphore, #tpu.memory_space<semaphore_mem>>
      %dma_start3A_60 = arith.constant 0 : i32
      %dma_start3A_61 = tpu.memref_slice %arg8[%run_scoped3A_33, %dma_start3A_60] : memref<40x128xi32, #tpu.memory_space<vmem>> -> memref<1x128xi32, #tpu.memory_space<vmem>>
      %dma_start3A_62 = tpu.memref_squeeze %dma_start3A_61 : memref<1x128xi32, #tpu.memory_space<vmem>> -> memref<128xi32, #tpu.memory_space<vmem>>
      %dma_start3A_63 = arith.constant 0 : i32
      %dma_start3A_64 = arith.constant 0 : i32
      %dma_start3A_65 = tpu.memref_slice %arg13[%dma_start3A_63, %dma_start3A_64] : memref<10240x128xf32, #tpu.memory_space<vmem_shared>> -> memref<10240x128xf32, #tpu.memory_space<vmem_shared>>
      tpu.enqueue_indirect_dma source(%arg9 : memref<128x128xf32, #tpu.memory_space<vmem>>) target(%dma_start3A_65 : memref<10240x128xf32, #tpu.memory_space<vmem_shared>>) offsets(%dma_start3A_62 : memref<128xi32, #tpu.memory_space<vmem>>) semaphore(%run_scoped3A_59 : memref<!tpu.dma_semaphore, #tpu.memory_space<semaphore_mem>>) {add = true}
      %dma_wait3A_66 = arith.constant 0 : i32
      %dma_wait3A_67 = tpu.memref_slice %arg8[%run_scoped3A_33, %dma_wait3A_66] : memref<40x128xi32, #tpu.memory_space<vmem>> -> memref<1x128xi32, #tpu.memory_space<vmem>>
      %dma_wait3A_68 = tpu.memref_squeeze %dma_wait3A_67 : memref<1x128xi32, #tpu.memory_space<vmem>> -> memref<128xi32, #tpu.memory_space<vmem>>
      %dma_wait3A_69 = arith.constant 0 : i32
      %dma_wait3A_70 = arith.constant 0 : i32
      %dma_wait3A_71 = tpu.memref_slice %arg13[%dma_wait3A_69, %dma_wait3A_70] : memref<10240x128xf32, #tpu.memory_space<vmem_shared>> -> memref<10240x128xf32, #tpu.memory_space<vmem_shared>>
      tpu.wait_indirect_dma semaphore(%run_scoped3A_59 : memref<!tpu.dma_semaphore, #tpu.memory_space<semaphore_mem>>) src(%arg9 : memref<128x128xf32, #tpu.memory_space<vmem>>) dst(%dma_wait3A_71 : memref<10240x128xf32, #tpu.memory_space<vmem_shared>>)
      tpu.yield
    }) : () -> ()
    "tpu.region"() ({
      %run_scoped3A_59 = tpu.sem_alloc : memref<!tpu.dma_semaphore, #tpu.memory_space<semaphore_mem>>
      %dma_start3A_60 = arith.constant 0 : i32
      %dma_start3A_61 = arith.constant 0 : i32
      %dma_start3A_62 = tpu.memref_slice %arg7[%dma_start3A_60, %dma_start3A_61] : memref<40x128xi32, #tpu.memory_space<vmem>> -> memref<39x128xi32, #tpu.memory_space<vmem>>
      %dma_start3A_63 = arith.constant 0 : i32
      %dma_start3A_64 = arith.constant 0 : i32
      %dma_start3A_65 = tpu.memref_slice %arg3[%add3A, %dma_start3A_63, %dma_start3A_64] : memref<32x79x128xi32, #tpu.memory_space<hbm>> -> memref<1x79x128xi32, #tpu.memory_space<hbm>>
      %dma_start3A_66 = tpu.memref_squeeze %dma_start3A_65 : memref<1x79x128xi32, #tpu.memory_space<hbm>> -> memref<79x128xi32, #tpu.memory_space<hbm>>
      %dma_start3A_67 = arith.constant 40 : i32
      %dma_start3A_68 = arith.constant 0 : i32
      %dma_start3A_69 = tpu.memref_slice %dma_start3A_66[%dma_start3A_67, %dma_start3A_68] : memref<79x128xi32, #tpu.memory_space<hbm>> -> memref<39x128xi32, #tpu.memory_space<hbm>>
      %dma_start3A_70 = arith.constant 0 : i32
      %dma_start3A_71 = arith.constant 0 : i32
      %dma_start3A_72 = tpu.memref_slice %arg7[%dma_start3A_70, %dma_start3A_71] : memref<40x128xi32, #tpu.memory_space<vmem>> -> memref<39x128xi32, #tpu.memory_space<vmem>>
      %dma_start3A_73 = arith.constant 0 : i32
      %dma_start3A_74 = arith.constant 0 : i32
      %dma_start3A_75 = tpu.memref_slice %arg3[%add3A, %dma_start3A_73, %dma_start3A_74] : memref<32x79x128xi32, #tpu.memory_space<hbm>> -> memref<1x79x128xi32, #tpu.memory_space<hbm>>
      %dma_start3A_76 = tpu.memref_squeeze %dma_start3A_75 : memref<1x79x128xi32, #tpu.memory_space<hbm>> -> memref<79x128xi32, #tpu.memory_space<hbm>>
      %dma_start3A_77 = arith.constant 40 : i32
      %dma_start3A_78 = arith.constant 0 : i32
      %dma_start3A_79 = tpu.memref_slice %dma_start3A_76[%dma_start3A_77, %dma_start3A_78] : memref<79x128xi32, #tpu.memory_space<hbm>> -> memref<39x128xi32, #tpu.memory_space<hbm>>
      tpu.enqueue_dma source(%dma_start3A_79 : memref<39x128xi32, #tpu.memory_space<hbm>>) target(%dma_start3A_72 : memref<39x128xi32, #tpu.memory_space<vmem>>) target_semaphore(%run_scoped3A_59 : memref<!tpu.dma_semaphore, #tpu.memory_space<semaphore_mem>>)
      %dma_wait3A_80 = arith.constant 0 : i32
      %dma_wait3A_81 = arith.constant 0 : i32
      %dma_wait3A_82 = tpu.memref_slice %arg7[%dma_wait3A_80, %dma_wait3A_81] : memref<40x128xi32, #tpu.memory_space<vmem>> -> memref<39x128xi32, #tpu.memory_space<vmem>>
      %dma_wait3A_83 = arith.constant 0 : i32
      %dma_wait3A_84 = arith.constant 0 : i32
      %dma_wait3A_85 = tpu.memref_slice %arg3[%add3A, %dma_wait3A_83, %dma_wait3A_84] : memref<32x79x128xi32, #tpu.memory_space<hbm>> -> memref<1x79x128xi32, #tpu.memory_space<hbm>>
      %dma_wait3A_86 = tpu.memref_squeeze %dma_wait3A_85 : memref<1x79x128xi32, #tpu.memory_space<hbm>> -> memref<79x128xi32, #tpu.memory_space<hbm>>
      %dma_wait3A_87 = arith.constant 40 : i32
      %dma_wait3A_88 = arith.constant 0 : i32
      %dma_wait3A_89 = tpu.memref_slice %dma_wait3A_86[%dma_wait3A_87, %dma_wait3A_88] : memref<79x128xi32, #tpu.memory_space<hbm>> -> memref<39x128xi32, #tpu.memory_space<hbm>>
      %dma_wait3A_90 = arith.constant 0 : i32
      %dma_wait3A_91 = arith.constant 0 : i32
      %dma_wait3A_92 = tpu.memref_slice %arg7[%dma_wait3A_90, %dma_wait3A_91] : memref<40x128xi32, #tpu.memory_space<vmem>> -> memref<39x128xi32, #tpu.memory_space<vmem>>
      %dma_wait3A_93 = arith.constant 0 : i32
      %dma_wait3A_94 = arith.constant 0 : i32
      %dma_wait3A_95 = tpu.memref_slice %arg3[%add3A, %dma_wait3A_93, %dma_wait3A_94] : memref<32x79x128xi32, #tpu.memory_space<hbm>> -> memref<1x79x128xi32, #tpu.memory_space<hbm>>
      %dma_wait3A_96 = tpu.memref_squeeze %dma_wait3A_95 : memref<1x79x128xi32, #tpu.memory_space<hbm>> -> memref<79x128xi32, #tpu.memory_space<hbm>>
      %dma_wait3A_97 = arith.constant 40 : i32
      %dma_wait3A_98 = arith.constant 0 : i32
      %dma_wait3A_99 = tpu.memref_slice %dma_wait3A_96[%dma_wait3A_97, %dma_wait3A_98] : memref<79x128xi32, #tpu.memory_space<hbm>> -> memref<39x128xi32, #tpu.memory_space<hbm>>
      tpu.wait_dma2 semaphore(%run_scoped3A_59 : memref<!tpu.dma_semaphore, #tpu.memory_space<semaphore_mem>>) src(%dma_wait3A_99 : memref<39x128xi32, #tpu.memory_space<hbm>>) dst(%dma_wait3A_92 : memref<39x128xi32, #tpu.memory_space<vmem>>)
      tpu.yield
    }) : () -> ()
    "tpu.region"() ({
      %run_scoped3A_59 = tpu.sem_alloc : memref<!tpu.dma_semaphore, #tpu.memory_space<semaphore_mem>>
      %dma_start3A_60 = arith.constant 0 : i32
      %dma_start3A_61 = arith.constant 0 : i32
      %dma_start3A_62 = tpu.memref_slice %arg8[%dma_start3A_60, %dma_start3A_61] : memref<40x128xi32, #tpu.memory_space<vmem>> -> memref<39x128xi32, #tpu.memory_space<vmem>>
      %dma_start3A_63 = arith.constant 0 : i32
      %dma_start3A_64 = arith.constant 0 : i32
      %dma_start3A_65 = tpu.memref_slice %arg4[%add3A, %dma_start3A_63, %dma_start3A_64] : memref<32x79x128xi32, #tpu.memory_space<hbm>> -> memref<1x79x128xi32, #tpu.memory_space<hbm>>
      %dma_start3A_66 = tpu.memref_squeeze %dma_start3A_65 : memref<1x79x128xi32, #tpu.memory_space<hbm>> -> memref<79x128xi32, #tpu.memory_space<hbm>>
      %dma_start3A_67 = arith.constant 40 : i32
      %dma_start3A_68 = arith.constant 0 : i32
      %dma_start3A_69 = tpu.memref_slice %dma_start3A_66[%dma_start3A_67, %dma_start3A_68] : memref<79x128xi32, #tpu.memory_space<hbm>> -> memref<39x128xi32, #tpu.memory_space<hbm>>
      %dma_start3A_70 = arith.constant 0 : i32
      %dma_start3A_71 = arith.constant 0 : i32
      %dma_start3A_72 = tpu.memref_slice %arg8[%dma_start3A_70, %dma_start3A_71] : memref<40x128xi32, #tpu.memory_space<vmem>> -> memref<39x128xi32, #tpu.memory_space<vmem>>
      %dma_start3A_73 = arith.constant 0 : i32
      %dma_start3A_74 = arith.constant 0 : i32
      %dma_start3A_75 = tpu.memref_slice %arg4[%add3A, %dma_start3A_73, %dma_start3A_74] : memref<32x79x128xi32, #tpu.memory_space<hbm>> -> memref<1x79x128xi32, #tpu.memory_space<hbm>>
      %dma_start3A_76 = tpu.memref_squeeze %dma_start3A_75 : memref<1x79x128xi32, #tpu.memory_space<hbm>> -> memref<79x128xi32, #tpu.memory_space<hbm>>
      %dma_start3A_77 = arith.constant 40 : i32
      %dma_start3A_78 = arith.constant 0 : i32
      %dma_start3A_79 = tpu.memref_slice %dma_start3A_76[%dma_start3A_77, %dma_start3A_78] : memref<79x128xi32, #tpu.memory_space<hbm>> -> memref<39x128xi32, #tpu.memory_space<hbm>>
      tpu.enqueue_dma source(%dma_start3A_79 : memref<39x128xi32, #tpu.memory_space<hbm>>) target(%dma_start3A_72 : memref<39x128xi32, #tpu.memory_space<vmem>>) target_semaphore(%run_scoped3A_59 : memref<!tpu.dma_semaphore, #tpu.memory_space<semaphore_mem>>)
      %dma_wait3A_80 = arith.constant 0 : i32
      %dma_wait3A_81 = arith.constant 0 : i32
      %dma_wait3A_82 = tpu.memref_slice %arg8[%dma_wait3A_80, %dma_wait3A_81] : memref<40x128xi32, #tpu.memory_space<vmem>> -> memref<39x128xi32, #tpu.memory_space<vmem>>
      %dma_wait3A_83 = arith.constant 0 : i32
      %dma_wait3A_84 = arith.constant 0 : i32
      %dma_wait3A_85 = tpu.memref_slice %arg4[%add3A, %dma_wait3A_83, %dma_wait3A_84] : memref<32x79x128xi32, #tpu.memory_space<hbm>> -> memref<1x79x128xi32, #tpu.memory_space<hbm>>
      %dma_wait3A_86 = tpu.memref_squeeze %dma_wait3A_85 : memref<1x79x128xi32, #tpu.memory_space<hbm>> -> memref<79x128xi32, #tpu.memory_space<hbm>>
      %dma_wait3A_87 = arith.constant 40 : i32
      %dma_wait3A_88 = arith.constant 0 : i32
      %dma_wait3A_89 = tpu.memref_slice %dma_wait3A_86[%dma_wait3A_87, %dma_wait3A_88] : memref<79x128xi32, #tpu.memory_space<hbm>> -> memref<39x128xi32, #tpu.memory_space<hbm>>
      %dma_wait3A_90 = arith.constant 0 : i32
      %dma_wait3A_91 = arith.constant 0 : i32
      %dma_wait3A_92 = tpu.memref_slice %arg8[%dma_wait3A_90, %dma_wait3A_91] : memref<40x128xi32, #tpu.memory_space<vmem>> -> memref<39x128xi32, #tpu.memory_space<vmem>>
      %dma_wait3A_93 = arith.constant 0 : i32
      %dma_wait3A_94 = arith.constant 0 : i32
      %dma_wait3A_95 = tpu.memref_slice %arg4[%add3A, %dma_wait3A_93, %dma_wait3A_94] : memref<32x79x128xi32, #tpu.memory_space<hbm>> -> memref<1x79x128xi32, #tpu.memory_space<hbm>>
      %dma_wait3A_96 = tpu.memref_squeeze %dma_wait3A_95 : memref<1x79x128xi32, #tpu.memory_space<hbm>> -> memref<79x128xi32, #tpu.memory_space<hbm>>
      %dma_wait3A_97 = arith.constant 40 : i32
      %dma_wait3A_98 = arith.constant 0 : i32
      %dma_wait3A_99 = tpu.memref_slice %dma_wait3A_96[%dma_wait3A_97, %dma_wait3A_98] : memref<79x128xi32, #tpu.memory_space<hbm>> -> memref<39x128xi32, #tpu.memory_space<hbm>>
      tpu.wait_dma2 semaphore(%run_scoped3A_59 : memref<!tpu.dma_semaphore, #tpu.memory_space<semaphore_mem>>) src(%dma_wait3A_99 : memref<39x128xi32, #tpu.memory_space<hbm>>) dst(%dma_wait3A_92 : memref<39x128xi32, #tpu.memory_space<vmem>>)
      tpu.yield
    }) : () -> ()
    %dma_start3A_34 = arith.constant 0 : i32
    %dma_start3A_35 = arith.constant 0 : i32
    %dma_start3A_36 = tpu.memref_slice %arg7[%dma_start3A_34, %dma_start3A_35] : memref<40x128xi32, #tpu.memory_space<vmem>> -> memref<1x128xi32, #tpu.memory_space<vmem>>
    %dma_start3A_37 = tpu.memref_squeeze %dma_start3A_36 : memref<1x128xi32, #tpu.memory_space<vmem>> -> memref<128xi32, #tpu.memory_space<vmem>>
    %dma_start3A_38 = arith.constant 0 : i32
    %dma_start3A_39 = arith.constant 0 : i32
    %dma_start3A_40 = tpu.memref_slice %arg2[%dma_start3A_38, %dma_start3A_39] : memref<10240x128xf32, #tpu.memory_space<hbm>> -> memref<10240x128xf32, #tpu.memory_space<hbm>>
    tpu.enqueue_indirect_dma source(%dma_start3A_40 : memref<10240x128xf32, #tpu.memory_space<hbm>>) target(%arg9 : memref<128x128xf32, #tpu.memory_space<vmem>>) offsets(%dma_start3A_37 : memref<128xi32, #tpu.memory_space<vmem>>) semaphore(%arg11 : memref<!tpu.dma_semaphore, #tpu.memory_space<semaphore_mem>>)
    %scan3A_41 = arith.constant 0 : i32
    %scan3A_42 = arith.constant 19 : i32
    %scan3A_43 = arith.addi %scan3A_41, %scan3A_42 : i32
    %scan3A_44 = arith.constant 1 : i32
    scf.for %scan3A_59 = %scan3A_41 to %scan3A_43 step %scan3A_44  : i32 {
      %mul3A_60 = arith.constant 1 : i32
      %mul3A_61 = arith.muli %scan3A_59, %mul3A_60 : i32
      %add3A_62 = arith.constant 0 : i32
      %add3A_63 = arith.addi %add3A_62, %mul3A_61 : i32
      %mul3A_64 = arith.constant 2 : i32
      %mul3A_65 = arith.muli %mul3A_64, %add3A_63 : i32
      %add3A_66 = arith.constant 0 : i32
      %add3A_67 = arith.addi %add3A_66, %mul3A_65 : i32
      %add3A_68 = arith.constant 1 : i32
      %add3A_69 = arith.addi %add3A_67, %add3A_68 : i32
      %dma_start3A_70 = arith.constant 0 : i32
      %dma_start3A_71 = tpu.memref_slice %arg7[%add3A_69, %dma_start3A_70] : memref<40x128xi32, #tpu.memory_space<vmem>> -> memref<1x128xi32, #tpu.memory_space<vmem>>
      %dma_start3A_72 = tpu.memref_squeeze %dma_start3A_71 : memref<1x128xi32, #tpu.memory_space<vmem>> -> memref<128xi32, #tpu.memory_space<vmem>>
      %dma_start3A_73 = arith.constant 0 : i32
      %dma_start3A_74 = arith.constant 0 : i32
      %dma_start3A_75 = tpu.memref_slice %arg2[%dma_start3A_73, %dma_start3A_74] : memref<10240x128xf32, #tpu.memory_space<hbm>> -> memref<10240x128xf32, #tpu.memory_space<hbm>>
      tpu.enqueue_indirect_dma source(%dma_start3A_75 : memref<10240x128xf32, #tpu.memory_space<hbm>>) target(%arg10 : memref<128x128xf32, #tpu.memory_space<vmem>>) offsets(%dma_start3A_72 : memref<128xi32, #tpu.memory_space<vmem>>) semaphore(%arg12 : memref<!tpu.dma_semaphore, #tpu.memory_space<semaphore_mem>>)
      %dma_wait3A_76 = arith.constant 0 : i32
      %dma_wait3A_77 = tpu.memref_slice %arg7[%add3A_67, %dma_wait3A_76] : memref<40x128xi32, #tpu.memory_space<vmem>> -> memref<1x128xi32, #tpu.memory_space<vmem>>
      %dma_wait3A_78 = tpu.memref_squeeze %dma_wait3A_77 : memref<1x128xi32, #tpu.memory_space<vmem>> -> memref<128xi32, #tpu.memory_space<vmem>>
      %dma_wait3A_79 = arith.constant 0 : i32
      %dma_wait3A_80 = arith.constant 0 : i32
      %dma_wait3A_81 = tpu.memref_slice %arg2[%dma_wait3A_79, %dma_wait3A_80] : memref<10240x128xf32, #tpu.memory_space<hbm>> -> memref<10240x128xf32, #tpu.memory_space<hbm>>
      tpu.wait_indirect_dma semaphore(%arg11 : memref<!tpu.dma_semaphore, #tpu.memory_space<semaphore_mem>>) src(%dma_wait3A_81 : memref<10240x128xf32, #tpu.memory_space<hbm>>) dst(%arg9 : memref<128x128xf32, #tpu.memory_space<vmem>>)
      "tpu.region"() ({
        %run_scoped3A_100 = tpu.sem_alloc : memref<!tpu.dma_semaphore, #tpu.memory_space<semaphore_mem>>
        %dma_start3A_101 = arith.constant 0 : i32
        %dma_start3A_102 = tpu.memref_slice %arg8[%add3A_67, %dma_start3A_101] : memref<40x128xi32, #tpu.memory_space<vmem>> -> memref<1x128xi32, #tpu.memory_space<vmem>>
        %dma_start3A_103 = tpu.memref_squeeze %dma_start3A_102 : memref<1x128xi32, #tpu.memory_space<vmem>> -> memref<128xi32, #tpu.memory_space<vmem>>
        %dma_start3A_104 = arith.constant 0 : i32
        %dma_start3A_105 = arith.constant 0 : i32
        %dma_start3A_106 = tpu.memref_slice %arg13[%dma_start3A_104, %dma_start3A_105] : memref<10240x128xf32, #tpu.memory_space<vmem_shared>> -> memref<10240x128xf32, #tpu.memory_space<vmem_shared>>
        tpu.enqueue_indirect_dma source(%arg9 : memref<128x128xf32, #tpu.memory_space<vmem>>) target(%dma_start3A_106 : memref<10240x128xf32, #tpu.memory_space<vmem_shared>>) offsets(%dma_start3A_103 : memref<128xi32, #tpu.memory_space<vmem>>) semaphore(%run_scoped3A_100 : memref<!tpu.dma_semaphore, #tpu.memory_space<semaphore_mem>>) {add = true}
        %dma_wait3A_107 = arith.constant 0 : i32
        %dma_wait3A_108 = tpu.memref_slice %arg8[%add3A_67, %dma_wait3A_107] : memref<40x128xi32, #tpu.memory_space<vmem>> -> memref<1x128xi32, #tpu.memory_space<vmem>>
        %dma_wait3A_109 = tpu.memref_squeeze %dma_wait3A_108 : memref<1x128xi32, #tpu.memory_space<vmem>> -> memref<128xi32, #tpu.memory_space<vmem>>
        %dma_wait3A_110 = arith.constant 0 : i32
        %dma_wait3A_111 = arith.constant 0 : i32
        %dma_wait3A_112 = tpu.memref_slice %arg13[%dma_wait3A_110, %dma_wait3A_111] : memref<10240x128xf32, #tpu.memory_space<vmem_shared>> -> memref<10240x128xf32, #tpu.memory_space<vmem_shared>>
        tpu.wait_indirect_dma semaphore(%run_scoped3A_100 : memref<!tpu.dma_semaphore, #tpu.memory_space<semaphore_mem>>) src(%arg9 : memref<128x128xf32, #tpu.memory_space<vmem>>) dst(%dma_wait3A_112 : memref<10240x128xf32, #tpu.memory_space<vmem_shared>>)
        tpu.yield
      }) : () -> ()
      %add3A_82 = arith.constant 2 : i32
      %add3A_83 = arith.addi %add3A_67, %add3A_82 : i32
      %dma_start3A_84 = arith.constant 0 : i32
      %dma_start3A_85 = tpu.memref_slice %arg7[%add3A_83, %dma_start3A_84] : memref<40x128xi32, #tpu.memory_space<vmem>> -> memref<1x128xi32, #tpu.memory_space<vmem>>
      %dma_start3A_86 = tpu.memref_squeeze %dma_start3A_85 : memref<1x128xi32, #tpu.memory_space<vmem>> -> memref<128xi32, #tpu.memory_space<vmem>>
      %dma_start3A_87 = arith.constant 0 : i32
      %dma_start3A_88 = arith.constant 0 : i32
      %dma_start3A_89 = tpu.memref_slice %arg2[%dma_start3A_87, %dma_start3A_88] : memref<10240x128xf32, #tpu.memory_space<hbm>> -> memref<10240x128xf32, #tpu.memory_space<hbm>>
      tpu.enqueue_indirect_dma source(%dma_start3A_89 : memref<10240x128xf32, #tpu.memory_space<hbm>>) target(%arg9 : memref<128x128xf32, #tpu.memory_space<vmem>>) offsets(%dma_start3A_86 : memref<128xi32, #tpu.memory_space<vmem>>) semaphore(%arg11 : memref<!tpu.dma_semaphore, #tpu.memory_space<semaphore_mem>>)
      %add3A_90 = arith.constant 1 : i32
      %add3A_91 = arith.addi %add3A_67, %add3A_90 : i32
      %dma_wait3A_92 = arith.constant 0 : i32
      %dma_wait3A_93 = tpu.memref_slice %arg7[%add3A_91, %dma_wait3A_92] : memref<40x128xi32, #tpu.memory_space<vmem>> -> memref<1x128xi32, #tpu.memory_space<vmem>>
      %dma_wait3A_94 = tpu.memref_squeeze %dma_wait3A_93 : memref<1x128xi32, #tpu.memory_space<vmem>> -> memref<128xi32, #tpu.memory_space<vmem>>
      %dma_wait3A_95 = arith.constant 0 : i32
      %dma_wait3A_96 = arith.constant 0 : i32
      %dma_wait3A_97 = tpu.memref_slice %arg2[%dma_wait3A_95, %dma_wait3A_96] : memref<10240x128xf32, #tpu.memory_space<hbm>> -> memref<10240x128xf32, #tpu.memory_space<hbm>>
      tpu.wait_indirect_dma semaphore(%arg12 : memref<!tpu.dma_semaphore, #tpu.memory_space<semaphore_mem>>) src(%dma_wait3A_97 : memref<10240x128xf32, #tpu.memory_space<hbm>>) dst(%arg10 : memref<128x128xf32, #tpu.memory_space<vmem>>)
      %add3A_98 = arith.constant 1 : i32
      %add3A_99 = arith.addi %add3A_67, %add3A_98 : i32
      "tpu.region"() ({
        %run_scoped3A_100 = tpu.sem_alloc : memref<!tpu.dma_semaphore, #tpu.memory_space<semaphore_mem>>
        %dma_start3A_101 = arith.constant 0 : i32
        %dma_start3A_102 = tpu.memref_slice %arg8[%add3A_99, %dma_start3A_101] : memref<40x128xi32, #tpu.memory_space<vmem>> -> memref<1x128xi32, #tpu.memory_space<vmem>>
        %dma_start3A_103 = tpu.memref_squeeze %dma_start3A_102 : memref<1x128xi32, #tpu.memory_space<vmem>> -> memref<128xi32, #tpu.memory_space<vmem>>
        %dma_start3A_104 = arith.constant 0 : i32
        %dma_start3A_105 = arith.constant 0 : i32
        %dma_start3A_106 = tpu.memref_slice %arg13[%dma_start3A_104, %dma_start3A_105] : memref<10240x128xf32, #tpu.memory_space<vmem_shared>> -> memref<10240x128xf32, #tpu.memory_space<vmem_shared>>
        tpu.enqueue_indirect_dma source(%arg10 : memref<128x128xf32, #tpu.memory_space<vmem>>) target(%dma_start3A_106 : memref<10240x128xf32, #tpu.memory_space<vmem_shared>>) offsets(%dma_start3A_103 : memref<128xi32, #tpu.memory_space<vmem>>) semaphore(%run_scoped3A_100 : memref<!tpu.dma_semaphore, #tpu.memory_space<semaphore_mem>>) {add = true}
        %dma_wait3A_107 = arith.constant 0 : i32
        %dma_wait3A_108 = tpu.memref_slice %arg8[%add3A_99, %dma_wait3A_107] : memref<40x128xi32, #tpu.memory_space<vmem>> -> memref<1x128xi32, #tpu.memory_space<vmem>>
        %dma_wait3A_109 = tpu.memref_squeeze %dma_wait3A_108 : memref<1x128xi32, #tpu.memory_space<vmem>> -> memref<128xi32, #tpu.memory_space<vmem>>
        %dma_wait3A_110 = arith.constant 0 : i32
        %dma_wait3A_111 = arith.constant 0 : i32
        %dma_wait3A_112 = tpu.memref_slice %arg13[%dma_wait3A_110, %dma_wait3A_111] : memref<10240x128xf32, #tpu.memory_space<vmem_shared>> -> memref<10240x128xf32, #tpu.memory_space<vmem_shared>>
        tpu.wait_indirect_dma semaphore(%run_scoped3A_100 : memref<!tpu.dma_semaphore, #tpu.memory_space<semaphore_mem>>) src(%arg10 : memref<128x128xf32, #tpu.memory_space<vmem>>) dst(%dma_wait3A_112 : memref<10240x128xf32, #tpu.memory_space<vmem_shared>>)
        tpu.yield
      }) : () -> ()
    }
    %scan3A_45 = arith.constant 19 : i32
    %dma_wait3A_46 = arith.constant 38 : i32
    %dma_wait3A_47 = arith.constant 0 : i32
    %dma_wait3A_48 = tpu.memref_slice %arg7[%dma_wait3A_46, %dma_wait3A_47] : memref<40x128xi32, #tpu.memory_space<vmem>> -> memref<1x128xi32, #tpu.memory_space<vmem>>
    %dma_wait3A_49 = tpu.memref_squeeze %dma_wait3A_48 : memref<1x128xi32, #tpu.memory_space<vmem>> -> memref<128xi32, #tpu.memory_space<vmem>>
    %dma_wait3A_50 = arith.constant 0 : i32
    %dma_wait3A_51 = arith.constant 0 : i32
    %dma_wait3A_52 = tpu.memref_slice %arg2[%dma_wait3A_50, %dma_wait3A_51] : memref<10240x128xf32, #tpu.memory_space<hbm>> -> memref<10240x128xf32, #tpu.memory_space<hbm>>
    tpu.wait_indirect_dma semaphore(%arg11 : memref<!tpu.dma_semaphore, #tpu.memory_space<semaphore_mem>>) src(%dma_wait3A_52 : memref<10240x128xf32, #tpu.memory_space<hbm>>) dst(%arg9 : memref<128x128xf32, #tpu.memory_space<vmem>>)
    %run_scoped3A_53 = arith.constant 38 : i32
    "tpu.region"() ({
      %run_scoped3A_59 = tpu.sem_alloc : memref<!tpu.dma_semaphore, #tpu.memory_space<semaphore_mem>>
      %dma_start3A_60 = arith.constant 0 : i32
      %dma_start3A_61 = tpu.memref_slice %arg8[%run_scoped3A_53, %dma_start3A_60] : memref<40x128xi32, #tpu.memory_space<vmem>> -> memref<1x128xi32, #tpu.memory_space<vmem>>
      %dma_start3A_62 = tpu.memref_squeeze %dma_start3A_61 : memref<1x128xi32, #tpu.memory_space<vmem>> -> memref<128xi32, #tpu.memory_space<vmem>>
      %dma_start3A_63 = arith.constant 0 : i32
      %dma_start3A_64 = arith.constant 0 : i32
      %dma_start3A_65 = tpu.memref_slice %arg13[%dma_start3A_63, %dma_start3A_64] : memref<10240x128xf32, #tpu.memory_space<vmem_shared>> -> memref<10240x128xf32, #tpu.memory_space<vmem_shared>>
      tpu.enqueue_indirect_dma source(%arg9 : memref<128x128xf32, #tpu.memory_space<vmem>>) target(%dma_start3A_65 : memref<10240x128xf32, #tpu.memory_space<vmem_shared>>) offsets(%dma_start3A_62 : memref<128xi32, #tpu.memory_space<vmem>>) semaphore(%run_scoped3A_59 : memref<!tpu.dma_semaphore, #tpu.memory_space<semaphore_mem>>) {add = true}
      %dma_wait3A_66 = arith.constant 0 : i32
      %dma_wait3A_67 = tpu.memref_slice %arg8[%run_scoped3A_53, %dma_wait3A_66] : memref<40x128xi32, #tpu.memory_space<vmem>> -> memref<1x128xi32, #tpu.memory_space<vmem>>
      %dma_wait3A_68 = tpu.memref_squeeze %dma_wait3A_67 : memref<1x128xi32, #tpu.memory_space<vmem>> -> memref<128xi32, #tpu.memory_space<vmem>>
      %dma_wait3A_69 = arith.constant 0 : i32
      %dma_wait3A_70 = arith.constant 0 : i32
      %dma_wait3A_71 = tpu.memref_slice %arg13[%dma_wait3A_69, %dma_wait3A_70] : memref<10240x128xf32, #tpu.memory_space<vmem_shared>> -> memref<10240x128xf32, #tpu.memory_space<vmem_shared>>
      tpu.wait_indirect_dma semaphore(%run_scoped3A_59 : memref<!tpu.dma_semaphore, #tpu.memory_space<semaphore_mem>>) src(%arg9 : memref<128x128xf32, #tpu.memory_space<vmem>>) dst(%dma_wait3A_71 : memref<10240x128xf32, #tpu.memory_space<vmem_shared>>)
      tpu.yield
    }) : () -> ()
    %barrier3A_54 = arith.constant 0 : index
    tpu.barrier barrier_id(%barrier3A_54)
    %mul3A_55 = arith.constant 640 : i32
    %mul3A_56 = arith.muli %arg1, %mul3A_55 : i32
    %mul3A_57 = arith.constant 640 : i32
    %mul3A_58 = arith.muli %arg1, %mul3A_57 : i32
    "tpu.region"() ({
      %run_scoped3A_59 = tpu.sem_alloc : memref<!tpu.dma_semaphore, #tpu.memory_space<semaphore_mem>>
      %dma_start3A_60 = arith.constant 0 : i32
      %dma_start3A_61 = arith.constant 0 : i32
      %dma_start3A_62 = tpu.memref_slice %arg6[%arg0, %dma_start3A_60, %dma_start3A_61] : memref<2x10240x128xf32, #tpu.memory_space<hbm>> -> memref<1x10240x128xf32, #tpu.memory_space<hbm>>
      %dma_start3A_63 = tpu.memref_squeeze %dma_start3A_62 : memref<1x10240x128xf32, #tpu.memory_space<hbm>> -> memref<10240x128xf32, #tpu.memory_space<hbm>>
      %dma_start3A_64 = arith.constant 0 : i32
      %dma_start3A_65 = tpu.memref_slice %dma_start3A_63[%mul3A_58, %dma_start3A_64] : memref<10240x128xf32, #tpu.memory_space<hbm>> -> memref<640x128xf32, #tpu.memory_space<hbm>>
      %dma_start3A_66 = arith.constant 0 : i32
      %dma_start3A_67 = tpu.memref_slice %arg13[%mul3A_56, %dma_start3A_66] : memref<10240x128xf32, #tpu.memory_space<vmem_shared>> -> memref<640x128xf32, #tpu.memory_space<vmem_shared>>
      tpu.enqueue_dma source(%dma_start3A_67 : memref<640x128xf32, #tpu.memory_space<vmem_shared>>) target(%dma_start3A_65 : memref<640x128xf32, #tpu.memory_space<hbm>>) target_semaphore(%run_scoped3A_59 : memref<!tpu.dma_semaphore, #tpu.memory_space<semaphore_mem>>)
      %dma_wait3A_68 = arith.constant 0 : i32
      %dma_wait3A_69 = arith.constant 0 : i32
      %dma_wait3A_70 = tpu.memref_slice %arg6[%arg0, %dma_wait3A_68, %dma_wait3A_69] : memref<2x10240x128xf32, #tpu.memory_space<hbm>> -> memref<1x10240x128xf32, #tpu.memory_space<hbm>>
      %dma_wait3A_71 = tpu.memref_squeeze %dma_wait3A_70 : memref<1x10240x128xf32, #tpu.memory_space<hbm>> -> memref<10240x128xf32, #tpu.memory_space<hbm>>
      %dma_wait3A_72 = arith.constant 0 : i32
      %dma_wait3A_73 = tpu.memref_slice %dma_wait3A_71[%mul3A_58, %dma_wait3A_72] : memref<10240x128xf32, #tpu.memory_space<hbm>> -> memref<640x128xf32, #tpu.memory_space<hbm>>
      %dma_wait3A_74 = arith.constant 0 : i32
      %dma_wait3A_75 = tpu.memref_slice %arg13[%mul3A_56, %dma_wait3A_74] : memref<10240x128xf32, #tpu.memory_space<vmem_shared>> -> memref<640x128xf32, #tpu.memory_space<vmem_shared>>
      tpu.wait_dma2 semaphore(%run_scoped3A_59 : memref<!tpu.dma_semaphore, #tpu.memory_space<semaphore_mem>>) src(%dma_wait3A_75 : memref<640x128xf32, #tpu.memory_space<vmem_shared>>) dst(%dma_wait3A_73 : memref<640x128xf32, #tpu.memory_space<hbm>>)
      tpu.yield
    }) : () -> ()
    return
  }
}

#map = affine_map<(d0, d1) -> (0, 0, 0)>
#map1 = affine_map<(d0, d1) -> (0)>
#map2 = affine_map<(d0, d1) -> (0, 0)>
#map3 = affine_map<(d0, d1) -> (0, 0, 0, 0, 0)>
module attributes {stable_mosaic.version = 14 : i64} {
  func.func @k(%arg0: i32, %arg1: i32, %arg2: memref<32x79x128xi32, #tpu.memory_space<hbm>>, %arg3: memref<32x79x128xi32, #tpu.memory_space<hbm>>, %arg4: memref<16xi32, #tpu.memory_space<hbm>>, %arg5: memref<16x5120xf32, #tpu.memory_space<hbm>>, %arg6: memref<2x16x2x16x5120xf32, #tpu.memory_space<hbm>>, %arg7: memref<79x128xi32, #tpu.memory_space<vmem>>, %arg8: memref<79x128xi32, #tpu.memory_space<vmem>>, %arg9: memref<79x128xi32, #tpu.memory_space<vmem>>, %arg10: memref<79x128xi32, #tpu.memory_space<vmem>>, %arg11: memref<16xi32, #tpu.memory_space<vmem>>, %arg12: memref<16x5120xf32, #tpu.memory_space<vmem>>) attributes {dimension_semantics = [#tpu.dimension_semantics<core_parallel>, #tpu.dimension_semantics<subcore_parallel>], iteration_bounds = array<i64: 2, 16>, scalar_prefetch = 0 : i64, scratch_operands = 6 : i64, tpu.core_type = #tpu.core_type<sc_vector_subcore>, window_params = [{transform_indices = #map}, {transform_indices = #map}, {transform_indices = #map1}, {transform_indices = #map2}, {transform_indices = #map3}]} {
    %mul3A = arith.constant 2 : i32
    %mul3A_0 = arith.muli %arg1, %mul3A : i32
    "tpu.region"() ({
      %run_scoped3A_34 = tpu.sem_alloc : memref<!tpu.dma_semaphore, #tpu.memory_space<semaphore_mem>>
      %dma_start3A = arith.constant 0 : i32
      %dma_start3A_35 = arith.constant 0 : i32
      %dma_start3A_36 = tpu.memref_slice %arg2[%mul3A_0, %dma_start3A, %dma_start3A_35] : memref<32x79x128xi32, #tpu.memory_space<hbm>> -> memref<1x79x128xi32, #tpu.memory_space<hbm>>
      %dma_start3A_37 = tpu.memref_squeeze %dma_start3A_36 : memref<1x79x128xi32, #tpu.memory_space<hbm>> -> memref<79x128xi32, #tpu.memory_space<hbm>>
      %dma_start3A_38 = arith.constant 0 : i32
      %dma_start3A_39 = arith.constant 0 : i32
      %dma_start3A_40 = tpu.memref_slice %arg2[%mul3A_0, %dma_start3A_38, %dma_start3A_39] : memref<32x79x128xi32, #tpu.memory_space<hbm>> -> memref<1x79x128xi32, #tpu.memory_space<hbm>>
      %dma_start3A_41 = tpu.memref_squeeze %dma_start3A_40 : memref<1x79x128xi32, #tpu.memory_space<hbm>> -> memref<79x128xi32, #tpu.memory_space<hbm>>
      tpu.enqueue_dma source(%dma_start3A_41 : memref<79x128xi32, #tpu.memory_space<hbm>>) target(%arg7 : memref<79x128xi32, #tpu.memory_space<vmem>>) target_semaphore(%run_scoped3A_34 : memref<!tpu.dma_semaphore, #tpu.memory_space<semaphore_mem>>)
      %dma_wait3A = arith.constant 0 : i32
      %dma_wait3A_42 = arith.constant 0 : i32
      %dma_wait3A_43 = tpu.memref_slice %arg2[%mul3A_0, %dma_wait3A, %dma_wait3A_42] : memref<32x79x128xi32, #tpu.memory_space<hbm>> -> memref<1x79x128xi32, #tpu.memory_space<hbm>>
      %dma_wait3A_44 = tpu.memref_squeeze %dma_wait3A_43 : memref<1x79x128xi32, #tpu.memory_space<hbm>> -> memref<79x128xi32, #tpu.memory_space<hbm>>
      %dma_wait3A_45 = arith.constant 0 : i32
      %dma_wait3A_46 = arith.constant 0 : i32
      %dma_wait3A_47 = tpu.memref_slice %arg2[%mul3A_0, %dma_wait3A_45, %dma_wait3A_46] : memref<32x79x128xi32, #tpu.memory_space<hbm>> -> memref<1x79x128xi32, #tpu.memory_space<hbm>>
      %dma_wait3A_48 = tpu.memref_squeeze %dma_wait3A_47 : memref<1x79x128xi32, #tpu.memory_space<hbm>> -> memref<79x128xi32, #tpu.memory_space<hbm>>
      tpu.wait_dma2 semaphore(%run_scoped3A_34 : memref<!tpu.dma_semaphore, #tpu.memory_space<semaphore_mem>>) src(%dma_wait3A_48 : memref<79x128xi32, #tpu.memory_space<hbm>>) dst(%arg7 : memref<79x128xi32, #tpu.memory_space<vmem>>)
      tpu.yield
    }) : () -> ()
    %mul3A_1 = arith.constant 2 : i32
    %mul3A_2 = arith.muli %arg1, %mul3A_1 : i32
    %add3A = arith.constant 1 : i32
    %add3A_3 = arith.addi %mul3A_2, %add3A : i32
    "tpu.region"() ({
      %run_scoped3A_34 = tpu.sem_alloc : memref<!tpu.dma_semaphore, #tpu.memory_space<semaphore_mem>>
      %dma_start3A = arith.constant 0 : i32
      %dma_start3A_35 = arith.constant 0 : i32
      %dma_start3A_36 = tpu.memref_slice %arg2[%add3A_3, %dma_start3A, %dma_start3A_35] : memref<32x79x128xi32, #tpu.memory_space<hbm>> -> memref<1x79x128xi32, #tpu.memory_space<hbm>>
      %dma_start3A_37 = tpu.memref_squeeze %dma_start3A_36 : memref<1x79x128xi32, #tpu.memory_space<hbm>> -> memref<79x128xi32, #tpu.memory_space<hbm>>
      %dma_start3A_38 = arith.constant 0 : i32
      %dma_start3A_39 = arith.constant 0 : i32
      %dma_start3A_40 = tpu.memref_slice %arg2[%add3A_3, %dma_start3A_38, %dma_start3A_39] : memref<32x79x128xi32, #tpu.memory_space<hbm>> -> memref<1x79x128xi32, #tpu.memory_space<hbm>>
      %dma_start3A_41 = tpu.memref_squeeze %dma_start3A_40 : memref<1x79x128xi32, #tpu.memory_space<hbm>> -> memref<79x128xi32, #tpu.memory_space<hbm>>
      tpu.enqueue_dma source(%dma_start3A_41 : memref<79x128xi32, #tpu.memory_space<hbm>>) target(%arg8 : memref<79x128xi32, #tpu.memory_space<vmem>>) target_semaphore(%run_scoped3A_34 : memref<!tpu.dma_semaphore, #tpu.memory_space<semaphore_mem>>)
      %dma_wait3A = arith.constant 0 : i32
      %dma_wait3A_42 = arith.constant 0 : i32
      %dma_wait3A_43 = tpu.memref_slice %arg2[%add3A_3, %dma_wait3A, %dma_wait3A_42] : memref<32x79x128xi32, #tpu.memory_space<hbm>> -> memref<1x79x128xi32, #tpu.memory_space<hbm>>
      %dma_wait3A_44 = tpu.memref_squeeze %dma_wait3A_43 : memref<1x79x128xi32, #tpu.memory_space<hbm>> -> memref<79x128xi32, #tpu.memory_space<hbm>>
      %dma_wait3A_45 = arith.constant 0 : i32
      %dma_wait3A_46 = arith.constant 0 : i32
      %dma_wait3A_47 = tpu.memref_slice %arg2[%add3A_3, %dma_wait3A_45, %dma_wait3A_46] : memref<32x79x128xi32, #tpu.memory_space<hbm>> -> memref<1x79x128xi32, #tpu.memory_space<hbm>>
      %dma_wait3A_48 = tpu.memref_squeeze %dma_wait3A_47 : memref<1x79x128xi32, #tpu.memory_space<hbm>> -> memref<79x128xi32, #tpu.memory_space<hbm>>
      tpu.wait_dma2 semaphore(%run_scoped3A_34 : memref<!tpu.dma_semaphore, #tpu.memory_space<semaphore_mem>>) src(%dma_wait3A_48 : memref<79x128xi32, #tpu.memory_space<hbm>>) dst(%arg8 : memref<79x128xi32, #tpu.memory_space<vmem>>)
      tpu.yield
    }) : () -> ()
    %mul3A_4 = arith.constant 2 : i32
    %mul3A_5 = arith.muli %arg1, %mul3A_4 : i32
    "tpu.region"() ({
      %run_scoped3A_34 = tpu.sem_alloc : memref<!tpu.dma_semaphore, #tpu.memory_space<semaphore_mem>>
      %dma_start3A = arith.constant 0 : i32
      %dma_start3A_35 = arith.constant 0 : i32
      %dma_start3A_36 = tpu.memref_slice %arg3[%mul3A_5, %dma_start3A, %dma_start3A_35] : memref<32x79x128xi32, #tpu.memory_space<hbm>> -> memref<1x79x128xi32, #tpu.memory_space<hbm>>
      %dma_start3A_37 = tpu.memref_squeeze %dma_start3A_36 : memref<1x79x128xi32, #tpu.memory_space<hbm>> -> memref<79x128xi32, #tpu.memory_space<hbm>>
      %dma_start3A_38 = arith.constant 0 : i32
      %dma_start3A_39 = arith.constant 0 : i32
      %dma_start3A_40 = tpu.memref_slice %arg3[%mul3A_5, %dma_start3A_38, %dma_start3A_39] : memref<32x79x128xi32, #tpu.memory_space<hbm>> -> memref<1x79x128xi32, #tpu.memory_space<hbm>>
      %dma_start3A_41 = tpu.memref_squeeze %dma_start3A_40 : memref<1x79x128xi32, #tpu.memory_space<hbm>> -> memref<79x128xi32, #tpu.memory_space<hbm>>
      tpu.enqueue_dma source(%dma_start3A_41 : memref<79x128xi32, #tpu.memory_space<hbm>>) target(%arg9 : memref<79x128xi32, #tpu.memory_space<vmem>>) target_semaphore(%run_scoped3A_34 : memref<!tpu.dma_semaphore, #tpu.memory_space<semaphore_mem>>)
      %dma_wait3A = arith.constant 0 : i32
      %dma_wait3A_42 = arith.constant 0 : i32
      %dma_wait3A_43 = tpu.memref_slice %arg3[%mul3A_5, %dma_wait3A, %dma_wait3A_42] : memref<32x79x128xi32, #tpu.memory_space<hbm>> -> memref<1x79x128xi32, #tpu.memory_space<hbm>>
      %dma_wait3A_44 = tpu.memref_squeeze %dma_wait3A_43 : memref<1x79x128xi32, #tpu.memory_space<hbm>> -> memref<79x128xi32, #tpu.memory_space<hbm>>
      %dma_wait3A_45 = arith.constant 0 : i32
      %dma_wait3A_46 = arith.constant 0 : i32
      %dma_wait3A_47 = tpu.memref_slice %arg3[%mul3A_5, %dma_wait3A_45, %dma_wait3A_46] : memref<32x79x128xi32, #tpu.memory_space<hbm>> -> memref<1x79x128xi32, #tpu.memory_space<hbm>>
      %dma_wait3A_48 = tpu.memref_squeeze %dma_wait3A_47 : memref<1x79x128xi32, #tpu.memory_space<hbm>> -> memref<79x128xi32, #tpu.memory_space<hbm>>
      tpu.wait_dma2 semaphore(%run_scoped3A_34 : memref<!tpu.dma_semaphore, #tpu.memory_space<semaphore_mem>>) src(%dma_wait3A_48 : memref<79x128xi32, #tpu.memory_space<hbm>>) dst(%arg9 : memref<79x128xi32, #tpu.memory_space<vmem>>)
      tpu.yield
    }) : () -> ()
    %mul3A_6 = arith.constant 2 : i32
    %mul3A_7 = arith.muli %arg1, %mul3A_6 : i32
    %add3A_8 = arith.constant 1 : i32
    %add3A_9 = arith.addi %mul3A_7, %add3A_8 : i32
    "tpu.region"() ({
      %run_scoped3A_34 = tpu.sem_alloc : memref<!tpu.dma_semaphore, #tpu.memory_space<semaphore_mem>>
      %dma_start3A = arith.constant 0 : i32
      %dma_start3A_35 = arith.constant 0 : i32
      %dma_start3A_36 = tpu.memref_slice %arg3[%add3A_9, %dma_start3A, %dma_start3A_35] : memref<32x79x128xi32, #tpu.memory_space<hbm>> -> memref<1x79x128xi32, #tpu.memory_space<hbm>>
      %dma_start3A_37 = tpu.memref_squeeze %dma_start3A_36 : memref<1x79x128xi32, #tpu.memory_space<hbm>> -> memref<79x128xi32, #tpu.memory_space<hbm>>
      %dma_start3A_38 = arith.constant 0 : i32
      %dma_start3A_39 = arith.constant 0 : i32
      %dma_start3A_40 = tpu.memref_slice %arg3[%add3A_9, %dma_start3A_38, %dma_start3A_39] : memref<32x79x128xi32, #tpu.memory_space<hbm>> -> memref<1x79x128xi32, #tpu.memory_space<hbm>>
      %dma_start3A_41 = tpu.memref_squeeze %dma_start3A_40 : memref<1x79x128xi32, #tpu.memory_space<hbm>> -> memref<79x128xi32, #tpu.memory_space<hbm>>
      tpu.enqueue_dma source(%dma_start3A_41 : memref<79x128xi32, #tpu.memory_space<hbm>>) target(%arg10 : memref<79x128xi32, #tpu.memory_space<vmem>>) target_semaphore(%run_scoped3A_34 : memref<!tpu.dma_semaphore, #tpu.memory_space<semaphore_mem>>)
      %dma_wait3A = arith.constant 0 : i32
      %dma_wait3A_42 = arith.constant 0 : i32
      %dma_wait3A_43 = tpu.memref_slice %arg3[%add3A_9, %dma_wait3A, %dma_wait3A_42] : memref<32x79x128xi32, #tpu.memory_space<hbm>> -> memref<1x79x128xi32, #tpu.memory_space<hbm>>
      %dma_wait3A_44 = tpu.memref_squeeze %dma_wait3A_43 : memref<1x79x128xi32, #tpu.memory_space<hbm>> -> memref<79x128xi32, #tpu.memory_space<hbm>>
      %dma_wait3A_45 = arith.constant 0 : i32
      %dma_wait3A_46 = arith.constant 0 : i32
      %dma_wait3A_47 = tpu.memref_slice %arg3[%add3A_9, %dma_wait3A_45, %dma_wait3A_46] : memref<32x79x128xi32, #tpu.memory_space<hbm>> -> memref<1x79x128xi32, #tpu.memory_space<hbm>>
      %dma_wait3A_48 = tpu.memref_squeeze %dma_wait3A_47 : memref<1x79x128xi32, #tpu.memory_space<hbm>> -> memref<79x128xi32, #tpu.memory_space<hbm>>
      tpu.wait_dma2 semaphore(%run_scoped3A_34 : memref<!tpu.dma_semaphore, #tpu.memory_space<semaphore_mem>>) src(%dma_wait3A_48 : memref<79x128xi32, #tpu.memory_space<hbm>>) dst(%arg10 : memref<79x128xi32, #tpu.memory_space<vmem>>)
      tpu.yield
    }) : () -> ()
    "tpu.region"() ({
      %run_scoped3A_34 = tpu.sem_alloc : memref<!tpu.dma_semaphore, #tpu.memory_space<semaphore_mem>>
      tpu.enqueue_dma source(%arg4 : memref<16xi32, #tpu.memory_space<hbm>>) target(%arg11 : memref<16xi32, #tpu.memory_space<vmem>>) target_semaphore(%run_scoped3A_34 : memref<!tpu.dma_semaphore, #tpu.memory_space<semaphore_mem>>)
      tpu.wait_dma2 semaphore(%run_scoped3A_34 : memref<!tpu.dma_semaphore, #tpu.memory_space<semaphore_mem>>) src(%arg4 : memref<16xi32, #tpu.memory_space<hbm>>) dst(%arg11 : memref<16xi32, #tpu.memory_space<vmem>>)
      tpu.yield
    }) : () -> ()
    %get3A = arith.constant 0 : index
    %get3A_10 = tpu.vector_load %arg11[%get3A] {strides = array<i32>} : memref<16xi32, #tpu.memory_space<vmem>>, vector<16xi32>,
    %broadcast_in_dim3A = arith.constant 1.000000e+00 : f32
    %broadcast_in_dim3A_11 = vector.broadcast %broadcast_in_dim3A : f32 to vector<16xf32>
    %iota3A = tpu.iota {dimensions = array<i32: 0>} : vector<16xi32>
    %mul3A_12 = arith.constant 5120 : i32
    %mul3A_13 = arith.muli %arg0, %mul3A_12 : i32
    "tpu.region"() ({
      %run_scoped3A_34 = tpu.sem_alloc : memref<!tpu.dma_semaphore, #tpu.memory_space<semaphore_mem>>
      tpu.enqueue_dma source(%arg5 : memref<16x5120xf32, #tpu.memory_space<hbm>>) target(%arg12 : memref<16x5120xf32, #tpu.memory_space<vmem>>) target_semaphore(%run_scoped3A_34 : memref<!tpu.dma_semaphore, #tpu.memory_space<semaphore_mem>>)
      tpu.wait_dma2 semaphore(%run_scoped3A_34 : memref<!tpu.dma_semaphore, #tpu.memory_space<semaphore_mem>>) src(%arg5 : memref<16x5120xf32, #tpu.memory_space<hbm>>) dst(%arg12 : memref<16x5120xf32, #tpu.memory_space<vmem>>)
      tpu.yield
    }) : () -> ()
    %scan3A = arith.constant 0 : i32
    %scan3A_14 = arith.constant 79 : i32
    %scan3A_15 = arith.addi %scan3A, %scan3A_14 : i32
    %scan3A_16 = arith.constant 1 : i32
    scf.for %scan3A_34 = %scan3A to %scan3A_15 step %scan3A_16  : i32 {
      %mul3A_35 = arith.constant 1 : i32
      %mul3A_36 = arith.muli %scan3A_34, %mul3A_35 : i32
      %add3A_37 = arith.constant 0 : i32
      %add3A_38 = arith.addi %add3A_37, %mul3A_36 : i32
      %get3A_39 = arith.index_cast %add3A_38 : i32 to index
      %get3A_40 = arith.constant 0 : index
      %get3A_41 = tpu.vector_load %arg9[%get3A_39, %get3A_40] {strides = array<i32>} : memref<79x128xi32, #tpu.memory_space<vmem>>, vector<16xi32>,
      %sub3A = vector.broadcast %mul3A_13 : i32 to vector<16xi32>
      %sub3A_42 = arith.subi %get3A_41, %sub3A : vector<16xi32>
      %ge3A = arith.constant 0 : i32
      %ge3A_43 = vector.broadcast %ge3A : i32 to vector<16xi32>
      %ge3A_44 = arith.cmpi sge, %sub3A_42, %ge3A_43 : vector<16xi32>
      %lt3A = arith.constant 5120 : i32
      %lt3A_45 = vector.broadcast %lt3A : i32 to vector<16xi32>
      %lt3A_46 = arith.cmpi slt, %sub3A_42, %lt3A_45 : vector<16xi32>
      %and3A = arith.andi %ge3A_44, %lt3A_46 : vector<16xi1>
      tpu.vector_store_idx %arg12[%iota3A, %sub3A_42], %broadcast_in_dim3A_11 masked %and3A {add = true} : memref<16x5120xf32, #tpu.memory_space<vmem>>[vector<16xi32>, vector<16xi32>], vector<16xf32>, vector<16xi1>
      %get3A_47 = arith.index_cast %add3A_38 : i32 to index
      %get3A_48 = arith.constant 16 : index
      %get3A_49 = tpu.vector_load %arg9[%get3A_47, %get3A_48] {strides = array<i32>} : memref<79x128xi32, #tpu.memory_space<vmem>>, vector<16xi32>,
      %sub3A_50 = vector.broadcast %mul3A_13 : i32 to vector<16xi32>
      %sub3A_51 = arith.subi %get3A_49, %sub3A_50 : vector<16xi32>
      %ge3A_52 = arith.constant 0 : i32
      %ge3A_53 = vector.broadcast %ge3A_52 : i32 to vector<16xi32>
      %ge3A_54 = arith.cmpi sge, %sub3A_51, %ge3A_53 : vector<16xi32>
      %lt3A_55 = arith.constant 5120 : i32
      %lt3A_56 = vector.broadcast %lt3A_55 : i32 to vector<16xi32>
      %lt3A_57 = arith.cmpi slt, %sub3A_51, %lt3A_56 : vector<16xi32>
      %and3A_58 = arith.andi %ge3A_54, %lt3A_57 : vector<16xi1>
      tpu.vector_store_idx %arg12[%iota3A, %sub3A_51], %broadcast_in_dim3A_11 masked %and3A_58 {add = true} : memref<16x5120xf32, #tpu.memory_space<vmem>>[vector<16xi32>, vector<16xi32>], vector<16xf32>, vector<16xi1>
      %get3A_59 = arith.index_cast %add3A_38 : i32 to index
      %get3A_60 = arith.constant 32 : index
      %get3A_61 = tpu.vector_load %arg9[%get3A_59, %get3A_60] {strides = array<i32>} : memref<79x128xi32, #tpu.memory_space<vmem>>, vector<16xi32>,
      %sub3A_62 = vector.broadcast %mul3A_13 : i32 to vector<16xi32>
      %sub3A_63 = arith.subi %get3A_61, %sub3A_62 : vector<16xi32>
      %ge3A_64 = arith.constant 0 : i32
      %ge3A_65 = vector.broadcast %ge3A_64 : i32 to vector<16xi32>
      %ge3A_66 = arith.cmpi sge, %sub3A_63, %ge3A_65 : vector<16xi32>
      %lt3A_67 = arith.constant 5120 : i32
      %lt3A_68 = vector.broadcast %lt3A_67 : i32 to vector<16xi32>
      %lt3A_69 = arith.cmpi slt, %sub3A_63, %lt3A_68 : vector<16xi32>
      %and3A_70 = arith.andi %ge3A_66, %lt3A_69 : vector<16xi1>
      tpu.vector_store_idx %arg12[%iota3A, %sub3A_63], %broadcast_in_dim3A_11 masked %and3A_70 {add = true} : memref<16x5120xf32, #tpu.memory_space<vmem>>[vector<16xi32>, vector<16xi32>], vector<16xf32>, vector<16xi1>
      %get3A_71 = arith.index_cast %add3A_38 : i32 to index
      %get3A_72 = arith.constant 48 : index
      %get3A_73 = tpu.vector_load %arg9[%get3A_71, %get3A_72] {strides = array<i32>} : memref<79x128xi32, #tpu.memory_space<vmem>>, vector<16xi32>,
      %sub3A_74 = vector.broadcast %mul3A_13 : i32 to vector<16xi32>
      %sub3A_75 = arith.subi %get3A_73, %sub3A_74 : vector<16xi32>
      %ge3A_76 = arith.constant 0 : i32
      %ge3A_77 = vector.broadcast %ge3A_76 : i32 to vector<16xi32>
      %ge3A_78 = arith.cmpi sge, %sub3A_75, %ge3A_77 : vector<16xi32>
      %lt3A_79 = arith.constant 5120 : i32
      %lt3A_80 = vector.broadcast %lt3A_79 : i32 to vector<16xi32>
      %lt3A_81 = arith.cmpi slt, %sub3A_75, %lt3A_80 : vector<16xi32>
      %and3A_82 = arith.andi %ge3A_78, %lt3A_81 : vector<16xi1>
      tpu.vector_store_idx %arg12[%iota3A, %sub3A_75], %broadcast_in_dim3A_11 masked %and3A_82 {add = true} : memref<16x5120xf32, #tpu.memory_space<vmem>>[vector<16xi32>, vector<16xi32>], vector<16xf32>, vector<16xi1>
      %get3A_83 = arith.index_cast %add3A_38 : i32 to index
      %get3A_84 = arith.constant 64 : index
      %get3A_85 = tpu.vector_load %arg9[%get3A_83, %get3A_84] {strides = array<i32>} : memref<79x128xi32, #tpu.memory_space<vmem>>, vector<16xi32>,
      %sub3A_86 = vector.broadcast %mul3A_13 : i32 to vector<16xi32>
      %sub3A_87 = arith.subi %get3A_85, %sub3A_86 : vector<16xi32>
      %ge3A_88 = arith.constant 0 : i32
      %ge3A_89 = vector.broadcast %ge3A_88 : i32 to vector<16xi32>
      %ge3A_90 = arith.cmpi sge, %sub3A_87, %ge3A_89 : vector<16xi32>
      %lt3A_91 = arith.constant 5120 : i32
      %lt3A_92 = vector.broadcast %lt3A_91 : i32 to vector<16xi32>
      %lt3A_93 = arith.cmpi slt, %sub3A_87, %lt3A_92 : vector<16xi32>
      %and3A_94 = arith.andi %ge3A_90, %lt3A_93 : vector<16xi1>
      tpu.vector_store_idx %arg12[%iota3A, %sub3A_87], %broadcast_in_dim3A_11 masked %and3A_94 {add = true} : memref<16x5120xf32, #tpu.memory_space<vmem>>[vector<16xi32>, vector<16xi32>], vector<16xf32>, vector<16xi1>
      %get3A_95 = arith.index_cast %add3A_38 : i32 to index
      %get3A_96 = arith.constant 80 : index
      %get3A_97 = tpu.vector_load %arg9[%get3A_95, %get3A_96] {strides = array<i32>} : memref<79x128xi32, #tpu.memory_space<vmem>>, vector<16xi32>,
      %sub3A_98 = vector.broadcast %mul3A_13 : i32 to vector<16xi32>
      %sub3A_99 = arith.subi %get3A_97, %sub3A_98 : vector<16xi32>
      %ge3A_100 = arith.constant 0 : i32
      %ge3A_101 = vector.broadcast %ge3A_100 : i32 to vector<16xi32>
      %ge3A_102 = arith.cmpi sge, %sub3A_99, %ge3A_101 : vector<16xi32>
      %lt3A_103 = arith.constant 5120 : i32
      %lt3A_104 = vector.broadcast %lt3A_103 : i32 to vector<16xi32>
      %lt3A_105 = arith.cmpi slt, %sub3A_99, %lt3A_104 : vector<16xi32>
      %and3A_106 = arith.andi %ge3A_102, %lt3A_105 : vector<16xi1>
      tpu.vector_store_idx %arg12[%iota3A, %sub3A_99], %broadcast_in_dim3A_11 masked %and3A_106 {add = true} : memref<16x5120xf32, #tpu.memory_space<vmem>>[vector<16xi32>, vector<16xi32>], vector<16xf32>, vector<16xi1>
      %get3A_107 = arith.index_cast %add3A_38 : i32 to index
      %get3A_108 = arith.constant 96 : index
      %get3A_109 = tpu.vector_load %arg9[%get3A_107, %get3A_108] {strides = array<i32>} : memref<79x128xi32, #tpu.memory_space<vmem>>, vector<16xi32>,
      %sub3A_110 = vector.broadcast %mul3A_13 : i32 to vector<16xi32>
      %sub3A_111 = arith.subi %get3A_109, %sub3A_110 : vector<16xi32>
      %ge3A_112 = arith.constant 0 : i32
      %ge3A_113 = vector.broadcast %ge3A_112 : i32 to vector<16xi32>
      %ge3A_114 = arith.cmpi sge, %sub3A_111, %ge3A_113 : vector<16xi32>
      %lt3A_115 = arith.constant 5120 : i32
      %lt3A_116 = vector.broadcast %lt3A_115 : i32 to vector<16xi32>
      %lt3A_117 = arith.cmpi slt, %sub3A_111, %lt3A_116 : vector<16xi32>
      %and3A_118 = arith.andi %ge3A_114, %lt3A_117 : vector<16xi1>
      tpu.vector_store_idx %arg12[%iota3A, %sub3A_111], %broadcast_in_dim3A_11 masked %and3A_118 {add = true} : memref<16x5120xf32, #tpu.memory_space<vmem>>[vector<16xi32>, vector<16xi32>], vector<16xf32>, vector<16xi1>
      %get3A_119 = arith.index_cast %add3A_38 : i32 to index
      %get3A_120 = arith.constant 112 : index
      %get3A_121 = tpu.vector_load %arg9[%get3A_119, %get3A_120] {strides = array<i32>} : memref<79x128xi32, #tpu.memory_space<vmem>>, vector<16xi32>,
      %sub3A_122 = vector.broadcast %mul3A_13 : i32 to vector<16xi32>
      %sub3A_123 = arith.subi %get3A_121, %sub3A_122 : vector<16xi32>
      %ge3A_124 = arith.constant 0 : i32
      %ge3A_125 = vector.broadcast %ge3A_124 : i32 to vector<16xi32>
      %ge3A_126 = arith.cmpi sge, %sub3A_123, %ge3A_125 : vector<16xi32>
      %lt3A_127 = arith.constant 5120 : i32
      %lt3A_128 = vector.broadcast %lt3A_127 : i32 to vector<16xi32>
      %lt3A_129 = arith.cmpi slt, %sub3A_123, %lt3A_128 : vector<16xi32>
      %and3A_130 = arith.andi %ge3A_126, %lt3A_129 : vector<16xi1>
      tpu.vector_store_idx %arg12[%iota3A, %sub3A_123], %broadcast_in_dim3A_11 masked %and3A_130 {add = true} : memref<16x5120xf32, #tpu.memory_space<vmem>>[vector<16xi32>, vector<16xi32>], vector<16xf32>, vector<16xi1>
    }
    %scan3A_17 = arith.constant 79 : i32
    %scan3A_18 = arith.constant 0 : i32
    %scan3A_19 = arith.constant 79 : i32
    %scan3A_20 = arith.addi %scan3A_18, %scan3A_19 : i32
    %scan3A_21 = arith.constant 1 : i32
    scf.for %scan3A_34 = %scan3A_18 to %scan3A_20 step %scan3A_21  : i32 {
      %mul3A_35 = arith.constant 1 : i32
      %mul3A_36 = arith.muli %scan3A_34, %mul3A_35 : i32
      %add3A_37 = arith.constant 0 : i32
      %add3A_38 = arith.addi %add3A_37, %mul3A_36 : i32
      %get3A_39 = arith.index_cast %add3A_38 : i32 to index
      %get3A_40 = arith.constant 0 : index
      %get3A_41 = tpu.vector_load %arg10[%get3A_39, %get3A_40] {strides = array<i32>} : memref<79x128xi32, #tpu.memory_space<vmem>>, vector<16xi32>,
      %sub3A = vector.broadcast %mul3A_13 : i32 to vector<16xi32>
      %sub3A_42 = arith.subi %get3A_41, %sub3A : vector<16xi32>
      %ge3A = arith.constant 0 : i32
      %ge3A_43 = vector.broadcast %ge3A : i32 to vector<16xi32>
      %ge3A_44 = arith.cmpi sge, %sub3A_42, %ge3A_43 : vector<16xi32>
      %lt3A = arith.constant 5120 : i32
      %lt3A_45 = vector.broadcast %lt3A : i32 to vector<16xi32>
      %lt3A_46 = arith.cmpi slt, %sub3A_42, %lt3A_45 : vector<16xi32>
      %and3A = arith.andi %ge3A_44, %lt3A_46 : vector<16xi1>
      tpu.vector_store_idx %arg12[%iota3A, %sub3A_42], %broadcast_in_dim3A_11 masked %and3A {add = true} : memref<16x5120xf32, #tpu.memory_space<vmem>>[vector<16xi32>, vector<16xi32>], vector<16xf32>, vector<16xi1>
      %get3A_47 = arith.index_cast %add3A_38 : i32 to index
      %get3A_48 = arith.constant 16 : index
      %get3A_49 = tpu.vector_load %arg10[%get3A_47, %get3A_48] {strides = array<i32>} : memref<79x128xi32, #tpu.memory_space<vmem>>, vector<16xi32>,
      %sub3A_50 = vector.broadcast %mul3A_13 : i32 to vector<16xi32>
      %sub3A_51 = arith.subi %get3A_49, %sub3A_50 : vector<16xi32>
      %ge3A_52 = arith.constant 0 : i32
      %ge3A_53 = vector.broadcast %ge3A_52 : i32 to vector<16xi32>
      %ge3A_54 = arith.cmpi sge, %sub3A_51, %ge3A_53 : vector<16xi32>
      %lt3A_55 = arith.constant 5120 : i32
      %lt3A_56 = vector.broadcast %lt3A_55 : i32 to vector<16xi32>
      %lt3A_57 = arith.cmpi slt, %sub3A_51, %lt3A_56 : vector<16xi32>
      %and3A_58 = arith.andi %ge3A_54, %lt3A_57 : vector<16xi1>
      tpu.vector_store_idx %arg12[%iota3A, %sub3A_51], %broadcast_in_dim3A_11 masked %and3A_58 {add = true} : memref<16x5120xf32, #tpu.memory_space<vmem>>[vector<16xi32>, vector<16xi32>], vector<16xf32>, vector<16xi1>
      %get3A_59 = arith.index_cast %add3A_38 : i32 to index
      %get3A_60 = arith.constant 32 : index
      %get3A_61 = tpu.vector_load %arg10[%get3A_59, %get3A_60] {strides = array<i32>} : memref<79x128xi32, #tpu.memory_space<vmem>>, vector<16xi32>,
      %sub3A_62 = vector.broadcast %mul3A_13 : i32 to vector<16xi32>
      %sub3A_63 = arith.subi %get3A_61, %sub3A_62 : vector<16xi32>
      %ge3A_64 = arith.constant 0 : i32
      %ge3A_65 = vector.broadcast %ge3A_64 : i32 to vector<16xi32>
      %ge3A_66 = arith.cmpi sge, %sub3A_63, %ge3A_65 : vector<16xi32>
      %lt3A_67 = arith.constant 5120 : i32
      %lt3A_68 = vector.broadcast %lt3A_67 : i32 to vector<16xi32>
      %lt3A_69 = arith.cmpi slt, %sub3A_63, %lt3A_68 : vector<16xi32>
      %and3A_70 = arith.andi %ge3A_66, %lt3A_69 : vector<16xi1>
      tpu.vector_store_idx %arg12[%iota3A, %sub3A_63], %broadcast_in_dim3A_11 masked %and3A_70 {add = true} : memref<16x5120xf32, #tpu.memory_space<vmem>>[vector<16xi32>, vector<16xi32>], vector<16xf32>, vector<16xi1>
      %get3A_71 = arith.index_cast %add3A_38 : i32 to index
      %get3A_72 = arith.constant 48 : index
      %get3A_73 = tpu.vector_load %arg10[%get3A_71, %get3A_72] {strides = array<i32>} : memref<79x128xi32, #tpu.memory_space<vmem>>, vector<16xi32>,
      %sub3A_74 = vector.broadcast %mul3A_13 : i32 to vector<16xi32>
      %sub3A_75 = arith.subi %get3A_73, %sub3A_74 : vector<16xi32>
      %ge3A_76 = arith.constant 0 : i32
      %ge3A_77 = vector.broadcast %ge3A_76 : i32 to vector<16xi32>
      %ge3A_78 = arith.cmpi sge, %sub3A_75, %ge3A_77 : vector<16xi32>
      %lt3A_79 = arith.constant 5120 : i32
      %lt3A_80 = vector.broadcast %lt3A_79 : i32 to vector<16xi32>
      %lt3A_81 = arith.cmpi slt, %sub3A_75, %lt3A_80 : vector<16xi32>
      %and3A_82 = arith.andi %ge3A_78, %lt3A_81 : vector<16xi1>
      tpu.vector_store_idx %arg12[%iota3A, %sub3A_75], %broadcast_in_dim3A_11 masked %and3A_82 {add = true} : memref<16x5120xf32, #tpu.memory_space<vmem>>[vector<16xi32>, vector<16xi32>], vector<16xf32>, vector<16xi1>
      %get3A_83 = arith.index_cast %add3A_38 : i32 to index
      %get3A_84 = arith.constant 64 : index
      %get3A_85 = tpu.vector_load %arg10[%get3A_83, %get3A_84] {strides = array<i32>} : memref<79x128xi32, #tpu.memory_space<vmem>>, vector<16xi32>,
      %sub3A_86 = vector.broadcast %mul3A_13 : i32 to vector<16xi32>
      %sub3A_87 = arith.subi %get3A_85, %sub3A_86 : vector<16xi32>
      %ge3A_88 = arith.constant 0 : i32
      %ge3A_89 = vector.broadcast %ge3A_88 : i32 to vector<16xi32>
      %ge3A_90 = arith.cmpi sge, %sub3A_87, %ge3A_89 : vector<16xi32>
      %lt3A_91 = arith.constant 5120 : i32
      %lt3A_92 = vector.broadcast %lt3A_91 : i32 to vector<16xi32>
      %lt3A_93 = arith.cmpi slt, %sub3A_87, %lt3A_92 : vector<16xi32>
      %and3A_94 = arith.andi %ge3A_90, %lt3A_93 : vector<16xi1>
      tpu.vector_store_idx %arg12[%iota3A, %sub3A_87], %broadcast_in_dim3A_11 masked %and3A_94 {add = true} : memref<16x5120xf32, #tpu.memory_space<vmem>>[vector<16xi32>, vector<16xi32>], vector<16xf32>, vector<16xi1>
      %get3A_95 = arith.index_cast %add3A_38 : i32 to index
      %get3A_96 = arith.constant 80 : index
      %get3A_97 = tpu.vector_load %arg10[%get3A_95, %get3A_96] {strides = array<i32>} : memref<79x128xi32, #tpu.memory_space<vmem>>, vector<16xi32>,
      %sub3A_98 = vector.broadcast %mul3A_13 : i32 to vector<16xi32>
      %sub3A_99 = arith.subi %get3A_97, %sub3A_98 : vector<16xi32>
      %ge3A_100 = arith.constant 0 : i32
      %ge3A_101 = vector.broadcast %ge3A_100 : i32 to vector<16xi32>
      %ge3A_102 = arith.cmpi sge, %sub3A_99, %ge3A_101 : vector<16xi32>
      %lt3A_103 = arith.constant 5120 : i32
      %lt3A_104 = vector.broadcast %lt3A_103 : i32 to vector<16xi32>
      %lt3A_105 = arith.cmpi slt, %sub3A_99, %lt3A_104 : vector<16xi32>
      %and3A_106 = arith.andi %ge3A_102, %lt3A_105 : vector<16xi1>
      tpu.vector_store_idx %arg12[%iota3A, %sub3A_99], %broadcast_in_dim3A_11 masked %and3A_106 {add = true} : memref<16x5120xf32, #tpu.memory_space<vmem>>[vector<16xi32>, vector<16xi32>], vector<16xf32>, vector<16xi1>
      %get3A_107 = arith.index_cast %add3A_38 : i32 to index
      %get3A_108 = arith.constant 96 : index
      %get3A_109 = tpu.vector_load %arg10[%get3A_107, %get3A_108] {strides = array<i32>} : memref<79x128xi32, #tpu.memory_space<vmem>>, vector<16xi32>,
      %sub3A_110 = vector.broadcast %mul3A_13 : i32 to vector<16xi32>
      %sub3A_111 = arith.subi %get3A_109, %sub3A_110 : vector<16xi32>
      %ge3A_112 = arith.constant 0 : i32
      %ge3A_113 = vector.broadcast %ge3A_112 : i32 to vector<16xi32>
      %ge3A_114 = arith.cmpi sge, %sub3A_111, %ge3A_113 : vector<16xi32>
      %lt3A_115 = arith.constant 5120 : i32
      %lt3A_116 = vector.broadcast %lt3A_115 : i32 to vector<16xi32>
      %lt3A_117 = arith.cmpi slt, %sub3A_111, %lt3A_116 : vector<16xi32>
      %and3A_118 = arith.andi %ge3A_114, %lt3A_117 : vector<16xi1>
      tpu.vector_store_idx %arg12[%iota3A, %sub3A_111], %broadcast_in_dim3A_11 masked %and3A_118 {add = true} : memref<16x5120xf32, #tpu.memory_space<vmem>>[vector<16xi32>, vector<16xi32>], vector<16xf32>, vector<16xi1>
      %get3A_119 = arith.index_cast %add3A_38 : i32 to index
      %get3A_120 = arith.constant 112 : index
      %get3A_121 = tpu.vector_load %arg10[%get3A_119, %get3A_120] {strides = array<i32>} : memref<79x128xi32, #tpu.memory_space<vmem>>, vector<16xi32>,
      %sub3A_122 = vector.broadcast %mul3A_13 : i32 to vector<16xi32>
      %sub3A_123 = arith.subi %get3A_121, %sub3A_122 : vector<16xi32>
      %ge3A_124 = arith.constant 0 : i32
      %ge3A_125 = vector.broadcast %ge3A_124 : i32 to vector<16xi32>
      %ge3A_126 = arith.cmpi sge, %sub3A_123, %ge3A_125 : vector<16xi32>
      %lt3A_127 = arith.constant 5120 : i32
      %lt3A_128 = vector.broadcast %lt3A_127 : i32 to vector<16xi32>
      %lt3A_129 = arith.cmpi slt, %sub3A_123, %lt3A_128 : vector<16xi32>
      %and3A_130 = arith.andi %ge3A_126, %lt3A_129 : vector<16xi1>
      tpu.vector_store_idx %arg12[%iota3A, %sub3A_123], %broadcast_in_dim3A_11 masked %and3A_130 {add = true} : memref<16x5120xf32, #tpu.memory_space<vmem>>[vector<16xi32>, vector<16xi32>], vector<16xf32>, vector<16xi1>
    }
    %scan3A_22 = arith.constant 79 : i32
    %run_scoped3A = arith.constant 0 : i32
    "tpu.region"() ({
      %run_scoped3A_34 = tpu.sem_alloc : memref<!tpu.dma_semaphore, #tpu.memory_space<semaphore_mem>>
      %dma_start3A = arith.constant 0 : i32
      %dma_start3A_35 = arith.constant 0 : i32
      %dma_start3A_36 = arith.constant 0 : i32
      %dma_start3A_37 = arith.constant 0 : i32
      %dma_start3A_38 = tpu.memref_slice %arg6[%arg0, %dma_start3A, %dma_start3A_35, %dma_start3A_36, %dma_start3A_37] : memref<2x16x2x16x5120xf32, #tpu.memory_space<hbm>> -> memref<1x16x2x16x5120xf32, #tpu.memory_space<hbm>>
      %dma_start3A_39 = tpu.memref_squeeze %dma_start3A_38 : memref<1x16x2x16x5120xf32, #tpu.memory_space<hbm>> -> memref<16x2x16x5120xf32, #tpu.memory_space<hbm>>
      %dma_start3A_40 = arith.constant 0 : i32
      %dma_start3A_41 = arith.constant 0 : i32
      %dma_start3A_42 = arith.constant 0 : i32
      %dma_start3A_43 = tpu.memref_slice %dma_start3A_39[%arg1, %dma_start3A_40, %dma_start3A_41, %dma_start3A_42] : memref<16x2x16x5120xf32, #tpu.memory_space<hbm>> -> memref<1x2x16x5120xf32, #tpu.memory_space<hbm>>
      %dma_start3A_44 = tpu.memref_squeeze %dma_start3A_43 : memref<1x2x16x5120xf32, #tpu.memory_space<hbm>> -> memref<2x16x5120xf32, #tpu.memory_space<hbm>>
      %dma_start3A_45 = arith.constant 0 : i32
      %dma_start3A_46 = arith.constant 0 : i32
      %dma_start3A_47 = tpu.memref_slice %dma_start3A_44[%run_scoped3A, %dma_start3A_45, %dma_start3A_46] : memref<2x16x5120xf32, #tpu.memory_space<hbm>> -> memref<1x16x5120xf32, #tpu.memory_space<hbm>>
      %dma_start3A_48 = tpu.memref_squeeze %dma_start3A_47 : memref<1x16x5120xf32, #tpu.memory_space<hbm>> -> memref<16x5120xf32, #tpu.memory_space<hbm>>
      %dma_start3A_49 = arith.constant 0 : i32
      %dma_start3A_50 = arith.constant 0 : i32
      %dma_start3A_51 = arith.constant 0 : i32
      %dma_start3A_52 = arith.constant 0 : i32
      %dma_start3A_53 = tpu.memref_slice %arg6[%arg0, %dma_start3A_49, %dma_start3A_50, %dma_start3A_51, %dma_start3A_52] : memref<2x16x2x16x5120xf32, #tpu.memory_space<hbm>> -> memref<1x16x2x16x5120xf32, #tpu.memory_space<hbm>>
      %dma_start3A_54 = tpu.memref_squeeze %dma_start3A_53 : memref<1x16x2x16x5120xf32, #tpu.memory_space<hbm>> -> memref<16x2x16x5120xf32, #tpu.memory_space<hbm>>
      %dma_start3A_55 = arith.constant 0 : i32
      %dma_start3A_56 = arith.constant 0 : i32
      %dma_start3A_57 = arith.constant 0 : i32
      %dma_start3A_58 = tpu.memref_slice %dma_start3A_54[%arg1, %dma_start3A_55, %dma_start3A_56, %dma_start3A_57] : memref<16x2x16x5120xf32, #tpu.memory_space<hbm>> -> memref<1x2x16x5120xf32, #tpu.memory_space<hbm>>
      %dma_start3A_59 = tpu.memref_squeeze %dma_start3A_58 : memref<1x2x16x5120xf32, #tpu.memory_space<hbm>> -> memref<2x16x5120xf32, #tpu.memory_space<hbm>>
      %dma_start3A_60 = arith.constant 0 : i32
      %dma_start3A_61 = arith.constant 0 : i32
      %dma_start3A_62 = tpu.memref_slice %dma_start3A_59[%run_scoped3A, %dma_start3A_60, %dma_start3A_61] : memref<2x16x5120xf32, #tpu.memory_space<hbm>> -> memref<1x16x5120xf32, #tpu.memory_space<hbm>>
      %dma_start3A_63 = tpu.memref_squeeze %dma_start3A_62 : memref<1x16x5120xf32, #tpu.memory_space<hbm>> -> memref<16x5120xf32, #tpu.memory_space<hbm>>
      tpu.enqueue_dma source(%arg12 : memref<16x5120xf32, #tpu.memory_space<vmem>>) target(%dma_start3A_63 : memref<16x5120xf32, #tpu.memory_space<hbm>>) target_semaphore(%run_scoped3A_34 : memref<!tpu.dma_semaphore, #tpu.memory_space<semaphore_mem>>)
      %dma_wait3A = arith.constant 0 : i32
      %dma_wait3A_64 = arith.constant 0 : i32
      %dma_wait3A_65 = arith.constant 0 : i32
      %dma_wait3A_66 = arith.constant 0 : i32
      %dma_wait3A_67 = tpu.memref_slice %arg6[%arg0, %dma_wait3A, %dma_wait3A_64, %dma_wait3A_65, %dma_wait3A_66] : memref<2x16x2x16x5120xf32, #tpu.memory_space<hbm>> -> memref<1x16x2x16x5120xf32, #tpu.memory_space<hbm>>
      %dma_wait3A_68 = tpu.memref_squeeze %dma_wait3A_67 : memref<1x16x2x16x5120xf32, #tpu.memory_space<hbm>> -> memref<16x2x16x5120xf32, #tpu.memory_space<hbm>>
      %dma_wait3A_69 = arith.constant 0 : i32
      %dma_wait3A_70 = arith.constant 0 : i32
      %dma_wait3A_71 = arith.constant 0 : i32
      %dma_wait3A_72 = tpu.memref_slice %dma_wait3A_68[%arg1, %dma_wait3A_69, %dma_wait3A_70, %dma_wait3A_71] : memref<16x2x16x5120xf32, #tpu.memory_space<hbm>> -> memref<1x2x16x5120xf32, #tpu.memory_space<hbm>>
      %dma_wait3A_73 = tpu.memref_squeeze %dma_wait3A_72 : memref<1x2x16x5120xf32, #tpu.memory_space<hbm>> -> memref<2x16x5120xf32, #tpu.memory_space<hbm>>
      %dma_wait3A_74 = arith.constant 0 : i32
      %dma_wait3A_75 = arith.constant 0 : i32
      %dma_wait3A_76 = tpu.memref_slice %dma_wait3A_73[%run_scoped3A, %dma_wait3A_74, %dma_wait3A_75] : memref<2x16x5120xf32, #tpu.memory_space<hbm>> -> memref<1x16x5120xf32, #tpu.memory_space<hbm>>
      %dma_wait3A_77 = tpu.memref_squeeze %dma_wait3A_76 : memref<1x16x5120xf32, #tpu.memory_space<hbm>> -> memref<16x5120xf32, #tpu.memory_space<hbm>>
      %dma_wait3A_78 = arith.constant 0 : i32
      %dma_wait3A_79 = arith.constant 0 : i32
      %dma_wait3A_80 = arith.constant 0 : i32
      %dma_wait3A_81 = arith.constant 0 : i32
      %dma_wait3A_82 = tpu.memref_slice %arg6[%arg0, %dma_wait3A_78, %dma_wait3A_79, %dma_wait3A_80, %dma_wait3A_81] : memref<2x16x2x16x5120xf32, #tpu.memory_space<hbm>> -> memref<1x16x2x16x5120xf32, #tpu.memory_space<hbm>>
      %dma_wait3A_83 = tpu.memref_squeeze %dma_wait3A_82 : memref<1x16x2x16x5120xf32, #tpu.memory_space<hbm>> -> memref<16x2x16x5120xf32, #tpu.memory_space<hbm>>
      %dma_wait3A_84 = arith.constant 0 : i32
      %dma_wait3A_85 = arith.constant 0 : i32
      %dma_wait3A_86 = arith.constant 0 : i32
      %dma_wait3A_87 = tpu.memref_slice %dma_wait3A_83[%arg1, %dma_wait3A_84, %dma_wait3A_85, %dma_wait3A_86] : memref<16x2x16x5120xf32, #tpu.memory_space<hbm>> -> memref<1x2x16x5120xf32, #tpu.memory_space<hbm>>
      %dma_wait3A_88 = tpu.memref_squeeze %dma_wait3A_87 : memref<1x2x16x5120xf32, #tpu.memory_space<hbm>> -> memref<2x16x5120xf32, #tpu.memory_space<hbm>>
      %dma_wait3A_89 = arith.constant 0 : i32
      %dma_wait3A_90 = arith.constant 0 : i32
      %dma_wait3A_91 = tpu.memref_slice %dma_wait3A_88[%run_scoped3A, %dma_wait3A_89, %dma_wait3A_90] : memref<2x16x5120xf32, #tpu.memory_space<hbm>> -> memref<1x16x5120xf32, #tpu.memory_space<hbm>>
      %dma_wait3A_92 = tpu.memref_squeeze %dma_wait3A_91 : memref<1x16x5120xf32, #tpu.memory_space<hbm>> -> memref<16x5120xf32, #tpu.memory_space<hbm>>
      tpu.wait_dma2 semaphore(%run_scoped3A_34 : memref<!tpu.dma_semaphore, #tpu.memory_space<semaphore_mem>>) src(%arg12 : memref<16x5120xf32, #tpu.memory_space<vmem>>) dst(%dma_wait3A_92 : memref<16x5120xf32, #tpu.memory_space<hbm>>)
      tpu.yield
    }) : () -> ()
    "tpu.region"() ({
      %run_scoped3A_34 = tpu.sem_alloc : memref<!tpu.dma_semaphore, #tpu.memory_space<semaphore_mem>>
      tpu.enqueue_dma source(%arg5 : memref<16x5120xf32, #tpu.memory_space<hbm>>) target(%arg12 : memref<16x5120xf32, #tpu.memory_space<vmem>>) target_semaphore(%run_scoped3A_34 : memref<!tpu.dma_semaphore, #tpu.memory_space<semaphore_mem>>)
      tpu.wait_dma2 semaphore(%run_scoped3A_34 : memref<!tpu.dma_semaphore, #tpu.memory_space<semaphore_mem>>) src(%arg5 : memref<16x5120xf32, #tpu.memory_space<hbm>>) dst(%arg12 : memref<16x5120xf32, #tpu.memory_space<vmem>>)
      tpu.yield
    }) : () -> ()
    %scan3A_23 = arith.constant 0 : i32
    %scan3A_24 = arith.constant 79 : i32
    %scan3A_25 = arith.addi %scan3A_23, %scan3A_24 : i32
    %scan3A_26 = arith.constant 1 : i32
    scf.for %scan3A_34 = %scan3A_23 to %scan3A_25 step %scan3A_26  : i32 {
      %mul3A_35 = arith.constant 1 : i32
      %mul3A_36 = arith.muli %scan3A_34, %mul3A_35 : i32
      %add3A_37 = arith.constant 0 : i32
      %add3A_38 = arith.addi %add3A_37, %mul3A_36 : i32
      %get3A_39 = arith.index_cast %add3A_38 : i32 to index
      %get3A_40 = arith.constant 0 : index
      %get3A_41 = tpu.vector_load %arg9[%get3A_39, %get3A_40] {strides = array<i32>} : memref<79x128xi32, #tpu.memory_space<vmem>>, vector<16xi32>,
      %sub3A = vector.broadcast %mul3A_13 : i32 to vector<16xi32>
      %sub3A_42 = arith.subi %get3A_41, %sub3A : vector<16xi32>
      %ge3A = arith.constant 0 : i32
      %ge3A_43 = vector.broadcast %ge3A : i32 to vector<16xi32>
      %ge3A_44 = arith.cmpi sge, %sub3A_42, %ge3A_43 : vector<16xi32>
      %lt3A = arith.constant 5120 : i32
      %lt3A_45 = vector.broadcast %lt3A : i32 to vector<16xi32>
      %lt3A_46 = arith.cmpi slt, %sub3A_42, %lt3A_45 : vector<16xi32>
      %and3A = arith.andi %ge3A_44, %lt3A_46 : vector<16xi1>
      %get3A_47 = arith.index_cast %add3A_38 : i32 to index
      %get3A_48 = arith.constant 0 : index
      %get3A_49 = tpu.vector_load %arg7[%get3A_47, %get3A_48] {strides = array<i32>} : memref<79x128xi32, #tpu.memory_space<vmem>>, vector<16xi32>,
      %eq3A = arith.cmpi eq, %get3A_49, %get3A_10 : vector<16xi32>
      %and3A_50 = arith.andi %and3A, %eq3A : vector<16xi1>
      tpu.vector_store_idx %arg12[%iota3A, %sub3A_42], %broadcast_in_dim3A_11 masked %and3A_50 {add = true} : memref<16x5120xf32, #tpu.memory_space<vmem>>[vector<16xi32>, vector<16xi32>], vector<16xf32>, vector<16xi1>
      %get3A_51 = arith.index_cast %add3A_38 : i32 to index
      %get3A_52 = arith.constant 16 : index
      %get3A_53 = tpu.vector_load %arg9[%get3A_51, %get3A_52] {strides = array<i32>} : memref<79x128xi32, #tpu.memory_space<vmem>>, vector<16xi32>,
      %sub3A_54 = vector.broadcast %mul3A_13 : i32 to vector<16xi32>
      %sub3A_55 = arith.subi %get3A_53, %sub3A_54 : vector<16xi32>
      %ge3A_56 = arith.constant 0 : i32
      %ge3A_57 = vector.broadcast %ge3A_56 : i32 to vector<16xi32>
      %ge3A_58 = arith.cmpi sge, %sub3A_55, %ge3A_57 : vector<16xi32>
      %lt3A_59 = arith.constant 5120 : i32
      %lt3A_60 = vector.broadcast %lt3A_59 : i32 to vector<16xi32>
      %lt3A_61 = arith.cmpi slt, %sub3A_55, %lt3A_60 : vector<16xi32>
      %and3A_62 = arith.andi %ge3A_58, %lt3A_61 : vector<16xi1>
      %get3A_63 = arith.index_cast %add3A_38 : i32 to index
      %get3A_64 = arith.constant 16 : index
      %get3A_65 = tpu.vector_load %arg7[%get3A_63, %get3A_64] {strides = array<i32>} : memref<79x128xi32, #tpu.memory_space<vmem>>, vector<16xi32>,
      %eq3A_66 = arith.cmpi eq, %get3A_65, %get3A_10 : vector<16xi32>
      %and3A_67 = arith.andi %and3A_62, %eq3A_66 : vector<16xi1>
      tpu.vector_store_idx %arg12[%iota3A, %sub3A_55], %broadcast_in_dim3A_11 masked %and3A_67 {add = true} : memref<16x5120xf32, #tpu.memory_space<vmem>>[vector<16xi32>, vector<16xi32>], vector<16xf32>, vector<16xi1>
      %get3A_68 = arith.index_cast %add3A_38 : i32 to index
      %get3A_69 = arith.constant 32 : index
      %get3A_70 = tpu.vector_load %arg9[%get3A_68, %get3A_69] {strides = array<i32>} : memref<79x128xi32, #tpu.memory_space<vmem>>, vector<16xi32>,
      %sub3A_71 = vector.broadcast %mul3A_13 : i32 to vector<16xi32>
      %sub3A_72 = arith.subi %get3A_70, %sub3A_71 : vector<16xi32>
      %ge3A_73 = arith.constant 0 : i32
      %ge3A_74 = vector.broadcast %ge3A_73 : i32 to vector<16xi32>
      %ge3A_75 = arith.cmpi sge, %sub3A_72, %ge3A_74 : vector<16xi32>
      %lt3A_76 = arith.constant 5120 : i32
      %lt3A_77 = vector.broadcast %lt3A_76 : i32 to vector<16xi32>
      %lt3A_78 = arith.cmpi slt, %sub3A_72, %lt3A_77 : vector<16xi32>
      %and3A_79 = arith.andi %ge3A_75, %lt3A_78 : vector<16xi1>
      %get3A_80 = arith.index_cast %add3A_38 : i32 to index
      %get3A_81 = arith.constant 32 : index
      %get3A_82 = tpu.vector_load %arg7[%get3A_80, %get3A_81] {strides = array<i32>} : memref<79x128xi32, #tpu.memory_space<vmem>>, vector<16xi32>,
      %eq3A_83 = arith.cmpi eq, %get3A_82, %get3A_10 : vector<16xi32>
      %and3A_84 = arith.andi %and3A_79, %eq3A_83 : vector<16xi1>
      tpu.vector_store_idx %arg12[%iota3A, %sub3A_72], %broadcast_in_dim3A_11 masked %and3A_84 {add = true} : memref<16x5120xf32, #tpu.memory_space<vmem>>[vector<16xi32>, vector<16xi32>], vector<16xf32>, vector<16xi1>
      %get3A_85 = arith.index_cast %add3A_38 : i32 to index
      %get3A_86 = arith.constant 48 : index
      %get3A_87 = tpu.vector_load %arg9[%get3A_85, %get3A_86] {strides = array<i32>} : memref<79x128xi32, #tpu.memory_space<vmem>>, vector<16xi32>,
      %sub3A_88 = vector.broadcast %mul3A_13 : i32 to vector<16xi32>
      %sub3A_89 = arith.subi %get3A_87, %sub3A_88 : vector<16xi32>
      %ge3A_90 = arith.constant 0 : i32
      %ge3A_91 = vector.broadcast %ge3A_90 : i32 to vector<16xi32>
      %ge3A_92 = arith.cmpi sge, %sub3A_89, %ge3A_91 : vector<16xi32>
      %lt3A_93 = arith.constant 5120 : i32
      %lt3A_94 = vector.broadcast %lt3A_93 : i32 to vector<16xi32>
      %lt3A_95 = arith.cmpi slt, %sub3A_89, %lt3A_94 : vector<16xi32>
      %and3A_96 = arith.andi %ge3A_92, %lt3A_95 : vector<16xi1>
      %get3A_97 = arith.index_cast %add3A_38 : i32 to index
      %get3A_98 = arith.constant 48 : index
      %get3A_99 = tpu.vector_load %arg7[%get3A_97, %get3A_98] {strides = array<i32>} : memref<79x128xi32, #tpu.memory_space<vmem>>, vector<16xi32>,
      %eq3A_100 = arith.cmpi eq, %get3A_99, %get3A_10 : vector<16xi32>
      %and3A_101 = arith.andi %and3A_96, %eq3A_100 : vector<16xi1>
      tpu.vector_store_idx %arg12[%iota3A, %sub3A_89], %broadcast_in_dim3A_11 masked %and3A_101 {add = true} : memref<16x5120xf32, #tpu.memory_space<vmem>>[vector<16xi32>, vector<16xi32>], vector<16xf32>, vector<16xi1>
      %get3A_102 = arith.index_cast %add3A_38 : i32 to index
      %get3A_103 = arith.constant 64 : index
      %get3A_104 = tpu.vector_load %arg9[%get3A_102, %get3A_103] {strides = array<i32>} : memref<79x128xi32, #tpu.memory_space<vmem>>, vector<16xi32>,
      %sub3A_105 = vector.broadcast %mul3A_13 : i32 to vector<16xi32>
      %sub3A_106 = arith.subi %get3A_104, %sub3A_105 : vector<16xi32>
      %ge3A_107 = arith.constant 0 : i32
      %ge3A_108 = vector.broadcast %ge3A_107 : i32 to vector<16xi32>
      %ge3A_109 = arith.cmpi sge, %sub3A_106, %ge3A_108 : vector<16xi32>
      %lt3A_110 = arith.constant 5120 : i32
      %lt3A_111 = vector.broadcast %lt3A_110 : i32 to vector<16xi32>
      %lt3A_112 = arith.cmpi slt, %sub3A_106, %lt3A_111 : vector<16xi32>
      %and3A_113 = arith.andi %ge3A_109, %lt3A_112 : vector<16xi1>
      %get3A_114 = arith.index_cast %add3A_38 : i32 to index
      %get3A_115 = arith.constant 64 : index
      %get3A_116 = tpu.vector_load %arg7[%get3A_114, %get3A_115] {strides = array<i32>} : memref<79x128xi32, #tpu.memory_space<vmem>>, vector<16xi32>,
      %eq3A_117 = arith.cmpi eq, %get3A_116, %get3A_10 : vector<16xi32>
      %and3A_118 = arith.andi %and3A_113, %eq3A_117 : vector<16xi1>
      tpu.vector_store_idx %arg12[%iota3A, %sub3A_106], %broadcast_in_dim3A_11 masked %and3A_118 {add = true} : memref<16x5120xf32, #tpu.memory_space<vmem>>[vector<16xi32>, vector<16xi32>], vector<16xf32>, vector<16xi1>
      %get3A_119 = arith.index_cast %add3A_38 : i32 to index
      %get3A_120 = arith.constant 80 : index
      %get3A_121 = tpu.vector_load %arg9[%get3A_119, %get3A_120] {strides = array<i32>} : memref<79x128xi32, #tpu.memory_space<vmem>>, vector<16xi32>,
      %sub3A_122 = vector.broadcast %mul3A_13 : i32 to vector<16xi32>
      %sub3A_123 = arith.subi %get3A_121, %sub3A_122 : vector<16xi32>
      %ge3A_124 = arith.constant 0 : i32
      %ge3A_125 = vector.broadcast %ge3A_124 : i32 to vector<16xi32>
      %ge3A_126 = arith.cmpi sge, %sub3A_123, %ge3A_125 : vector<16xi32>
      %lt3A_127 = arith.constant 5120 : i32
      %lt3A_128 = vector.broadcast %lt3A_127 : i32 to vector<16xi32>
      %lt3A_129 = arith.cmpi slt, %sub3A_123, %lt3A_128 : vector<16xi32>
      %and3A_130 = arith.andi %ge3A_126, %lt3A_129 : vector<16xi1>
      %get3A_131 = arith.index_cast %add3A_38 : i32 to index
      %get3A_132 = arith.constant 80 : index
      %get3A_133 = tpu.vector_load %arg7[%get3A_131, %get3A_132] {strides = array<i32>} : memref<79x128xi32, #tpu.memory_space<vmem>>, vector<16xi32>,
      %eq3A_134 = arith.cmpi eq, %get3A_133, %get3A_10 : vector<16xi32>
      %and3A_135 = arith.andi %and3A_130, %eq3A_134 : vector<16xi1>
      tpu.vector_store_idx %arg12[%iota3A, %sub3A_123], %broadcast_in_dim3A_11 masked %and3A_135 {add = true} : memref<16x5120xf32, #tpu.memory_space<vmem>>[vector<16xi32>, vector<16xi32>], vector<16xf32>, vector<16xi1>
      %get3A_136 = arith.index_cast %add3A_38 : i32 to index
      %get3A_137 = arith.constant 96 : index
      %get3A_138 = tpu.vector_load %arg9[%get3A_136, %get3A_137] {strides = array<i32>} : memref<79x128xi32, #tpu.memory_space<vmem>>, vector<16xi32>,
      %sub3A_139 = vector.broadcast %mul3A_13 : i32 to vector<16xi32>
      %sub3A_140 = arith.subi %get3A_138, %sub3A_139 : vector<16xi32>
      %ge3A_141 = arith.constant 0 : i32
      %ge3A_142 = vector.broadcast %ge3A_141 : i32 to vector<16xi32>
      %ge3A_143 = arith.cmpi sge, %sub3A_140, %ge3A_142 : vector<16xi32>
      %lt3A_144 = arith.constant 5120 : i32
      %lt3A_145 = vector.broadcast %lt3A_144 : i32 to vector<16xi32>
      %lt3A_146 = arith.cmpi slt, %sub3A_140, %lt3A_145 : vector<16xi32>
      %and3A_147 = arith.andi %ge3A_143, %lt3A_146 : vector<16xi1>
      %get3A_148 = arith.index_cast %add3A_38 : i32 to index
      %get3A_149 = arith.constant 96 : index
      %get3A_150 = tpu.vector_load %arg7[%get3A_148, %get3A_149] {strides = array<i32>} : memref<79x128xi32, #tpu.memory_space<vmem>>, vector<16xi32>,
      %eq3A_151 = arith.cmpi eq, %get3A_150, %get3A_10 : vector<16xi32>
      %and3A_152 = arith.andi %and3A_147, %eq3A_151 : vector<16xi1>
      tpu.vector_store_idx %arg12[%iota3A, %sub3A_140], %broadcast_in_dim3A_11 masked %and3A_152 {add = true} : memref<16x5120xf32, #tpu.memory_space<vmem>>[vector<16xi32>, vector<16xi32>], vector<16xf32>, vector<16xi1>
      %get3A_153 = arith.index_cast %add3A_38 : i32 to index
      %get3A_154 = arith.constant 112 : index
      %get3A_155 = tpu.vector_load %arg9[%get3A_153, %get3A_154] {strides = array<i32>} : memref<79x128xi32, #tpu.memory_space<vmem>>, vector<16xi32>,
      %sub3A_156 = vector.broadcast %mul3A_13 : i32 to vector<16xi32>
      %sub3A_157 = arith.subi %get3A_155, %sub3A_156 : vector<16xi32>
      %ge3A_158 = arith.constant 0 : i32
      %ge3A_159 = vector.broadcast %ge3A_158 : i32 to vector<16xi32>
      %ge3A_160 = arith.cmpi sge, %sub3A_157, %ge3A_159 : vector<16xi32>
      %lt3A_161 = arith.constant 5120 : i32
      %lt3A_162 = vector.broadcast %lt3A_161 : i32 to vector<16xi32>
      %lt3A_163 = arith.cmpi slt, %sub3A_157, %lt3A_162 : vector<16xi32>
      %and3A_164 = arith.andi %ge3A_160, %lt3A_163 : vector<16xi1>
      %get3A_165 = arith.index_cast %add3A_38 : i32 to index
      %get3A_166 = arith.constant 112 : index
      %get3A_167 = tpu.vector_load %arg7[%get3A_165, %get3A_166] {strides = array<i32>} : memref<79x128xi32, #tpu.memory_space<vmem>>, vector<16xi32>,
      %eq3A_168 = arith.cmpi eq, %get3A_167, %get3A_10 : vector<16xi32>
      %and3A_169 = arith.andi %and3A_164, %eq3A_168 : vector<16xi1>
      tpu.vector_store_idx %arg12[%iota3A, %sub3A_157], %broadcast_in_dim3A_11 masked %and3A_169 {add = true} : memref<16x5120xf32, #tpu.memory_space<vmem>>[vector<16xi32>, vector<16xi32>], vector<16xf32>, vector<16xi1>
    }
    %scan3A_27 = arith.constant 79 : i32
    %scan3A_28 = arith.constant 0 : i32
    %scan3A_29 = arith.constant 79 : i32
    %scan3A_30 = arith.addi %scan3A_28, %scan3A_29 : i32
    %scan3A_31 = arith.constant 1 : i32
    scf.for %scan3A_34 = %scan3A_28 to %scan3A_30 step %scan3A_31  : i32 {
      %mul3A_35 = arith.constant 1 : i32
      %mul3A_36 = arith.muli %scan3A_34, %mul3A_35 : i32
      %add3A_37 = arith.constant 0 : i32
      %add3A_38 = arith.addi %add3A_37, %mul3A_36 : i32
      %get3A_39 = arith.index_cast %add3A_38 : i32 to index
      %get3A_40 = arith.constant 0 : index
      %get3A_41 = tpu.vector_load %arg10[%get3A_39, %get3A_40] {strides = array<i32>} : memref<79x128xi32, #tpu.memory_space<vmem>>, vector<16xi32>,
      %sub3A = vector.broadcast %mul3A_13 : i32 to vector<16xi32>
      %sub3A_42 = arith.subi %get3A_41, %sub3A : vector<16xi32>
      %ge3A = arith.constant 0 : i32
      %ge3A_43 = vector.broadcast %ge3A : i32 to vector<16xi32>
      %ge3A_44 = arith.cmpi sge, %sub3A_42, %ge3A_43 : vector<16xi32>
      %lt3A = arith.constant 5120 : i32
      %lt3A_45 = vector.broadcast %lt3A : i32 to vector<16xi32>
      %lt3A_46 = arith.cmpi slt, %sub3A_42, %lt3A_45 : vector<16xi32>
      %and3A = arith.andi %ge3A_44, %lt3A_46 : vector<16xi1>
      %get3A_47 = arith.index_cast %add3A_38 : i32 to index
      %get3A_48 = arith.constant 0 : index
      %get3A_49 = tpu.vector_load %arg8[%get3A_47, %get3A_48] {strides = array<i32>} : memref<79x128xi32, #tpu.memory_space<vmem>>, vector<16xi32>,
      %eq3A = arith.cmpi eq, %get3A_49, %get3A_10 : vector<16xi32>
      %and3A_50 = arith.andi %and3A, %eq3A : vector<16xi1>
      tpu.vector_store_idx %arg12[%iota3A, %sub3A_42], %broadcast_in_dim3A_11 masked %and3A_50 {add = true} : memref<16x5120xf32, #tpu.memory_space<vmem>>[vector<16xi32>, vector<16xi32>], vector<16xf32>, vector<16xi1>
      %get3A_51 = arith.index_cast %add3A_38 : i32 to index
      %get3A_52 = arith.constant 16 : index
      %get3A_53 = tpu.vector_load %arg10[%get3A_51, %get3A_52] {strides = array<i32>} : memref<79x128xi32, #tpu.memory_space<vmem>>, vector<16xi32>,
      %sub3A_54 = vector.broadcast %mul3A_13 : i32 to vector<16xi32>
      %sub3A_55 = arith.subi %get3A_53, %sub3A_54 : vector<16xi32>
      %ge3A_56 = arith.constant 0 : i32
      %ge3A_57 = vector.broadcast %ge3A_56 : i32 to vector<16xi32>
      %ge3A_58 = arith.cmpi sge, %sub3A_55, %ge3A_57 : vector<16xi32>
      %lt3A_59 = arith.constant 5120 : i32
      %lt3A_60 = vector.broadcast %lt3A_59 : i32 to vector<16xi32>
      %lt3A_61 = arith.cmpi slt, %sub3A_55, %lt3A_60 : vector<16xi32>
      %and3A_62 = arith.andi %ge3A_58, %lt3A_61 : vector<16xi1>
      %get3A_63 = arith.index_cast %add3A_38 : i32 to index
      %get3A_64 = arith.constant 16 : index
      %get3A_65 = tpu.vector_load %arg8[%get3A_63, %get3A_64] {strides = array<i32>} : memref<79x128xi32, #tpu.memory_space<vmem>>, vector<16xi32>,
      %eq3A_66 = arith.cmpi eq, %get3A_65, %get3A_10 : vector<16xi32>
      %and3A_67 = arith.andi %and3A_62, %eq3A_66 : vector<16xi1>
      tpu.vector_store_idx %arg12[%iota3A, %sub3A_55], %broadcast_in_dim3A_11 masked %and3A_67 {add = true} : memref<16x5120xf32, #tpu.memory_space<vmem>>[vector<16xi32>, vector<16xi32>], vector<16xf32>, vector<16xi1>
      %get3A_68 = arith.index_cast %add3A_38 : i32 to index
      %get3A_69 = arith.constant 32 : index
      %get3A_70 = tpu.vector_load %arg10[%get3A_68, %get3A_69] {strides = array<i32>} : memref<79x128xi32, #tpu.memory_space<vmem>>, vector<16xi32>,
      %sub3A_71 = vector.broadcast %mul3A_13 : i32 to vector<16xi32>
      %sub3A_72 = arith.subi %get3A_70, %sub3A_71 : vector<16xi32>
      %ge3A_73 = arith.constant 0 : i32
      %ge3A_74 = vector.broadcast %ge3A_73 : i32 to vector<16xi32>
      %ge3A_75 = arith.cmpi sge, %sub3A_72, %ge3A_74 : vector<16xi32>
      %lt3A_76 = arith.constant 5120 : i32
      %lt3A_77 = vector.broadcast %lt3A_76 : i32 to vector<16xi32>
      %lt3A_78 = arith.cmpi slt, %sub3A_72, %lt3A_77 : vector<16xi32>
      %and3A_79 = arith.andi %ge3A_75, %lt3A_78 : vector<16xi1>
      %get3A_80 = arith.index_cast %add3A_38 : i32 to index
      %get3A_81 = arith.constant 32 : index
      %get3A_82 = tpu.vector_load %arg8[%get3A_80, %get3A_81] {strides = array<i32>} : memref<79x128xi32, #tpu.memory_space<vmem>>, vector<16xi32>,
      %eq3A_83 = arith.cmpi eq, %get3A_82, %get3A_10 : vector<16xi32>
      %and3A_84 = arith.andi %and3A_79, %eq3A_83 : vector<16xi1>
      tpu.vector_store_idx %arg12[%iota3A, %sub3A_72], %broadcast_in_dim3A_11 masked %and3A_84 {add = true} : memref<16x5120xf32, #tpu.memory_space<vmem>>[vector<16xi32>, vector<16xi32>], vector<16xf32>, vector<16xi1>
      %get3A_85 = arith.index_cast %add3A_38 : i32 to index
      %get3A_86 = arith.constant 48 : index
      %get3A_87 = tpu.vector_load %arg10[%get3A_85, %get3A_86] {strides = array<i32>} : memref<79x128xi32, #tpu.memory_space<vmem>>, vector<16xi32>,
      %sub3A_88 = vector.broadcast %mul3A_13 : i32 to vector<16xi32>
      %sub3A_89 = arith.subi %get3A_87, %sub3A_88 : vector<16xi32>
      %ge3A_90 = arith.constant 0 : i32
      %ge3A_91 = vector.broadcast %ge3A_90 : i32 to vector<16xi32>
      %ge3A_92 = arith.cmpi sge, %sub3A_89, %ge3A_91 : vector<16xi32>
      %lt3A_93 = arith.constant 5120 : i32
      %lt3A_94 = vector.broadcast %lt3A_93 : i32 to vector<16xi32>
      %lt3A_95 = arith.cmpi slt, %sub3A_89, %lt3A_94 : vector<16xi32>
      %and3A_96 = arith.andi %ge3A_92, %lt3A_95 : vector<16xi1>
      %get3A_97 = arith.index_cast %add3A_38 : i32 to index
      %get3A_98 = arith.constant 48 : index
      %get3A_99 = tpu.vector_load %arg8[%get3A_97, %get3A_98] {strides = array<i32>} : memref<79x128xi32, #tpu.memory_space<vmem>>, vector<16xi32>,
      %eq3A_100 = arith.cmpi eq, %get3A_99, %get3A_10 : vector<16xi32>
      %and3A_101 = arith.andi %and3A_96, %eq3A_100 : vector<16xi1>
      tpu.vector_store_idx %arg12[%iota3A, %sub3A_89], %broadcast_in_dim3A_11 masked %and3A_101 {add = true} : memref<16x5120xf32, #tpu.memory_space<vmem>>[vector<16xi32>, vector<16xi32>], vector<16xf32>, vector<16xi1>
      %get3A_102 = arith.index_cast %add3A_38 : i32 to index
      %get3A_103 = arith.constant 64 : index
      %get3A_104 = tpu.vector_load %arg10[%get3A_102, %get3A_103] {strides = array<i32>} : memref<79x128xi32, #tpu.memory_space<vmem>>, vector<16xi32>,
      %sub3A_105 = vector.broadcast %mul3A_13 : i32 to vector<16xi32>
      %sub3A_106 = arith.subi %get3A_104, %sub3A_105 : vector<16xi32>
      %ge3A_107 = arith.constant 0 : i32
      %ge3A_108 = vector.broadcast %ge3A_107 : i32 to vector<16xi32>
      %ge3A_109 = arith.cmpi sge, %sub3A_106, %ge3A_108 : vector<16xi32>
      %lt3A_110 = arith.constant 5120 : i32
      %lt3A_111 = vector.broadcast %lt3A_110 : i32 to vector<16xi32>
      %lt3A_112 = arith.cmpi slt, %sub3A_106, %lt3A_111 : vector<16xi32>
      %and3A_113 = arith.andi %ge3A_109, %lt3A_112 : vector<16xi1>
      %get3A_114 = arith.index_cast %add3A_38 : i32 to index
      %get3A_115 = arith.constant 64 : index
      %get3A_116 = tpu.vector_load %arg8[%get3A_114, %get3A_115] {strides = array<i32>} : memref<79x128xi32, #tpu.memory_space<vmem>>, vector<16xi32>,
      %eq3A_117 = arith.cmpi eq, %get3A_116, %get3A_10 : vector<16xi32>
      %and3A_118 = arith.andi %and3A_113, %eq3A_117 : vector<16xi1>
      tpu.vector_store_idx %arg12[%iota3A, %sub3A_106], %broadcast_in_dim3A_11 masked %and3A_118 {add = true} : memref<16x5120xf32, #tpu.memory_space<vmem>>[vector<16xi32>, vector<16xi32>], vector<16xf32>, vector<16xi1>
      %get3A_119 = arith.index_cast %add3A_38 : i32 to index
      %get3A_120 = arith.constant 80 : index
      %get3A_121 = tpu.vector_load %arg10[%get3A_119, %get3A_120] {strides = array<i32>} : memref<79x128xi32, #tpu.memory_space<vmem>>, vector<16xi32>,
      %sub3A_122 = vector.broadcast %mul3A_13 : i32 to vector<16xi32>
      %sub3A_123 = arith.subi %get3A_121, %sub3A_122 : vector<16xi32>
      %ge3A_124 = arith.constant 0 : i32
      %ge3A_125 = vector.broadcast %ge3A_124 : i32 to vector<16xi32>
      %ge3A_126 = arith.cmpi sge, %sub3A_123, %ge3A_125 : vector<16xi32>
      %lt3A_127 = arith.constant 5120 : i32
      %lt3A_128 = vector.broadcast %lt3A_127 : i32 to vector<16xi32>
      %lt3A_129 = arith.cmpi slt, %sub3A_123, %lt3A_128 : vector<16xi32>
      %and3A_130 = arith.andi %ge3A_126, %lt3A_129 : vector<16xi1>
      %get3A_131 = arith.index_cast %add3A_38 : i32 to index
      %get3A_132 = arith.constant 80 : index
      %get3A_133 = tpu.vector_load %arg8[%get3A_131, %get3A_132] {strides = array<i32>} : memref<79x128xi32, #tpu.memory_space<vmem>>, vector<16xi32>,
      %eq3A_134 = arith.cmpi eq, %get3A_133, %get3A_10 : vector<16xi32>
      %and3A_135 = arith.andi %and3A_130, %eq3A_134 : vector<16xi1>
      tpu.vector_store_idx %arg12[%iota3A, %sub3A_123], %broadcast_in_dim3A_11 masked %and3A_135 {add = true} : memref<16x5120xf32, #tpu.memory_space<vmem>>[vector<16xi32>, vector<16xi32>], vector<16xf32>, vector<16xi1>
      %get3A_136 = arith.index_cast %add3A_38 : i32 to index
      %get3A_137 = arith.constant 96 : index
      %get3A_138 = tpu.vector_load %arg10[%get3A_136, %get3A_137] {strides = array<i32>} : memref<79x128xi32, #tpu.memory_space<vmem>>, vector<16xi32>,
      %sub3A_139 = vector.broadcast %mul3A_13 : i32 to vector<16xi32>
      %sub3A_140 = arith.subi %get3A_138, %sub3A_139 : vector<16xi32>
      %ge3A_141 = arith.constant 0 : i32
      %ge3A_142 = vector.broadcast %ge3A_141 : i32 to vector<16xi32>
      %ge3A_143 = arith.cmpi sge, %sub3A_140, %ge3A_142 : vector<16xi32>
      %lt3A_144 = arith.constant 5120 : i32
      %lt3A_145 = vector.broadcast %lt3A_144 : i32 to vector<16xi32>
      %lt3A_146 = arith.cmpi slt, %sub3A_140, %lt3A_145 : vector<16xi32>
      %and3A_147 = arith.andi %ge3A_143, %lt3A_146 : vector<16xi1>
      %get3A_148 = arith.index_cast %add3A_38 : i32 to index
      %get3A_149 = arith.constant 96 : index
      %get3A_150 = tpu.vector_load %arg8[%get3A_148, %get3A_149] {strides = array<i32>} : memref<79x128xi32, #tpu.memory_space<vmem>>, vector<16xi32>,
      %eq3A_151 = arith.cmpi eq, %get3A_150, %get3A_10 : vector<16xi32>
      %and3A_152 = arith.andi %and3A_147, %eq3A_151 : vector<16xi1>
      tpu.vector_store_idx %arg12[%iota3A, %sub3A_140], %broadcast_in_dim3A_11 masked %and3A_152 {add = true} : memref<16x5120xf32, #tpu.memory_space<vmem>>[vector<16xi32>, vector<16xi32>], vector<16xf32>, vector<16xi1>
      %get3A_153 = arith.index_cast %add3A_38 : i32 to index
      %get3A_154 = arith.constant 112 : index
      %get3A_155 = tpu.vector_load %arg10[%get3A_153, %get3A_154] {strides = array<i32>} : memref<79x128xi32, #tpu.memory_space<vmem>>, vector<16xi32>,
      %sub3A_156 = vector.broadcast %mul3A_13 : i32 to vector<16xi32>
      %sub3A_157 = arith.subi %get3A_155, %sub3A_156 : vector<16xi32>
      %ge3A_158 = arith.constant 0 : i32
      %ge3A_159 = vector.broadcast %ge3A_158 : i32 to vector<16xi32>
      %ge3A_160 = arith.cmpi sge, %sub3A_157, %ge3A_159 : vector<16xi32>
      %lt3A_161 = arith.constant 5120 : i32
      %lt3A_162 = vector.broadcast %lt3A_161 : i32 to vector<16xi32>
      %lt3A_163 = arith.cmpi slt, %sub3A_157, %lt3A_162 : vector<16xi32>
      %and3A_164 = arith.andi %ge3A_160, %lt3A_163 : vector<16xi1>
      %get3A_165 = arith.index_cast %add3A_38 : i32 to index
      %get3A_166 = arith.constant 112 : index
      %get3A_167 = tpu.vector_load %arg8[%get3A_165, %get3A_166] {strides = array<i32>} : memref<79x128xi32, #tpu.memory_space<vmem>>, vector<16xi32>,
      %eq3A_168 = arith.cmpi eq, %get3A_167, %get3A_10 : vector<16xi32>
      %and3A_169 = arith.andi %and3A_164, %eq3A_168 : vector<16xi1>
      tpu.vector_store_idx %arg12[%iota3A, %sub3A_157], %broadcast_in_dim3A_11 masked %and3A_169 {add = true} : memref<16x5120xf32, #tpu.memory_space<vmem>>[vector<16xi32>, vector<16xi32>], vector<16xf32>, vector<16xi1>
    }
    %scan3A_32 = arith.constant 79 : i32
    %run_scoped3A_33 = arith.constant 1 : i32
    "tpu.region"() ({
      %run_scoped3A_34 = tpu.sem_alloc : memref<!tpu.dma_semaphore, #tpu.memory_space<semaphore_mem>>
      %dma_start3A = arith.constant 0 : i32
      %dma_start3A_35 = arith.constant 0 : i32
      %dma_start3A_36 = arith.constant 0 : i32
      %dma_start3A_37 = arith.constant 0 : i32
      %dma_start3A_38 = tpu.memref_slice %arg6[%arg0, %dma_start3A, %dma_start3A_35, %dma_start3A_36, %dma_start3A_37] : memref<2x16x2x16x5120xf32, #tpu.memory_space<hbm>> -> memref<1x16x2x16x5120xf32, #tpu.memory_space<hbm>>
      %dma_start3A_39 = tpu.memref_squeeze %dma_start3A_38 : memref<1x16x2x16x5120xf32, #tpu.memory_space<hbm>> -> memref<16x2x16x5120xf32, #tpu.memory_space<hbm>>
      %dma_start3A_40 = arith.constant 0 : i32
      %dma_start3A_41 = arith.constant 0 : i32
      %dma_start3A_42 = arith.constant 0 : i32
      %dma_start3A_43 = tpu.memref_slice %dma_start3A_39[%arg1, %dma_start3A_40, %dma_start3A_41, %dma_start3A_42] : memref<16x2x16x5120xf32, #tpu.memory_space<hbm>> -> memref<1x2x16x5120xf32, #tpu.memory_space<hbm>>
      %dma_start3A_44 = tpu.memref_squeeze %dma_start3A_43 : memref<1x2x16x5120xf32, #tpu.memory_space<hbm>> -> memref<2x16x5120xf32, #tpu.memory_space<hbm>>
      %dma_start3A_45 = arith.constant 0 : i32
      %dma_start3A_46 = arith.constant 0 : i32
      %dma_start3A_47 = tpu.memref_slice %dma_start3A_44[%run_scoped3A_33, %dma_start3A_45, %dma_start3A_46] : memref<2x16x5120xf32, #tpu.memory_space<hbm>> -> memref<1x16x5120xf32, #tpu.memory_space<hbm>>
      %dma_start3A_48 = tpu.memref_squeeze %dma_start3A_47 : memref<1x16x5120xf32, #tpu.memory_space<hbm>> -> memref<16x5120xf32, #tpu.memory_space<hbm>>
      %dma_start3A_49 = arith.constant 0 : i32
      %dma_start3A_50 = arith.constant 0 : i32
      %dma_start3A_51 = arith.constant 0 : i32
      %dma_start3A_52 = arith.constant 0 : i32
      %dma_start3A_53 = tpu.memref_slice %arg6[%arg0, %dma_start3A_49, %dma_start3A_50, %dma_start3A_51, %dma_start3A_52] : memref<2x16x2x16x5120xf32, #tpu.memory_space<hbm>> -> memref<1x16x2x16x5120xf32, #tpu.memory_space<hbm>>
      %dma_start3A_54 = tpu.memref_squeeze %dma_start3A_53 : memref<1x16x2x16x5120xf32, #tpu.memory_space<hbm>> -> memref<16x2x16x5120xf32, #tpu.memory_space<hbm>>
      %dma_start3A_55 = arith.constant 0 : i32
      %dma_start3A_56 = arith.constant 0 : i32
      %dma_start3A_57 = arith.constant 0 : i32
      %dma_start3A_58 = tpu.memref_slice %dma_start3A_54[%arg1, %dma_start3A_55, %dma_start3A_56, %dma_start3A_57] : memref<16x2x16x5120xf32, #tpu.memory_space<hbm>> -> memref<1x2x16x5120xf32, #tpu.memory_space<hbm>>
      %dma_start3A_59 = tpu.memref_squeeze %dma_start3A_58 : memref<1x2x16x5120xf32, #tpu.memory_space<hbm>> -> memref<2x16x5120xf32, #tpu.memory_space<hbm>>
      %dma_start3A_60 = arith.constant 0 : i32
      %dma_start3A_61 = arith.constant 0 : i32
      %dma_start3A_62 = tpu.memref_slice %dma_start3A_59[%run_scoped3A_33, %dma_start3A_60, %dma_start3A_61] : memref<2x16x5120xf32, #tpu.memory_space<hbm>> -> memref<1x16x5120xf32, #tpu.memory_space<hbm>>
      %dma_start3A_63 = tpu.memref_squeeze %dma_start3A_62 : memref<1x16x5120xf32, #tpu.memory_space<hbm>> -> memref<16x5120xf32, #tpu.memory_space<hbm>>
      tpu.enqueue_dma source(%arg12 : memref<16x5120xf32, #tpu.memory_space<vmem>>) target(%dma_start3A_63 : memref<16x5120xf32, #tpu.memory_space<hbm>>) target_semaphore(%run_scoped3A_34 : memref<!tpu.dma_semaphore, #tpu.memory_space<semaphore_mem>>)
      %dma_wait3A = arith.constant 0 : i32
      %dma_wait3A_64 = arith.constant 0 : i32
      %dma_wait3A_65 = arith.constant 0 : i32
      %dma_wait3A_66 = arith.constant 0 : i32
      %dma_wait3A_67 = tpu.memref_slice %arg6[%arg0, %dma_wait3A, %dma_wait3A_64, %dma_wait3A_65, %dma_wait3A_66] : memref<2x16x2x16x5120xf32, #tpu.memory_space<hbm>> -> memref<1x16x2x16x5120xf32, #tpu.memory_space<hbm>>
      %dma_wait3A_68 = tpu.memref_squeeze %dma_wait3A_67 : memref<1x16x2x16x5120xf32, #tpu.memory_space<hbm>> -> memref<16x2x16x5120xf32, #tpu.memory_space<hbm>>
      %dma_wait3A_69 = arith.constant 0 : i32
      %dma_wait3A_70 = arith.constant 0 : i32
      %dma_wait3A_71 = arith.constant 0 : i32
      %dma_wait3A_72 = tpu.memref_slice %dma_wait3A_68[%arg1, %dma_wait3A_69, %dma_wait3A_70, %dma_wait3A_71] : memref<16x2x16x5120xf32, #tpu.memory_space<hbm>> -> memref<1x2x16x5120xf32, #tpu.memory_space<hbm>>
      %dma_wait3A_73 = tpu.memref_squeeze %dma_wait3A_72 : memref<1x2x16x5120xf32, #tpu.memory_space<hbm>> -> memref<2x16x5120xf32, #tpu.memory_space<hbm>>
      %dma_wait3A_74 = arith.constant 0 : i32
      %dma_wait3A_75 = arith.constant 0 : i32
      %dma_wait3A_76 = tpu.memref_slice %dma_wait3A_73[%run_scoped3A_33, %dma_wait3A_74, %dma_wait3A_75] : memref<2x16x5120xf32, #tpu.memory_space<hbm>> -> memref<1x16x5120xf32, #tpu.memory_space<hbm>>
      %dma_wait3A_77 = tpu.memref_squeeze %dma_wait3A_76 : memref<1x16x5120xf32, #tpu.memory_space<hbm>> -> memref<16x5120xf32, #tpu.memory_space<hbm>>
      %dma_wait3A_78 = arith.constant 0 : i32
      %dma_wait3A_79 = arith.constant 0 : i32
      %dma_wait3A_80 = arith.constant 0 : i32
      %dma_wait3A_81 = arith.constant 0 : i32
      %dma_wait3A_82 = tpu.memref_slice %arg6[%arg0, %dma_wait3A_78, %dma_wait3A_79, %dma_wait3A_80, %dma_wait3A_81] : memref<2x16x2x16x5120xf32, #tpu.memory_space<hbm>> -> memref<1x16x2x16x5120xf32, #tpu.memory_space<hbm>>
      %dma_wait3A_83 = tpu.memref_squeeze %dma_wait3A_82 : memref<1x16x2x16x5120xf32, #tpu.memory_space<hbm>> -> memref<16x2x16x5120xf32, #tpu.memory_space<hbm>>
      %dma_wait3A_84 = arith.constant 0 : i32
      %dma_wait3A_85 = arith.constant 0 : i32
      %dma_wait3A_86 = arith.constant 0 : i32
      %dma_wait3A_87 = tpu.memref_slice %dma_wait3A_83[%arg1, %dma_wait3A_84, %dma_wait3A_85, %dma_wait3A_86] : memref<16x2x16x5120xf32, #tpu.memory_space<hbm>> -> memref<1x2x16x5120xf32, #tpu.memory_space<hbm>>
      %dma_wait3A_88 = tpu.memref_squeeze %dma_wait3A_87 : memref<1x2x16x5120xf32, #tpu.memory_space<hbm>> -> memref<2x16x5120xf32, #tpu.memory_space<hbm>>
      %dma_wait3A_89 = arith.constant 0 : i32
      %dma_wait3A_90 = arith.constant 0 : i32
      %dma_wait3A_91 = tpu.memref_slice %dma_wait3A_88[%run_scoped3A_33, %dma_wait3A_89, %dma_wait3A_90] : memref<2x16x5120xf32, #tpu.memory_space<hbm>> -> memref<1x16x5120xf32, #tpu.memory_space<hbm>>
      %dma_wait3A_92 = tpu.memref_squeeze %dma_wait3A_91 : memref<1x16x5120xf32, #tpu.memory_space<hbm>> -> memref<16x5120xf32, #tpu.memory_space<hbm>>
      tpu.wait_dma2 semaphore(%run_scoped3A_34 : memref<!tpu.dma_semaphore, #tpu.memory_space<semaphore_mem>>) src(%arg12 : memref<16x5120xf32, #tpu.memory_space<vmem>>) dst(%dma_wait3A_92 : memref<16x5120xf32, #tpu.memory_space<hbm>>)
      tpu.yield
    }) : () -> ()
    return
  }
}

module attributes {stable_mosaic.version = 14 : i64} {
  func.func @_histred_body(%arg0: i32, %arg1: memref<1x16x1x16x5120xf32, #tpu.memory_space<vmem>>, %arg2: memref<4x5120xf32, #tpu.memory_space<vmem>>) attributes {dimension_semantics = [#tpu.dimension_semantics<arbitrary>], iteration_bounds = array<i64: 4>, scalar_prefetch = 0 : i64, scratch_operands = 0 : i64, tpu.core_type = #tpu.core_type<tc>, window_params = [{transform_indices = @transform_0, window_bounds = array<i64: 1, 16, 1, 16, 5120>}, {pipeline_mode = #tpu.pipeline_mode<synchronous>, transform_indices = @transform_1, window_bounds = array<i64: 4, 5120>}]} {
    %get3A = arith.constant 0 : index
    %get3A_0 = arith.constant 0 : index
    %get3A_1 = arith.constant 0 : index
    %get3A_2 = arith.constant 0 : index
    %get3A_3 = arith.constant 0 : index
    %get3A_4 = vector.load %arg1[%get3A, %get3A_0, %get3A_1, %get3A_2, %get3A_3] : memref<1x16x1x16x5120xf32, #tpu.memory_space<vmem>>, vector<1x16x1x16x5120xf32>
    %get3A_5 = vector.shape_cast %get3A_4 : vector<1x16x1x16x5120xf32> to vector<16x16x5120xf32>
    %reduce_sum3A = arith.constant dense<0.000000e+00> : vector<5120xf32>
    %reduce_sum3A_6 = vector.multi_reduction <add>, %get3A_5, %reduce_sum3A [0, 1] : vector<16x16x5120xf32> to vector<5120xf32>
    %broadcast_in_dim3A = vector.shape_cast %reduce_sum3A_6 : vector<5120xf32> to vector<1x5120xf32>
    %swap3A = arith.index_cast %arg0 : i32 to index
    %swap3A_7 = arith.constant 0 : index
    %swap3A_8 = vector.load %arg2[%swap3A, %swap3A_7] : memref<4x5120xf32, #tpu.memory_space<vmem>>, vector<1x5120xf32>
    tpu.vector_store %arg2[%swap3A, %swap3A_7], %broadcast_in_dim3A {strides = array<i32>} : memref<4x5120xf32, #tpu.memory_space<vmem>>, vector<1x5120xf32>,
    return
  }
  func.func @transform_0(%arg0: i32) -> (i32, i32, i32, i32, i32) {
    %jit3A = arith.constant 2 : i32
    %eq3A = arith.constant 0 : i32
    %eq3A_0 = arith.cmpi eq, %jit3A, %eq3A : i32
    %jit3A_1 = arith.constant 1 : i32
    %select_n3A = arith.select %eq3A_0, %jit3A_1, %jit3A : i32
    %rem3A = arith.remsi %arg0, %select_n3A : i32
    %ne3A = arith.constant 0 : i32
    %ne3A_2 = arith.cmpi ne, %rem3A, %ne3A : i32
    %lt3A = arith.constant 0 : i32
    %lt3A_3 = arith.cmpi slt, %rem3A, %lt3A : i32
    %lt3A_4 = arith.constant 0 : i32
    %lt3A_5 = arith.cmpi slt, %select_n3A, %lt3A_4 : i32
    %ne3A_6 = arith.xori %lt3A_3, %lt3A_5 : i1
    %and3A = arith.andi %ne3A_6, %ne3A_2 : i1
    %add3A = arith.addi %rem3A, %select_n3A : i32
    %select_n3A_7 = arith.select %and3A, %add3A, %rem3A : i32
    %jit3A_8 = arith.constant 2 : i32
    %div3A = arith.divsi %arg0, %jit3A_8 : i32
    %sign3A = arith.constant 0 : i32
    %sign3A_9 = arith.cmpi sgt, %arg0, %sign3A : i32
    %sign3A_10 = arith.extui %sign3A_9 : i1 to i32
    %sign3A_11 = arith.constant 0 : i32
    %sign3A_12 = arith.cmpi slt, %arg0, %sign3A_11 : i32
    %sign3A_13 = arith.extui %sign3A_12 : i1 to i32
    %sign3A_14 = arith.subi %sign3A_10, %sign3A_13 : i32
    %sign3A_15 = arith.constant 0 : i32
    %sign3A_16 = arith.cmpi sgt, %jit3A_8, %sign3A_15 : i32
    %sign3A_17 = arith.extui %sign3A_16 : i1 to i32
    %sign3A_18 = arith.constant 0 : i32
    %sign3A_19 = arith.cmpi slt, %jit3A_8, %sign3A_18 : i32
    %sign3A_20 = arith.extui %sign3A_19 : i1 to i32
    %sign3A_21 = arith.subi %sign3A_17, %sign3A_20 : i32
    %ne3A_22 = arith.cmpi ne, %sign3A_14, %sign3A_21 : i32
    %rem3A_23 = arith.remsi %arg0, %jit3A_8 : i32
    %ne3A_24 = arith.constant 0 : i32
    %ne3A_25 = arith.cmpi ne, %rem3A_23, %ne3A_24 : i32
    %and3A_26 = arith.andi %ne3A_22, %ne3A_25 : i1
    %sub3A = arith.constant 1 : i32
    %sub3A_27 = arith.subi %div3A, %sub3A : i32
    %select_n3A_28 = arith.select %and3A_26, %sub3A_27, %div3A : i32
    %c0_i32 = arith.constant 0 : i32
    %c0_i32_29 = arith.constant 0 : i32
    %c0_i32_30 = arith.constant 0 : i32
    %c0_i32_31 = arith.constant 0 : i32
    return %select_n3A_7, %c0_i32, %select_n3A_28, %c0_i32_29, %c0_i32_30 : i32, i32, i32, i32, i32
  }
  func.func @transform_1(%arg0: i32) -> (i32, i32) {
    %c0_i32 = arith.constant 0 : i32
    %c0_i32_0 = arith.constant 0 : i32
    %c0_i32_1 = arith.constant 0 : i32
    return %c0_i32, %c0_i32_0 : i32, i32
  }
}

module attributes {stable_mosaic.version = 14 : i64} {
  func.func @_prep_body(%arg0: memref<10000x128xf32, #tpu.memory_space<vmem>>, %arg1: memref<10240x1xf32, #tpu.memory_space<vmem>>, %arg2: memref<10240x128xf32, #tpu.memory_space<vmem>>) attributes {dimension_semantics = [], scalar_prefetch = 0 : i64, scratch_operands = 0 : i64, tpu.core_type = #tpu.core_type<tc>} {
    %get3A = arith.constant 0 : index
    %get3A_0 = arith.constant 0 : index
    %get3A_1 = vector.load %arg0[%get3A, %get3A_0] : memref<10000x128xf32, #tpu.memory_space<vmem>>, vector<10000x128xf32>
    %get3A_2 = arith.constant 0 : index
    %get3A_3 = arith.constant 0 : index
    %get3A_4 = vector.load %arg1[%get3A_2, %get3A_3] : memref<10240x1xf32, #tpu.memory_space<vmem>>, vector<10000x1xf32>
    %add3A = arith.constant 1.000000e+00 : f32
    %add3A_5 = vector.broadcast %add3A : f32 to vector<10000x1xf32>
    %add3A_6 = arith.addf %get3A_4, %add3A_5 : vector<10000x1xf32>
    %rsqrt3A = math.rsqrt %add3A_6 : vector<10000x1xf32>
    %mul3A = vector.broadcast %rsqrt3A : vector<10000x1xf32> to vector<10000x128xf32>
    %mul3A_7 = arith.mulf %get3A_1, %mul3A : vector<10000x128xf32>
    %swap3A = arith.constant 0 : index
    %swap3A_8 = arith.constant 0 : index
    %swap3A_9 = vector.load %arg2[%swap3A, %swap3A_8] : memref<10240x128xf32, #tpu.memory_space<vmem>>, vector<10000x128xf32>
    tpu.vector_store %arg2[%swap3A, %swap3A_8], %mul3A_7 {strides = array<i32>} : memref<10240x128xf32, #tpu.memory_space<vmem>>, vector<10000x128xf32>,
    %broadcast_in_dim3A = arith.constant 0.000000e+00 : f32
    %broadcast_in_dim3A_10 = vector.broadcast %broadcast_in_dim3A : f32 to vector<240x128xf32>
    %swap3A_11 = arith.constant 10000 : index
    %swap3A_12 = arith.constant 0 : index
    %swap3A_13 = vector.load %arg2[%swap3A_11, %swap3A_12] : memref<10240x128xf32, #tpu.memory_space<vmem>>, vector<240x128xf32>
    tpu.vector_store %arg2[%swap3A_11, %swap3A_12], %broadcast_in_dim3A_10 {strides = array<i32>} : memref<10240x128xf32, #tpu.memory_space<vmem>>, vector<240x128xf32>,
    return
  }
}

module attributes {stable_mosaic.version = 14 : i64} {
  func.func @_scores_body(%arg0: i32, %arg1: memref<1xi32, #tpu.memory_space<smem>>, %arg2: memref<10000x128xf32, #tpu.memory_space<vmem>>, %arg3: memref<256x256xf32, #tpu.memory_space<vmem>>, %arg4: memref<1x256xf32, #tpu.memory_space<vmem>>, %arg5: memref<256x256xf32, #tpu.memory_space<vmem>>, %arg6: memref<1x256xf32, #tpu.memory_space<vmem>>, %arg7: memref<256x1xf32, #tpu.memory_space<vmem>>, %arg8: memref<1x1xf32, #tpu.memory_space<vmem>>, %arg9: memref<2000x1xf32, #tpu.memory_space<vmem>>) attributes {dimension_semantics = [#tpu.dimension_semantics<arbitrary>], iteration_bounds = array<i64: 5>, scalar_prefetch = 0 : i64, scratch_operands = 0 : i64, tpu.core_type = #tpu.core_type<tc>, window_params = [{transform_indices = @transform_0, window_bounds = array<i64: 1>}, {pipeline_mode = #tpu.pipeline_mode<synchronous>, transform_indices = @transform_1, window_bounds = array<i64: 10000, 128>}, {pipeline_mode = #tpu.pipeline_mode<synchronous>, transform_indices = @transform_2, window_bounds = array<i64: 256, 256>}, {pipeline_mode = #tpu.pipeline_mode<synchronous>, transform_indices = @transform_3, window_bounds = array<i64: 1, 256>}, {pipeline_mode = #tpu.pipeline_mode<synchronous>, transform_indices = @transform_4, window_bounds = array<i64: 256, 256>}, {pipeline_mode = #tpu.pipeline_mode<synchronous>, transform_indices = @transform_5, window_bounds = array<i64: 1, 256>}, {pipeline_mode = #tpu.pipeline_mode<synchronous>, transform_indices = @transform_6, window_bounds = array<i64: 256, 1>}, {pipeline_mode = #tpu.pipeline_mode<synchronous>, transform_indices = @transform_7, window_bounds = array<i64: 1, 1>}, {transform_indices = @transform_8, window_bounds = array<i64: 2000, 1>}]} {
    %mul3A = arith.constant 2000 : i32
    %mul3A_0 = arith.muli %arg0, %mul3A : i32
    %get3A = arith.index_cast %mul3A_0 : i32 to index
    %get3A_1 = arith.constant 0 : index
    %get3A_2 = vector.load %arg2[%get3A, %get3A_1] : memref<10000x128xf32, #tpu.memory_space<vmem>>, vector<2000x128xf32>
    %tanh3A = math.tanh %get3A_2 : vector<2000x128xf32>
    %get3A_3 = arith.constant 0 : index
    %get3A_4 = memref.load %arg1[%get3A_3] : memref<1xi32, #tpu.memory_space<smem>>
    %get3A_5 = arith.index_cast %get3A_4 : i32 to index
    %get3A_6 = arith.constant 0 : index
    %get3A_7 = vector.load %arg2[%get3A_5, %get3A_6] : memref<10000x128xf32, #tpu.memory_space<vmem>>, vector<1x128xf32>
    %tanh3A_8 = math.tanh %get3A_7 : vector<1x128xf32>
    %get3A_9 = arith.constant 128 : index
    %get3A_10 = arith.constant 0 : index
    %get3A_11 = vector.load %arg3[%get3A_9, %get3A_10] : memref<256x256xf32, #tpu.memory_space<vmem>>, vector<128x256xf32>
    %dot_general3A = arith.constant dense<0.000000e+00> : vector<1x256xf32>
    %dot_general3A_12 = tpu.matmul %tanh3A_8, %get3A_11, %dot_general3A {dimension_numbers = #tpu.dot_dimension_numbers<[1], [0], [0], [1], [0, 0, 1, 1], [], []>, transpose_lhs_hint = false} : vector<1x128xf32>, vector<128x256xf32>, vector<1x256xf32> -> vector<1x256xf32>
    %get3A_13 = arith.constant 0 : index
    %get3A_14 = arith.constant 0 : index
    %get3A_15 = vector.load %arg4[%get3A_13, %get3A_14] : memref<1x256xf32, #tpu.memory_space<vmem>>, vector<1x256xf32>
    %add3A = arith.addf %dot_general3A_12, %get3A_15 : vector<1x256xf32>
    %get3A_16 = arith.constant 0 : index
    %get3A_17 = arith.constant 0 : index
    %get3A_18 = vector.load %arg3[%get3A_16, %get3A_17] : memref<256x256xf32, #tpu.memory_space<vmem>>, vector<128x256xf32>
    %dot_general3A_19 = arith.constant dense<0.000000e+00> : vector<2000x256xf32>
    %dot_general3A_20 = tpu.matmul %tanh3A, %get3A_18, %dot_general3A_19 {dimension_numbers = #tpu.dot_dimension_numbers<[1], [0], [0], [1], [0, 0, 1, 1], [], []>, transpose_lhs_hint = false} : vector<2000x128xf32>, vector<128x256xf32>, vector<2000x256xf32> -> vector<2000x256xf32>
    %add3A_21 = vector.broadcast %add3A : vector<1x256xf32> to vector<2000x256xf32>
    %add3A_22 = arith.addf %dot_general3A_20, %add3A_21 : vector<2000x256xf32>
    %ge3A = arith.constant 0.000000e+00 : f32
    %ge3A_23 = vector.broadcast %ge3A : f32 to vector<2000x256xf32>
    %ge3A_24 = arith.cmpf oge, %add3A_22, %ge3A_23 : vector<2000x256xf32>
    %mul3A_25 = arith.constant 1.000000e-01 : f32
    %mul3A_26 = vector.broadcast %mul3A_25 : f32 to vector<2000x256xf32>
    %mul3A_27 = arith.mulf %mul3A_26, %add3A_22 : vector<2000x256xf32>
    %select_n3A = arith.select %ge3A_24, %add3A_22, %mul3A_27 : vector<2000x256xi1>, vector<2000x256xf32>
    %get3A_28 = arith.constant 0 : index
    %get3A_29 = arith.constant 0 : index
    %get3A_30 = vector.load %arg5[%get3A_28, %get3A_29] : memref<256x256xf32, #tpu.memory_space<vmem>>, vector<256x256xf32>
    %dot_general3A_31 = arith.constant dense<0.000000e+00> : vector<2000x256xf32>
    %dot_general3A_32 = tpu.matmul %select_n3A, %get3A_30, %dot_general3A_31 {dimension_numbers = #tpu.dot_dimension_numbers<[1], [0], [0], [1], [0, 0, 1, 1], [], []>, transpose_lhs_hint = false} : vector<2000x256xf32>, vector<256x256xf32>, vector<2000x256xf32> -> vector<2000x256xf32>
    %get3A_33 = arith.constant 0 : index
    %get3A_34 = arith.constant 0 : index
    %get3A_35 = vector.load %arg6[%get3A_33, %get3A_34] : memref<1x256xf32, #tpu.memory_space<vmem>>, vector<1x256xf32>
    %add3A_36 = vector.broadcast %get3A_35 : vector<1x256xf32> to vector<2000x256xf32>
    %add3A_37 = arith.addf %dot_general3A_32, %add3A_36 : vector<2000x256xf32>
    %ge3A_38 = arith.constant 0.000000e+00 : f32
    %ge3A_39 = vector.broadcast %ge3A_38 : f32 to vector<2000x256xf32>
    %ge3A_40 = arith.cmpf oge, %add3A_37, %ge3A_39 : vector<2000x256xf32>
    %mul3A_41 = arith.constant 1.000000e-01 : f32
    %mul3A_42 = vector.broadcast %mul3A_41 : f32 to vector<2000x256xf32>
    %mul3A_43 = arith.mulf %mul3A_42, %add3A_37 : vector<2000x256xf32>
    %select_n3A_44 = arith.select %ge3A_40, %add3A_37, %mul3A_43 : vector<2000x256xi1>, vector<2000x256xf32>
    %get3A_45 = arith.constant 0 : index
    %get3A_46 = arith.constant 0 : index
    %get3A_47 = vector.load %arg7[%get3A_45, %get3A_46] : memref<256x1xf32, #tpu.memory_space<vmem>>, vector<256x1xf32>
    %dot_general3A_48 = arith.constant dense<0.000000e+00> : vector<2000x1xf32>
    %dot_general3A_49 = tpu.matmul %select_n3A_44, %get3A_47, %dot_general3A_48 {dimension_numbers = #tpu.dot_dimension_numbers<[1], [0], [0], [1], [0, 0, 1, 1], [], []>, transpose_lhs_hint = false} : vector<2000x256xf32>, vector<256x1xf32>, vector<2000x1xf32> -> vector<2000x1xf32>
    %get3A_50 = arith.constant 0 : index
    %get3A_51 = arith.constant 0 : index
    %get3A_52 = vector.load %arg8[%get3A_50, %get3A_51] : memref<1x1xf32, #tpu.memory_space<vmem>>, vector<1x1xf32>
    %add3A_53 = vector.broadcast %get3A_52 : vector<1x1xf32> to vector<2000x1xf32>
    %add3A_54 = arith.addf %dot_general3A_49, %add3A_53 : vector<2000x1xf32>
    %swap3A = arith.constant 0 : index
    %swap3A_55 = arith.constant 0 : index
    %swap3A_56 = vector.load %arg9[%swap3A, %swap3A_55] : memref<2000x1xf32, #tpu.memory_space<vmem>>, vector<2000x1xf32>
    tpu.vector_store %arg9[%swap3A, %swap3A_55], %add3A_54 {strides = array<i32>} : memref<2000x1xf32, #tpu.memory_space<vmem>>, vector<2000x1xf32>,
    return
  }
  func.func @transform_0(%arg0: i32) -> i32 {
    %c0_i32 = arith.constant 0 : i32
    %c0_i32_0 = arith.constant 0 : i32
    return %c0_i32 : i32
  }
  func.func @transform_1(%arg0: i32) -> (i32, i32) {
    %c0_i32 = arith.constant 0 : i32
    %c0_i32_0 = arith.constant 0 : i32
    %c0_i32_1 = arith.constant 0 : i32
    return %c0_i32, %c0_i32_0 : i32, i32
  }
  func.func @transform_2(%arg0: i32) -> (i32, i32) {
    %c0_i32 = arith.constant 0 : i32
    %c0_i32_0 = arith.constant 0 : i32
    %c0_i32_1 = arith.constant 0 : i32
    return %c0_i32, %c0_i32_0 : i32, i32
  }
  func.func @transform_3(%arg0: i32) -> (i32, i32) {
    %c0_i32 = arith.constant 0 : i32
    %c0_i32_0 = arith.constant 0 : i32
    %c0_i32_1 = arith.constant 0 : i32
    return %c0_i32, %c0_i32_0 : i32, i32
  }
  func.func @transform_4(%arg0: i32) -> (i32, i32) {
    %c0_i32 = arith.constant 0 : i32
    %c0_i32_0 = arith.constant 0 : i32
    %c0_i32_1 = arith.constant 0 : i32
    return %c0_i32, %c0_i32_0 : i32, i32
  }
  func.func @transform_5(%arg0: i32) -> (i32, i32) {
    %c0_i32 = arith.constant 0 : i32
    %c0_i32_0 = arith.constant 0 : i32
    %c0_i32_1 = arith.constant 0 : i32
    return %c0_i32, %c0_i32_0 : i32, i32
  }
  func.func @transform_6(%arg0: i32) -> (i32, i32) {
    %c0_i32 = arith.constant 0 : i32
    %c0_i32_0 = arith.constant 0 : i32
    %c0_i32_1 = arith.constant 0 : i32
    return %c0_i32, %c0_i32_0 : i32, i32
  }
  func.func @transform_7(%arg0: i32) -> (i32, i32) {
    %c0_i32 = arith.constant 0 : i32
    %c0_i32_0 = arith.constant 0 : i32
    %c0_i32_1 = arith.constant 0 : i32
    return %c0_i32, %c0_i32_0 : i32, i32
  }
  func.func @transform_8(%arg0: i32) -> (i32, i32) {
    %c0_i32 = arith.constant 0 : i32
    %c0_i32_0 = arith.constant 0 : i32
    return %arg0, %c0_i32 : i32, i32
  }
}

module attributes {stable_mosaic.version = 14 : i64} {
  func.func @_critic_body(%arg0: i32, %arg1: memref<10000x128xf32, #tpu.memory_space<vmem>>, %arg2: memref<10240x1xf32, #tpu.memory_space<vmem>>, %arg3: memref<2x10240x128xf32, #tpu.memory_space<vmem>>, %arg4: memref<10240x1xf32, #tpu.memory_space<vmem>>, %arg5: memref<10000x1xf32, #tpu.memory_space<vmem>>, %arg6: memref<128x512xf32, #tpu.memory_space<vmem>>, %arg7: memref<1x512xf32, #tpu.memory_space<vmem>>, %arg8: memref<512x256xf32, #tpu.memory_space<vmem>>, %arg9: memref<1x256xf32, #tpu.memory_space<vmem>>, %arg10: memref<256x256xf32, #tpu.memory_space<vmem>>, %arg11: memref<1x256xf32, #tpu.memory_space<vmem>>, %arg12: memref<256x256xf32, #tpu.memory_space<vmem>>, %arg13: memref<1x256xf32, #tpu.memory_space<vmem>>, %arg14: memref<256x1xf32, #tpu.memory_space<vmem>>, %arg15: memref<1x1xf32, #tpu.memory_space<vmem>>, %arg16: memref<10000x1xf32, #tpu.memory_space<vmem>>, %arg17: memref<10000x1xf32, #tpu.memory_space<vmem>>, %arg18: memref<10000x1xf32, #tpu.memory_space<vmem>>) attributes {dimension_semantics = [#tpu.dimension_semantics<arbitrary>], iteration_bounds = array<i64: 6>, scalar_prefetch = 0 : i64, scratch_operands = 1 : i64, tpu.core_type = #tpu.core_type<tc>, window_params = [{pipeline_mode = #tpu.pipeline_mode<synchronous>, transform_indices = @transform_0, window_bounds = array<i64: 10000, 128>}, {pipeline_mode = #tpu.pipeline_mode<synchronous>, transform_indices = @transform_1, window_bounds = array<i64: 10240, 1>}, {pipeline_mode = #tpu.pipeline_mode<synchronous>, transform_indices = @transform_2, window_bounds = array<i64: 2, 10240, 128>}, {pipeline_mode = #tpu.pipeline_mode<synchronous>, transform_indices = @transform_3, window_bounds = array<i64: 10240, 1>}, {pipeline_mode = #tpu.pipeline_mode<synchronous>, transform_indices = @transform_4, window_bounds = array<i64: 10000, 1>}, {pipeline_mode = #tpu.pipeline_mode<synchronous>, transform_indices = @transform_5, window_bounds = array<i64: 128, 512>}, {pipeline_mode = #tpu.pipeline_mode<synchronous>, transform_indices = @transform_6, window_bounds = array<i64: 1, 512>}, {pipeline_mode = #tpu.pipeline_mode<synchronous>, transform_indices = @transform_7, window_bounds = array<i64: 512, 256>}, {pipeline_mode = #tpu.pipeline_mode<synchronous>, transform_indices = @transform_8, window_bounds = array<i64: 1, 256>}, {pipeline_mode = #tpu.pipeline_mode<synchronous>, transform_indices = @transform_9, window_bounds = array<i64: 256, 256>}, {pipeline_mode = #tpu.pipeline_mode<synchronous>, transform_indices = @transform_10, window_bounds = array<i64: 1, 256>}, {pipeline_mode = #tpu.pipeline_mode<synchronous>, transform_indices = @transform_11, window_bounds = array<i64: 256, 256>}, {pipeline_mode = #tpu.pipeline_mode<synchronous>, transform_indices = @transform_12, window_bounds = array<i64: 1, 256>}, {pipeline_mode = #tpu.pipeline_mode<synchronous>, transform_indices = @transform_13, window_bounds = array<i64: 256, 1>}, {pipeline_mode = #tpu.pipeline_mode<synchronous>, transform_indices = @transform_14, window_bounds = array<i64: 1, 1>}, {pipeline_mode = #tpu.pipeline_mode<synchronous>, transform_indices = @transform_15, window_bounds = array<i64: 10000, 1>}, {pipeline_mode = #tpu.pipeline_mode<synchronous>, transform_indices = @transform_16, window_bounds = array<i64: 10000, 1>}]} {
    %lt3A = arith.constant 5 : i32
    %lt3A_0 = arith.cmpi slt, %arg0, %lt3A : i32
    %convert_element_type3A = arith.extui %lt3A_0 : i1 to i32
    %cond3A = arith.constant 0 : i32
    %cond3A_1 = arith.cmpi ne, %convert_element_type3A, %cond3A : i32
    scf.if %cond3A_1 {
      %mul3A = arith.constant 2000 : i32
      %mul3A_6 = arith.muli %arg0, %mul3A : i32
      %get3A = arith.index_cast %mul3A_6 : i32 to index
      %get3A_7 = arith.constant 0 : index
      %get3A_8 = vector.load %arg1[%get3A, %get3A_7] : memref<10000x128xf32, #tpu.memory_space<vmem>>, vector<2000x128xf32>
      %get3A_9 = arith.index_cast %mul3A_6 : i32 to index
      %get3A_10 = arith.constant 0 : index
      %get3A_11 = vector.load %arg2[%get3A_9, %get3A_10] : memref<10240x1xf32, #tpu.memory_space<vmem>>, vector<2000x1xf32>
      %add3A = arith.constant 1.000000e+00 : f32
      %add3A_12 = vector.broadcast %add3A : f32 to vector<2000x1xf32>
      %add3A_13 = arith.addf %get3A_11, %add3A_12 : vector<2000x1xf32>
      %rsqrt3A = math.rsqrt %add3A_13 : vector<2000x1xf32>
      %get3A_14 = arith.constant 0 : index
      %get3A_15 = arith.index_cast %mul3A_6 : i32 to index
      %get3A_16 = arith.constant 0 : index
      %get3A_17 = vector.load %arg3[%get3A_14, %get3A_15, %get3A_16] : memref<2x10240x128xf32, #tpu.memory_space<vmem>>, vector<1x2000x128xf32>
      %get3A_18 = vector.shape_cast %get3A_17 : vector<1x2000x128xf32> to vector<2000x128xf32>
      %get3A_19 = arith.constant 1 : index
      %get3A_20 = arith.index_cast %mul3A_6 : i32 to index
      %get3A_21 = arith.constant 0 : index
      %get3A_22 = vector.load %arg3[%get3A_19, %get3A_20, %get3A_21] : memref<2x10240x128xf32, #tpu.memory_space<vmem>>, vector<1x2000x128xf32>
      %get3A_23 = vector.shape_cast %get3A_22 : vector<1x2000x128xf32> to vector<2000x128xf32>
      %add3A_24 = arith.addf %get3A_18, %get3A_23 : vector<2000x128xf32>
      %get3A_25 = arith.index_cast %mul3A_6 : i32 to index
      %get3A_26 = arith.constant 0 : index
      %get3A_27 = vector.load %arg4[%get3A_25, %get3A_26] : memref<10240x1xf32, #tpu.memory_space<vmem>>, vector<2000x1xf32>
      %mul3A_28 = vector.broadcast %rsqrt3A : vector<2000x1xf32> to vector<2000x128xf32>
      %mul3A_29 = arith.mulf %mul3A_28, %add3A_24 : vector<2000x128xf32>
      %mul3A_30 = arith.mulf %rsqrt3A, %rsqrt3A : vector<2000x1xf32>
      %mul3A_31 = vector.broadcast %mul3A_30 : vector<2000x1xf32> to vector<2000x128xf32>
      %mul3A_32 = arith.mulf %mul3A_31, %get3A_8 : vector<2000x128xf32>
      %add3A_33 = arith.addf %mul3A_29, %mul3A_32 : vector<2000x128xf32>
      %get3A_34 = arith.constant 0 : index
      %get3A_35 = arith.constant 0 : index
      %get3A_36 = vector.load %arg6[%get3A_34, %get3A_35] : memref<128x512xf32, #tpu.memory_space<vmem>>, vector<128x512xf32>
      %dot_general3A = arith.constant dense<0.000000e+00> : vector<2000x512xf32>
      %dot_general3A_37 = tpu.matmul %add3A_33, %get3A_36, %dot_general3A {dimension_numbers = #tpu.dot_dimension_numbers<[1], [0], [0], [1], [0, 0, 1, 1], [], []>, transpose_lhs_hint = false} : vector<2000x128xf32>, vector<128x512xf32>, vector<2000x512xf32> -> vector<2000x512xf32>
      %get3A_38 = arith.constant 0 : index
      %get3A_39 = arith.constant 0 : index
      %get3A_40 = vector.load %arg7[%get3A_38, %get3A_39] : memref<1x512xf32, #tpu.memory_space<vmem>>, vector<1x512xf32>
      %add3A_41 = vector.broadcast %get3A_40 : vector<1x512xf32> to vector<2000x512xf32>
      %add3A_42 = arith.addf %dot_general3A_37, %add3A_41 : vector<2000x512xf32>
      %get3A_43 = arith.constant 0 : index
      %get3A_44 = arith.constant 0 : index
      %get3A_45 = vector.load %arg8[%get3A_43, %get3A_44] : memref<512x256xf32, #tpu.memory_space<vmem>>, vector<512x256xf32>
      %dot_general3A_46 = arith.constant dense<0.000000e+00> : vector<2000x256xf32>
      %dot_general3A_47 = tpu.matmul %add3A_42, %get3A_45, %dot_general3A_46 {dimension_numbers = #tpu.dot_dimension_numbers<[1], [0], [0], [1], [0, 0, 1, 1], [], []>, transpose_lhs_hint = false} : vector<2000x512xf32>, vector<512x256xf32>, vector<2000x256xf32> -> vector<2000x256xf32>
      %get3A_48 = arith.constant 0 : index
      %get3A_49 = arith.constant 0 : index
      %get3A_50 = vector.load %arg9[%get3A_48, %get3A_49] : memref<1x256xf32, #tpu.memory_space<vmem>>, vector<1x256xf32>
      %add3A_51 = vector.broadcast %get3A_50 : vector<1x256xf32> to vector<2000x256xf32>
      %add3A_52 = arith.addf %dot_general3A_47, %add3A_51 : vector<2000x256xf32>
      %ge3A = arith.constant 0.000000e+00 : f32
      %ge3A_53 = vector.broadcast %ge3A : f32 to vector<2000x256xf32>
      %ge3A_54 = arith.cmpf oge, %add3A_52, %ge3A_53 : vector<2000x256xf32>
      %mul3A_55 = arith.constant 1.000000e-01 : f32
      %mul3A_56 = vector.broadcast %mul3A_55 : f32 to vector<2000x256xf32>
      %mul3A_57 = arith.mulf %mul3A_56, %add3A_52 : vector<2000x256xf32>
      %select_n3A = arith.select %ge3A_54, %add3A_52, %mul3A_57 : vector<2000x256xi1>, vector<2000x256xf32>
      %get3A_58 = arith.constant 0 : index
      %get3A_59 = arith.constant 0 : index
      %get3A_60 = vector.load %arg10[%get3A_58, %get3A_59] : memref<256x256xf32, #tpu.memory_space<vmem>>, vector<256x256xf32>
      %dot_general3A_61 = arith.constant dense<0.000000e+00> : vector<2000x256xf32>
      %dot_general3A_62 = tpu.matmul %select_n3A, %get3A_60, %dot_general3A_61 {dimension_numbers = #tpu.dot_dimension_numbers<[1], [0], [0], [1], [0, 0, 1, 1], [], []>, transpose_lhs_hint = false} : vector<2000x256xf32>, vector<256x256xf32>, vector<2000x256xf32> -> vector<2000x256xf32>
      %get3A_63 = arith.constant 0 : index
      %get3A_64 = arith.constant 0 : index
      %get3A_65 = vector.load %arg11[%get3A_63, %get3A_64] : memref<1x256xf32, #tpu.memory_space<vmem>>, vector<1x256xf32>
      %add3A_66 = vector.broadcast %get3A_65 : vector<1x256xf32> to vector<2000x256xf32>
      %add3A_67 = arith.addf %dot_general3A_62, %add3A_66 : vector<2000x256xf32>
      %ge3A_68 = arith.constant 0.000000e+00 : f32
      %ge3A_69 = vector.broadcast %ge3A_68 : f32 to vector<2000x256xf32>
      %ge3A_70 = arith.cmpf oge, %add3A_67, %ge3A_69 : vector<2000x256xf32>
      %mul3A_71 = arith.constant 1.000000e-01 : f32
      %mul3A_72 = vector.broadcast %mul3A_71 : f32 to vector<2000x256xf32>
      %mul3A_73 = arith.mulf %mul3A_72, %add3A_67 : vector<2000x256xf32>
      %select_n3A_74 = arith.select %ge3A_70, %add3A_67, %mul3A_73 : vector<2000x256xi1>, vector<2000x256xf32>
      %get3A_75 = arith.constant 0 : index
      %get3A_76 = arith.constant 0 : index
      %get3A_77 = vector.load %arg12[%get3A_75, %get3A_76] : memref<256x256xf32, #tpu.memory_space<vmem>>, vector<256x256xf32>
      %dot_general3A_78 = arith.constant dense<0.000000e+00> : vector<2000x256xf32>
      %dot_general3A_79 = tpu.matmul %select_n3A_74, %get3A_77, %dot_general3A_78 {dimension_numbers = #tpu.dot_dimension_numbers<[1], [0], [0], [1], [0, 0, 1, 1], [], []>, transpose_lhs_hint = false} : vector<2000x256xf32>, vector<256x256xf32>, vector<2000x256xf32> -> vector<2000x256xf32>
      %get3A_80 = arith.constant 0 : index
      %get3A_81 = arith.constant 0 : index
      %get3A_82 = vector.load %arg13[%get3A_80, %get3A_81] : memref<1x256xf32, #tpu.memory_space<vmem>>, vector<1x256xf32>
      %add3A_83 = vector.broadcast %get3A_82 : vector<1x256xf32> to vector<2000x256xf32>
      %add3A_84 = arith.addf %dot_general3A_79, %add3A_83 : vector<2000x256xf32>
      %ge3A_85 = arith.constant 0.000000e+00 : f32
      %ge3A_86 = vector.broadcast %ge3A_85 : f32 to vector<2000x256xf32>
      %ge3A_87 = arith.cmpf oge, %add3A_84, %ge3A_86 : vector<2000x256xf32>
      %mul3A_88 = arith.constant 1.000000e-01 : f32
      %mul3A_89 = vector.broadcast %mul3A_88 : f32 to vector<2000x256xf32>
      %mul3A_90 = arith.mulf %mul3A_89, %add3A_84 : vector<2000x256xf32>
      %select_n3A_91 = arith.select %ge3A_87, %add3A_84, %mul3A_90 : vector<2000x256xi1>, vector<2000x256xf32>
      %get3A_92 = arith.constant 0 : index
      %get3A_93 = arith.constant 0 : index
      %get3A_94 = vector.load %arg14[%get3A_92, %get3A_93] : memref<256x1xf32, #tpu.memory_space<vmem>>, vector<256x1xf32>
      %dot_general3A_95 = arith.constant dense<0.000000e+00> : vector<2000x1xf32>
      %dot_general3A_96 = tpu.matmul %select_n3A_91, %get3A_94, %dot_general3A_95 {dimension_numbers = #tpu.dot_dimension_numbers<[1], [0], [0], [1], [0, 0, 1, 1], [], []>, transpose_lhs_hint = false} : vector<2000x256xf32>, vector<256x1xf32>, vector<2000x1xf32> -> vector<2000x1xf32>
      %get3A_97 = arith.constant 0 : index
      %get3A_98 = arith.constant 0 : index
      %get3A_99 = vector.load %arg15[%get3A_97, %get3A_98] : memref<1x1xf32, #tpu.memory_space<vmem>>, vector<1x1xf32>
      %add3A_100 = vector.broadcast %get3A_99 : vector<1x1xf32> to vector<2000x1xf32>
      %add3A_101 = arith.addf %dot_general3A_96, %add3A_100 : vector<2000x1xf32>
      %swap3A = arith.index_cast %mul3A_6 : i32 to index
      %swap3A_102 = arith.constant 0 : index
      %swap3A_103 = vector.load %arg17[%swap3A, %swap3A_102] : memref<10000x1xf32, #tpu.memory_space<vmem>>, vector<2000x1xf32>
      tpu.vector_store %arg17[%swap3A, %swap3A_102], %add3A_101 {strides = array<i32>} : memref<10000x1xf32, #tpu.memory_space<vmem>>, vector<2000x1xf32>,
      %gt3A = arith.constant 5.000000e-01 : f32
      %gt3A_104 = vector.broadcast %gt3A : f32 to vector<2000x1xf32>
      %gt3A_105 = arith.cmpf ogt, %get3A_27, %gt3A_104 : vector<2000x1xf32>
      %get3A_106 = arith.index_cast %mul3A_6 : i32 to index
      %get3A_107 = arith.constant 0 : index
      %get3A_108 = vector.load %arg5[%get3A_106, %get3A_107] : memref<10000x1xf32, #tpu.memory_space<vmem>>, vector<2000x1xf32>
      %jit3A = arith.constant -1.000000e+09 : f32
      %broadcast_in_dim3A = vector.broadcast %jit3A : f32 to vector<2000x1xf32>
      %select_n3A_109 = arith.select %gt3A_105, %get3A_108, %broadcast_in_dim3A : vector<2000x1xi1>, vector<2000x1xf32>
      %swap3A_110 = arith.index_cast %mul3A_6 : i32 to index
      %swap3A_111 = arith.constant 0 : index
      %swap3A_112 = vector.load %arg18[%swap3A_110, %swap3A_111] : memref<10000x1xf32, #tpu.memory_space<vmem>>, vector<2000x1xf32>
      tpu.vector_store %arg18[%swap3A_110, %swap3A_111], %select_n3A_109 {strides = array<i32>} : memref<10000x1xf32, #tpu.memory_space<vmem>>, vector<2000x1xf32>,
    } else {
    }
    %eq3A = arith.constant 5 : i32
    %eq3A_2 = arith.cmpi eq, %arg0, %eq3A : i32
    %convert_element_type3A_3 = arith.extui %eq3A_2 : i1 to i32
    %cond3A_4 = arith.constant 0 : i32
    %cond3A_5 = arith.cmpi ne, %convert_element_type3A_3, %cond3A_4 : i32
    scf.if %cond3A_5 {
      %get3A = arith.constant 0 : index
      %get3A_6 = arith.constant 0 : index
      %get3A_7 = vector.load %arg18[%get3A, %get3A_6] : memref<10000x1xf32, #tpu.memory_space<vmem>>, vector<10000x1xf32>
      %reduce_max3A = vector.shape_cast %get3A_7 : vector<10000x1xf32> to vector<1x10000x1xf32>
      %reduce_max3A_8 = arith.constant dense<0xFF800000> : vector<1xf32>
      %reduce_max3A_9 = vector.multi_reduction <maximumf>, %reduce_max3A, %reduce_max3A_8 [1, 2] : vector<1x10000x1xf32> to vector<1xf32>
      %reduce_max3A_10 = vector.shape_cast %reduce_max3A_9 : vector<1xf32> to vector<1x1x1xf32>
      %reduce_max3A_11 = vector.extract %reduce_max3A_10[0, 0, 0] : f32 from vector<1x1x1xf32>
      %sub3A = vector.broadcast %reduce_max3A_11 : f32 to vector<10000x1xf32>
      %sub3A_12 = arith.subf %get3A_7, %sub3A : vector<10000x1xf32>
      %exp3A = math.exp %sub3A_12 : vector<10000x1xf32>
      %reduce_sum3A = vector.shape_cast %exp3A : vector<10000x1xf32> to vector<1x10000x1xf32>
      %reduce_sum3A_13 = arith.constant dense<0.000000e+00> : vector<1xf32>
      %reduce_sum3A_14 = vector.multi_reduction <add>, %reduce_sum3A, %reduce_sum3A_13 [1, 2] : vector<1x10000x1xf32> to vector<1xf32>
      %reduce_sum3A_15 = vector.shape_cast %reduce_sum3A_14 : vector<1xf32> to vector<1x1x1xf32>
      %reduce_sum3A_16 = vector.extract %reduce_sum3A_15[0, 0, 0] : f32 from vector<1x1x1xf32>
      %div3A = vector.broadcast %reduce_sum3A_16 : f32 to vector<10000x1xf32>
      %div3A_17 = arith.divf %exp3A, %div3A : vector<10000x1xf32>
      %swap3A = arith.constant 0 : index
      %swap3A_18 = arith.constant 0 : index
      %swap3A_19 = vector.load %arg16[%swap3A, %swap3A_18] : memref<10000x1xf32, #tpu.memory_space<vmem>>, vector<10000x1xf32>
      tpu.vector_store %arg16[%swap3A, %swap3A_18], %div3A_17 {strides = array<i32>} : memref<10000x1xf32, #tpu.memory_space<vmem>>, vector<10000x1xf32>,
    } else {
    }
    return
  }
  func.func @transform_0(%arg0: i32) -> (i32, i32) {
    %c0_i32 = arith.constant 0 : i32
    %c0_i32_0 = arith.constant 0 : i32
    %c0_i32_1 = arith.constant 0 : i32
    return %c0_i32, %c0_i32_0 : i32, i32
  }
  func.func @transform_1(%arg0: i32) -> (i32, i32) {
    %c0_i32 = arith.constant 0 : i32
    %c0_i32_0 = arith.constant 0 : i32
    %c0_i32_1 = arith.constant 0 : i32
    return %c0_i32, %c0_i32_0 : i32, i32
  }
  func.func @transform_2(%arg0: i32) -> (i32, i32, i32) {
    %c0_i32 = arith.constant 0 : i32
    %c0_i32_0 = arith.constant 0 : i32
    %c0_i32_1 = arith.constant 0 : i32
    %c0_i32_2 = arith.constant 0 : i32
    return %c0_i32, %c0_i32_0, %c0_i32_1 : i32, i32, i32
  }
  func.func @transform_3(%arg0: i32) -> (i32, i32) {
    %c0_i32 = arith.constant 0 : i32
    %c0_i32_0 = arith.constant 0 : i32
    %c0_i32_1 = arith.constant 0 : i32
    return %c0_i32, %c0_i32_0 : i32, i32
  }
  func.func @transform_4(%arg0: i32) -> (i32, i32) {
    %c0_i32 = arith.constant 0 : i32
    %c0_i32_0 = arith.constant 0 : i32
    %c0_i32_1 = arith.constant 0 : i32
    return %c0_i32, %c0_i32_0 : i32, i32
  }
  func.func @transform_5(%arg0: i32) -> (i32, i32) {
    %c0_i32 = arith.constant 0 : i32
    %c0_i32_0 = arith.constant 0 : i32
    %c0_i32_1 = arith.constant 0 : i32
    return %c0_i32, %c0_i32_0 : i32, i32
  }
  func.func @transform_6(%arg0: i32) -> (i32, i32) {
    %c0_i32 = arith.constant 0 : i32
    %c0_i32_0 = arith.constant 0 : i32
    %c0_i32_1 = arith.constant 0 : i32
    return %c0_i32, %c0_i32_0 : i32, i32
  }
  func.func @transform_7(%arg0: i32) -> (i32, i32) {
    %c0_i32 = arith.constant 0 : i32
    %c0_i32_0 = arith.constant 0 : i32
    %c0_i32_1 = arith.constant 0 : i32
    return %c0_i32, %c0_i32_0 : i32, i32
  }
  func.func @transform_8(%arg0: i32) -> (i32, i32) {
    %c0_i32 = arith.constant 0 : i32
    %c0_i32_0 = arith.constant 0 : i32
    %c0_i32_1 = arith.constant 0 : i32
    return %c0_i32, %c0_i32_0 : i32, i32
  }
  func.func @transform_9(%arg0: i32) -> (i32, i32) {
    %c0_i32 = arith.constant 0 : i32
    %c0_i32_0 = arith.constant 0 : i32
    %c0_i32_1 = arith.constant 0 : i32
    return %c0_i32, %c0_i32_0 : i32, i32
  }
  func.func @transform_10(%arg0: i32) -> (i32, i32) {
    %c0_i32 = arith.constant 0 : i32
    %c0_i32_0 = arith.constant 0 : i32
    %c0_i32_1 = arith.constant 0 : i32
    return %c0_i32, %c0_i32_0 : i32, i32
  }
  func.func @transform_11(%arg0: i32) -> (i32, i32) {
    %c0_i32 = arith.constant 0 : i32
    %c0_i32_0 = arith.constant 0 : i32
    %c0_i32_1 = arith.constant 0 : i32
    return %c0_i32, %c0_i32_0 : i32, i32
  }
  func.func @transform_12(%arg0: i32) -> (i32, i32) {
    %c0_i32 = arith.constant 0 : i32
    %c0_i32_0 = arith.constant 0 : i32
    %c0_i32_1 = arith.constant 0 : i32
    return %c0_i32, %c0_i32_0 : i32, i32
  }
  func.func @transform_13(%arg0: i32) -> (i32, i32) {
    %c0_i32 = arith.constant 0 : i32
    %c0_i32_0 = arith.constant 0 : i32
    %c0_i32_1 = arith.constant 0 : i32
    return %c0_i32, %c0_i32_0 : i32, i32
  }
  func.func @transform_14(%arg0: i32) -> (i32, i32) {
    %c0_i32 = arith.constant 0 : i32
    %c0_i32_0 = arith.constant 0 : i32
    %c0_i32_1 = arith.constant 0 : i32
    return %c0_i32, %c0_i32_0 : i32, i32
  }
  func.func @transform_15(%arg0: i32) -> (i32, i32) {
    %c0_i32 = arith.constant 0 : i32
    %c0_i32_0 = arith.constant 0 : i32
    %c0_i32_1 = arith.constant 0 : i32
    return %c0_i32, %c0_i32_0 : i32, i32
  }
  func.func @transform_16(%arg0: i32) -> (i32, i32) {
    %c0_i32 = arith.constant 0 : i32
    %c0_i32_0 = arith.constant 0 : i32
    %c0_i32_1 = arith.constant 0 : i32
    return %c0_i32, %c0_i32_0 : i32, i32
  }
}

</mosaic_0001>

<sc_bundles>
// kernel: kernel.11.cloned.1.call-start
scs
__scs_entry_jumppad:
0x0: {  	(pc) =	sbr.rel $0x88, $3  }
0x1: {  	(tag) =	ssettag $0x0;
	lr =	simm.s32 $0x1  }
0x2: {  	[smem:$0x3F8E] =	sst lr;
	_ =	strace $0xD0000000  }
0x3: {  	_ = 	snop  }
0x4: {  	_ = 	snop  }
0x5: {  	_ = 	snop  }
0x6: {  	_ = 	snop  }
0x7: {  	_ = 	snop  }
__scs_overlays_trampoline_lowered:
0x8: {  	[smem:$0x3F9D] =	sst s0  }
0x9: {  	[smem:$0x3F9E] =	sst s1  }
0xa: {  	[smem:$0x3F9F] =	sst s2  }
0xb: {  	[smem:$0x3FA0] =	sst s3  }
0xc: {  	[smem:$0x3FA1] =	sst s4  }
0xd: {  	[smem:$0x3FA2] =	sst s5  }
0xe: {  	[smem:$0x3FA3] =	sst s6  }
0xf: {  	[smem:$0x3FA4] =	sst s7  }
0x10: {  	[smem:$0x3FA5] =	sst s8  }
0x11: {  	[smem:$0x3FA6] =	sst s9;
	s0 =	simm.s32 @!p0 $0x0  }
0x12: {  	s1 =	sld [smem:$0x3F8C];
	s0 =	simm.s32 @p0 $0x1  }
0x13: {  	[smem:$0x3FA7] =	sst s0;
	s0 =	simm.s32 @!p1 $0x0  }
0x14: {  	s2 =	sld [smem:$0x3F8B];
	s0 =	simm.s32 @p1 $0x1  }
0x15: {  	[smem:$0x3FA8] =	sst s0;
	s0 =	simm.s32 @!p2 $0x0  }
0x16: {  	s3 =	sld [smem:$0x3FDB];
	s0 =	simm.s32 @p2 $0x1  }
0x17: {  	s4 =	simm.s32 $0x1BF5;
	[smem:$0x3FAA] =	sst s0  }
0x18: {  	s0 =	sld [smem:$0x3F8D];
	_ =	swait.ge [sflag:s4], $0x0  }
0x19: {  	s7 =	sld [smem:$0x3F8E]  }
0x1a: {  	s8 =	sadd.s32 $0xFFFFE003, lr  }
0x1b: {  	s9 =	sadd.s32 $0xFFFFFEF7, lr;
	s5 =	simm.s32 $0xFFFFFFFF;
	p2 =	slt.u32 s8, $0xFFFFF086  }
0x1c: {  	p1 =	slt.u32 s9, $0xF7A;
	s5 =	simm.s32 @!p2 $0x0  }
0x1d: {  	s5 =	simm.s32 @p1 $0x1;
	p0 =	seq.s32 s7, s2  }
0x1e: {  	s7 =	smul.u32 @!p0 $0xF7A, s2;
	p2 =	seq.s32 @!p0 s5, $0x0  }
0x1f: {  	s9 =	smul.u32 $0xF7A, s1;
	s8 =	simm.s32 @!p0 $0x1BF5;
	p2 =	por !p2, p0  }
0x20: {  	[sflag:s8] =	ssyncset.s32 @!p0 $0xFFFFF086;
	s6 =	sadd.s32 @!p0 s3, s7;
	s7 =	simm.s32 @!p0 $0x108  }
0x21: {  	s3 =	sadd.s32 s3, s9;
	s6 =	sadd.s32 @!p0 $0x88, s6;
	s7 =	simm.s32 @p2 $0x1082  }
0x22: {  	[simem:s7], [sflag:s8] =	dma.local @!p0 [hbm:s6], $0xF7A  }
0x23: {  	s9 =	sor.u32 $0xD0000000, s2;
	s6 =	simm.s32 $0x108;
	_ =	swait.ge @!p0 [sflag:s8], $0x0  }
0x24: {  	s3 =	sadd.s32 $0x88, s3;
	s6 =	simm.s32 @!p1 $0x1082;
	[sflag:s4] =	ssyncset.s32 $0xFFFFF086  }
0x25: {  	[simem:s6], [sflag:s4] =	dma.local [hbm:s3], $0xF7A  }
0x26: {  	[smem:$0x3F8E] =	sst s1;
	(tag) =	ssettag s2;
	_ =	strace s9  }
0x27: {  	s1 =	sld [smem:$0x3F9E]  }
0x28: {  	s2 =	sld [smem:$0x3F9F]  }
0x29: {  	s4 =	sld [smem:$0x3FA1]  }
0x2a: {  	p0 =	seq.s32 s5, $0x0;
	s5 =	sld [smem:$0x3FA2]  }
0x2b: {  	s6 =	sld [smem:$0x3FA3]  }
0x2c: {  	s7 =	sld [smem:$0x3FA4]  }
0x2d: {  	s3 =	simm.s32 $0x108;
	s8 =	sld [smem:$0x3FA5]  }
0x2e: {  	s3 =	simm.s32 @!p0 $0x1082;
	s9 =	sld [smem:$0x3FA6]  }
0x2f: {  	lr =	sadd.s32 s0, s3;
	s0 =	sld [smem:$0x3F9D]  }
0x30: {  	s3 =	sld [smem:$0x3FA0]  }
0x31: {  	[smem:$0x3FA9] =	sst s10  }
0x32: {  	s10 =	sld [smem:$0x3FA7];
	_ =	sdelay $0x3  }
0x33: {  	p0 =	seq.s32 s10, $0x1;
	s10 =	sld [smem:$0x3FA9];
	_ =	sdelay $0x3  }
0x34: {  	[smem:$0x3FA9] =	sst s10  }
0x35: {  	s10 =	sld [smem:$0x3FA8];
	_ =	sdelay $0x3  }
0x36: {  	p1 =	seq.s32 s10, $0x1;
	s10 =	sld [smem:$0x3FA9];
	_ =	sdelay $0x3  }
0x37: {  	[smem:$0x3FA9] =	sst s10  }
0x38: {  	s10 =	sld [smem:$0x3FAA]  }
0x39: {  	_ = 	snop;
	(pc) =	sbr.ind lr, $3  }
0x3a: {  	_ = 	snop  }
0x3b: {  	_ = 	snop  }
0x3c: {  	p2 =	seq.s32 s10, $0x1;
	s10 =	sld [smem:$0x3FA9]  }
0x3d: {  	_ =	shalt  }
0x3e: {  	_ =	shalt  }
0x3f: {  	_ =	shalt  }
0x40: {  	_ =	shalt  }
0x41: {  	_ =	shalt  }
0x42: {  	_ =	shalt  }
0x43: {  	_ =	shalt  }
0x44: {  	_ =	shalt  }
0x45: {  	_ =	shalt  }
0x46: {  	_ =	shalt  }
0x47: {  	_ =	shalt  }
0x48: {  	_ =	shalt  }
0x49: {  	_ =	shalt  }
0x4a: {  	_ =	shalt  }
0x4b: {  	_ =	shalt  }
0x4c: {  	_ =	shalt  }
0x4d: {  	_ =	shalt  }
0x4e: {  	_ =	shalt  }
0x4f: {  	_ =	shalt  }
0x50: {  	_ =	shalt  }
0x51: {  	_ =	shalt  }
0x52: {  	_ =	shalt  }
0x53: {  	_ =	shalt  }
0x54: {  	_ =	shalt  }
0x55: {  	_ =	shalt  }
0x56: {  	_ =	shalt  }
0x57: {  	_ =	shalt  }
0x58: {  	_ =	shalt  }
0x59: {  	_ =	shalt  }
0x5a: {  	_ =	shalt  }
0x5b: {  	_ =	shalt  }
0x5c: {  	_ =	shalt  }
0x5d: {  	_ =	shalt  }
0x5e: {  	_ =	shalt  }
0x5f: {  	_ =	shalt  }
0x60: {  	_ =	shalt  }
0x61: {  	_ =	shalt  }
0x62: {  	_ =	shalt  }
0x63: {  	_ =	shalt  }
0x64: {  	_ =	shalt  }
0x65: {  	_ =	shalt  }
0x66: {  	_ =	shalt  }
0x67: {  	_ =	shalt  }
0x68: {  	_ =	shalt  }
0x69: {  	_ =	shalt  }
0x6a: {  	_ =	shalt  }
0x6b: {  	_ =	shalt  }
0x6c: {  	_ =	shalt  }
0x6d: {  	_ =	shalt  }
0x6e: {  	_ =	shalt  }
0x6f: {  	_ =	shalt  }
0x70: {  	_ =	shalt  }
0x71: {  	_ =	shalt  }
0x72: {  	_ =	shalt  }
0x73: {  	_ =	shalt  }
0x74: {  	_ =	shalt  }
0x75: {  	_ =	shalt  }
0x76: {  	_ =	shalt  }
0x77: {  	_ =	shalt  }
0x78: {  	_ =	shalt  }
0x79: {  	_ =	shalt  }
0x7a: {  	_ =	shalt  }
0x7b: {  	_ =	shalt  }
0x7c: {  	_ =	shalt  }
0x7d: {  	_ =	shalt  }
0x7e: {  	_ =	shalt  }
0x7f: {  	_ =	shalt  }
0x80: {  	_ =	shalt  }
0x81: {  	_ =	shalt  }
0x82: {  	_ =	shalt  }
0x83: {  	_ =	shalt  }
0x84: {  	_ =	shalt  }
0x85: {  	_ =	shalt  }
0x86: {  	_ =	shalt  }
0x87: {  	_ =	shalt  }
.Lfunc_end0:
.L_simem_size_0:
called_computation.1_lowered:
.L_overlay_start_0:
0x88: {  	s2 =	sld [smem:$0x3FD9]  }
0x89: {  	s3 =	sld [smem:$0x3FFE];
	_ =	sdelay $0x1  }
0x8a: {  	s1 =	srdreg.scid  }
0x8b: {  	s0 =	sand.u32 $0x1, s1  }
0x8c: {  	s16 =	sshll.u32 s0, $0xA;
	s2 =	sadd.s32 s3, s2  }
0x8d: {  	s2 =	sadd.s32 s2, s16  }
0x8e: {  	[smem:$0x3FB5] =	sst s2  }
0x8f: {  	_ = 	snop  }
0x90: {  	(tm) =	ssettm $0x1  }
0x91: {  	s17 =	sld [smem:$0x3FFB];
	_ =	sdelay $0x3  }
0x92: {  	_ =	strace s17  }
0x93: {  	s2 =	sld [smem:$0x3FFC];
	_ =	sdelay $0x3  }
0x94: {  	_ =	strace s2  }
0x95: {  	s2 =	sld [smem:$0x3FFD];
	_ =	sdelay $0x3  }
0x96: {  	_ =	strace s2  }
0x97: {  	_ =	strace $0x8FFFFFFF  }
0x98: {  	s18 =	sld [smem:$0x3FDB];
	_ =	sdelay $0x1  }
0x99: {  	s19 =	simm.s32 $_scs_section_size  }
0x9a: {  	s4 =	simm.s32 $_size__tile_overlayer_lowered;
	s5 =	simm.s32 $_tile_overlayer_lowered  }
0x9b: {  	s22 =	simm.s32 $0x1BFF;
	s21 =	sshll.u32 s5, $0x1;
	s2 =	sadd.s32 s19, s18  }
0x9c: {  	s6 =	simm.s32 $0x0;
	s20 =	sshll.u32 s4, $0x1;
	s4 =	sadd.s32 s21, s2  }
0x9d: {  	[timem:s6], [sflag:s22] =	dma.local [hbm:s4], s20  }
0x9e: {  	_ =	swait.ge [sflag:s22], s20  }
0x9f: {  	s3 =	ssub.s32 $0x0, s20;
	[sflag:s22] =	ssyncset.done $0x0  }
0xa0: {  	[sflag:s22] =	ssyncadd.s32 s3;
	_ =	sdelay $0x1  }
0xa1: {  	s23 =	simm.s32 $0x1B8B  }
0xa2: {  	_ =	swait.ge [sflag:s23], $0x1  }
0xa3: {  	[sflag:s23] =	ssyncset.done $0x0  }
0xa4: {  	s25 =	simm.s32 $0x1B8E;
	s24 =	sld [smem:$0x3FFE];
	[sflag:s23] =	ssyncadd.s32 $0xFFFFFFFF  }
0xa5: {  	s26 =	simm.s32 $execute0_lowered;
	[smem:$0x3FD2] =	sst s25  }
0xa6: {  	s4 =	sshll.u32 s26, $0x1;
	_ =	strace $0x80000049;
	[dreg:$0x1] =	wrdreg $0xFFFFFFFF  }
0xa7: {  	s28 =	simm.s32 $_size_execute0_lowered;
	s2 =	sadd.s32 s2, s4;
	[dreg:$0x0] =	wrdreg $0x0  }
0xa8: {  	s4 =	sshll.u32 s28, $0x1;
	[dreg:$0x2] =	wrdreg s2  }
0xa9: {  	[dreg:$0x3] =	wrdreg s4  }
0xaa: {  	[dreg:$0x4] =	wrdreg $0xC0  }
0xab: {  	_ =	task [dreg:s6], $0x5FFFF  }
0xac: {  	[dreg:$0x1] =	wrdreg $0xFFFFFFFF  }
0xad: {  	[dreg:$0x0] =	wrdreg $0x60  }
0xae: {  	[dreg:$0x2] =	wrdreg s24  }
0xaf: {  	[dreg:$0x3] =	wrdreg $0xA8000  }
0xb0: {  	[dreg:$0x4] =	wrdreg $0x9  }
0xb1: {  	_ =	task.clear_ibuf [dreg:s6], $0x5FFFF;
	_ =	strace $0x90000049  }
0xb2: {  	s29 =	simm.s32 $0x9;
	_ =	strace $0x8000004B  }
0xb3: {  	_ =	swait.ge [sflag:s29], $0x1  }
0xb4: {  	[sflag:s29] =	ssyncadd.s32 $0xFFFFFFFF  }
0xb5: {  	_ =	strace $0x9000004B  }
0xb6: {  	_ =	sfence  }
0xb7: {  	s30 =	sld [smem:$0x0];
	_ =	sdelay $0x2  }
0xb8: {  	s31 =	sshll.u32 s1, $0xD;
	s1 =	sshrl.u32 s1, $0x2  }
0xb9: {  	s3 =	sand.u32 $0x4000, s31;
	s1 =	sadd.s32 s1, s30  }
0xba: {  	s0 =	sor.u32 s3, s0;
	s1 =	sshll.u32 s1, $0x11  }
0xbb: {  	s0 =	sor.u32 s1, s0  }
0xbc: {  	s0 =	sadd.s32 $0x8F2B, s0  }
0xbd: {  	[sflag:s0] =	ssyncadd.remote.s32 $0x1  }
0xbe: {  	_ =	sfence.sel $0xFFFF  }
0xbf: {  	[dreg:$0x0] =	wrdreg $0xFFFFFFFF;
	(pc) =	sbr.abs _section_cstart, $3  }
0xc0: {  	[dreg:$0x1] =	wrdreg $0xFFFFFFFF  }
0xc1: {  	_ =	task.clear_ibuf [dreg:s6], $0x2FFFF;
	_ =	strace $0x9FFFFFFF  }
0xc2: {  	(tm) =	ssettm $0x7FFFFFFF  }
0xc3: {  	_ =	shalt  }
tec
execute0_lowered:
.L_overlay_start_1:
0x0: {  	(tag) =	ssettag $0x1  }
0x1: {  	s6 =	rddreg [dreg:$0x0];
	s1 =	srdreg.scid  }
0x2: {  	s0 =	stileid.u32;
	s2 =	rddreg [dreg:$0x1];
	s3 =	simm.s32 $0x0  }
0x3: {  	s13 =	simm.s32 $0x80;
	s14 =	simm.s32 $0x2800;
	s15 =	simm.s32 $0x1  }
0x4: {  	s16 =	simm.s32 $0x6800;
	s17 =	simm.s32 $0x2;
	s18 =	simm.s32 $0x2780  }
0x5: {  	s21 =	simm.s32 $0x2700;
	s5 =	sand.u32 $0x1, s1;
	s1 =	rddreg [dreg:$0x2]  }
0x6: {  	s4 =	sshll.u32 s0, $0x1;
	[smem:$0x7FF] =	sst s3;
	s10 =	smul.u32 $0x50000, s0  }
0x7: {  	s31 =	sshll.u32 s0, $0x6;
	s23 =	smul.u32 $0x2800, s0;
	s4 =	sor.u32 s5, s4  }
0x8: {  	_ =	strace $0x8000004A;
	s8 =	smul.u32 $0x28000, s5;
	s28 =	ssub.s32 $0x2, s5  }
0x9: {  	s5 =	sadd.s32 $0x66A00, s6;
	s7 =	smul.u32 $0x500, s4;
	s4 =	sadd.s32 $0x3EA00, s6  }
0xa: {  	s29 =	sshrl.u32 s28, $0x1;
	s30 =	sshrl.u32 s10, $0x2;
	s11 =	sadd.s32 s8, s6  }
0xb: {  	s12 =	ssub.s32 s28, s29;
	s10 =	sadd.s32 s30, s2;
	s9 =	sadd.s32 s7, s6  }
0xc: {  	s6 =	sor.u32 $0x1C03, s31;
	s22 =	sadd.s32 $0x69200, s11;
	s10 =	sshrl.u32 s10, $0x3  }
0xd: {  	s11 =	simm.s32 $0x3;
	s7 =	sadd.s32 $0xCA00, s9;
	s8 =	sadd.s32 $0x2A00, s9  }
0xe: {  	s9 =	smax.u32 s12, $0x1;
	s12 =	simm.s32 $0x1400;
	s22 =	sadd.s32 s23, s22  }
0xf: {  	s23 =	simm.s32 $0x0;
	s19 =	sadd.s32 $0x280, s7;
	s20 =	sadd.s32 $0x280, s8  }
.LBB2_1:
0x10: {  	[spmem:s10], [sflag:s6] =	dma.local [hbm:s5], $0x2800  }
0x11: {  	_ =	swait.ge [sflag:s11], $0x2800  }
0x12: {  	[sflag:s11] =	ssyncset.done $0x0  }
0x13: {  	[sflag:s11] =	ssyncadd.s32 $0xFFFFD800  }
0x14: {  	[bflag:$0x0] =	sbarrier.arrive $0xFFFF  }
0x15: {  	[tilespmem:s3], [sflag:$0x3] =	stream.linear.gather [hbm4b:s7+s3], $0x1400, $0x38;
	[tilespmem:$0x1E800] =	vst v63  }
0x16: {  	_ =	swait.ge [sflag:s11], $0x1400  }
0x17: {  	[sflag:s11] =	ssyncset.done $0x0  }
0x18: {  	[sflag:s11] =	ssyncadd.s32 $0xFFFFEC00  }
0x19: {  	[tilespmem:s12], [sflag:$0x3] =	stream.linear.gather [hbm4b:s8+s3], $0x1400, $0x38;
	[tilespmem:$0x1E800] =	vst v63  }
0x1a: {  	_ =	swait.ge [sflag:s11], $0x1400  }
0x1b: {  	[sflag:s11] =	ssyncset.done $0x0  }
0x1c: {  	[sflag:s11] =	ssyncadd.s32 $0xFFFFEC00  }
0x1d: {  	[tilespmem:s14], [sflag:$0x1] =	stream.indirect.gather [hbm4b:s4+s13], $0x80, s3, s13, $0xb8;
	[tilespmem:$0x1E800] =	vst v63  }
0x1e: {  	_ =	swait.ge [sflag:s15], $0x4000  }
0x1f: {  	[sflag:s15] =	ssyncset.done $0x0  }
0x20: {  	[sflag:s15] =	ssyncadd.s32 $0xFFFFC000  }
0x21: {  	[spmem:s2] =	stream.indirect.scatter.add.f32 [tilespmem:s14], [sflag:$0x3], $0x80, s12, s13, $0xb8;
	[tilespmem:$0x1E800] =	vst v63  }
0x22: {  	_ =	swait.ge [sflag:s11], $0x4000  }
0x23: {  	[sflag:s11] =	ssyncset.done $0x0  }
0x24: {  	[sflag:s11] =	ssyncadd.s32 $0xFFFFC000  }
0x25: {  	[tilespmem:s14], [sflag:$0x1] =	stream.indirect.gather [hbm4b:s4+s13], $0x80, s13, s13, $0xb8;
	[tilespmem:$0x1E800] =	vst v63  }
0x26: {  	s24 =	simm.s32 $0x100  }
0x27: {  	[tilespmem:s16], [sflag:$0x2] =	stream.indirect.gather [hbm4b:s4+s13], $0x80, s24, s13, $0xb8;
	[tilespmem:$0x1E800] =	vst v63  }
0x28: {  	_ =	swait.ge [sflag:s15], $0x4000  }
0x29: {  	[sflag:s15] =	ssyncset.done $0x0  }
0x2a: {  	s29 =	simm.s32 $0x1480;
	[sflag:s15] =	ssyncadd.s32 $0xFFFFC000  }
0x2b: {  	[spmem:s2] =	stream.indirect.scatter.add.f32 [tilespmem:s14], [sflag:$0x3], $0x80, s29, s13, $0xb8;
	[tilespmem:$0x1E800] =	vst v63  }
0x2c: {  	_ =	swait.ge [sflag:s11], $0x4000  }
0x2d: {  	[sflag:s11] =	ssyncset.done $0x0  }
0x2e: {  	s30 =	simm.s32 $0x180;
	[sflag:s11] =	ssyncadd.s32 $0xFFFFC000  }
0x2f: {  	[tilespmem:s14], [sflag:$0x1] =	stream.indirect.gather [hbm4b:s4+s13], $0x80, s30, s13, $0xb8;
	[tilespmem:$0x1E800] =	vst v63  }
0x30: {  	_ =	swait.ge [sflag:s17], $0x4000  }
0x31: {  	[sflag:s17] =	ssyncset.done $0x0  }
0x32: {  	s31 =	simm.s32 $0x1500;
	[sflag:s17] =	ssyncadd.s32 $0xFFFFC000  }
0x33: {  	[spmem:s2] =	stream.indirect.scatter.add.f32 [tilespmem:s16], [sflag:$0x3], $0x80, s31, s13, $0xb8;
	[tilespmem:$0x1E800] =	vst v63  }
0x34: {  	_ =	swait.ge [sflag:s11], $0x4000  }
0x35: {  	s25 =	simm.s32 $0xFFFFBC00;
	s24 =	simm.s32 $0xFFFFEE00;
	[sflag:s11] =	ssyncset.done $0x0  }
.LBB2_2:
0x36: {  	s26 =	sadd.s32 $0x1400, s24  }
0x37: {  	[sflag:s11] =	ssyncadd.s32 $0xFFFFC000;
	s28 =	smov.u32 s25;
	s29 =	sadd.s32 $0x400, s25  }
0x38: {  	[tilespmem:s16], [sflag:$0x2] =	stream.indirect.gather [hbm4b:s4+s13], $0x80, s26, s13, $0xb8;
	[tilespmem:$0x1E800] =	vst v63  }
0x39: {  	p0 =	sne.s32 s25, $0xFFFFFC00;
	_ =	swait.ge [sflag:s15], $0x4000  }
0x3a: {  	[sflag:s15] =	ssyncset.done $0x0  }
0x3b: {  	s25 =	sadd.s32 $0x2780, s24;
	[sflag:s15] =	ssyncadd.s32 $0xFFFFC000  }
0x3c: {  	[spmem:s2] =	stream.indirect.scatter.add.f32 [tilespmem:s14], [sflag:$0x3], $0x80, s25, s13, $0xb8;
	[tilespmem:$0x1E800] =	vst v63  }
0x3d: {  	_ =	swait.ge [sflag:s11], $0x4000  }
0x3e: {  	[sflag:s11] =	ssyncset.done $0x0  }
0x3f: {  	s25 =	sadd.s32 $0x1480, s24;
	[sflag:s11] =	ssyncadd.s32 $0xFFFFC000  }
0x40: {  	[tilespmem:s14], [sflag:$0x1] =	stream.indirect.gather [hbm4b:s4+s13], $0x80, s25, s13, $0xb8;
	[tilespmem:$0x1E800] =	vst v63  }
0x41: {  	_ =	swait.ge [sflag:s17], $0x4000  }
.Ltmp0:
0x42: {  	[sflag:s17] =	ssyncset.done $0x0;
	(pc) =	sbr.rel @p0 .LBB2_2-.Ltmp0, $4  }
0x43: {  	s24 =	sadd.s32 $0x2800, s24;
	[sflag:s17] =	ssyncadd.s32 $0xFFFFC000  }
0x44: {  	[spmem:s2] =	stream.indirect.scatter.add.f32 [tilespmem:s16], [sflag:$0x3], $0x80, s24, s13, $0xb8;
	[tilespmem:$0x1E800] =	vst v63  }
0x45: {  	_ =	swait.ge [sflag:s11], $0x4000  }
0x46: {  	s25 =	smov.u32 s29;
	s24 =	sshra.s32 s28, $0x2;
	[sflag:s11] =	ssyncset.done $0x0  }
0x47: {  	s25 =	sadd.s32 $0x1400, s24;
	[sflag:s11] =	ssyncadd.s32 $0xFFFFC000  }
0x48: {  	[tilespmem:s16], [sflag:$0x2] =	stream.indirect.gather [hbm4b:s4+s13], $0x80, s25, s13, $0xb8;
	[tilespmem:$0x1E800] =	vst v63  }
0x49: {  	_ =	swait.ge [sflag:s15], $0x4000  }
0x4a: {  	[sflag:s15] =	ssyncset.done $0x0  }
0x4b: {  	s30 =	sadd.s32 $0x2780, s24;
	[sflag:s15] =	ssyncadd.s32 $0xFFFFC000  }
0x4c: {  	[spmem:s2] =	stream.indirect.scatter.add.f32 [tilespmem:s14], [sflag:$0x3], $0x80, s30, s13, $0xb8;
	[tilespmem:$0x1E800] =	vst v63  }
0x4d: {  	_ =	swait.ge [sflag:s11], $0x4000  }
0x4e: {  	[sflag:s11] =	ssyncset.done $0x0  }
0x4f: {  	s31 =	sadd.s32 $0x1480, s24;
	[sflag:s11] =	ssyncadd.s32 $0xFFFFC000  }
0x50: {  	[tilespmem:s14], [sflag:$0x1] =	stream.indirect.gather [hbm4b:s4+s13], $0x80, s31, s13, $0xb8;
	[tilespmem:$0x1E800] =	vst v63  }
0x51: {  	_ =	swait.ge [sflag:s17], $0x4000  }
0x52: {  	[sflag:s17] =	ssyncset.done $0x0  }
0x53: {  	s25 =	sadd.s32 $0x2800, s24;
	[sflag:s17] =	ssyncadd.s32 $0xFFFFC000  }
0x54: {  	[spmem:s2] =	stream.indirect.scatter.add.f32 [tilespmem:s16], [sflag:$0x3], $0x80, s25, s13, $0xb8;
	[tilespmem:$0x1E800] =	vst v63  }
0x55: {  	_ =	swait.ge [sflag:s11], $0x4000  }
0x56: {  	[sflag:s11] =	ssyncset.done $0x0  }
0x57: {  	[sflag:s11] =	ssyncadd.s32 $0xFFFFC000  }
0x58: {  	_ =	swait.ge [sflag:s15], $0x4000  }
0x59: {  	[sflag:s15] =	ssyncset.done $0x0  }
0x5a: {  	[sflag:s15] =	ssyncadd.s32 $0xFFFFC000  }
0x5b: {  	[spmem:s2] =	stream.indirect.scatter.add.f32 [tilespmem:s14], [sflag:$0x3], $0x80, s18, s13, $0xb8;
	[tilespmem:$0x1E800] =	vst v63  }
0x5c: {  	_ =	swait.ge [sflag:s11], $0x4000  }
0x5d: {  	[sflag:s11] =	ssyncset.done $0x0  }
0x5e: {  	s26 =	simm.s32 $0x0;
	[sflag:s11] =	ssyncadd.s32 $0xFFFFC000  }
0x5f: {  	[tilespmem:s26], [sflag:$0x3] =	stream.linear.gather [hbm4b:s19+s26], $0x1380, $0x38;
	[tilespmem:$0x1E800] =	vst v63  }
0x60: {  	_ =	swait.ge [sflag:s11], $0x1380  }
0x61: {  	[sflag:s11] =	ssyncset.done $0x0  }
0x62: {  	[sflag:s11] =	ssyncadd.s32 $0xFFFFEC80  }
0x63: {  	[tilespmem:s12], [sflag:$0x3] =	stream.linear.gather [hbm4b:s20+s26], $0x1380, $0x38;
	[tilespmem:$0x1E800] =	vst v63  }
0x64: {  	_ =	swait.ge [sflag:s11], $0x1380  }
0x65: {  	[sflag:s11] =	ssyncset.done $0x0  }
0x66: {  	[sflag:s11] =	ssyncadd.s32 $0xFFFFEC80  }
0x67: {  	[tilespmem:s14], [sflag:$0x1] =	stream.indirect.gather [hbm4b:s4+s13], $0x80, s26, s13, $0xb8;
	[tilespmem:$0x1E800] =	vst v63  }
0x68: {  	s28 =	simm.s32 $0x80  }
0x69: {  	[tilespmem:s16], [sflag:$0x2] =	stream.indirect.gather [hbm4b:s4+s13], $0x80, s28, s13, $0xb8;
	[tilespmem:$0x1E800] =	vst v63  }
0x6a: {  	_ =	swait.ge [sflag:s15], $0x4000  }
0x6b: {  	[sflag:s15] =	ssyncset.done $0x0  }
0x6c: {  	s29 =	simm.s32 $0x1400;
	[sflag:s15] =	ssyncadd.s32 $0xFFFFC000  }
0x6d: {  	[spmem:s2] =	stream.indirect.scatter.add.f32 [tilespmem:s14], [sflag:$0x3], $0x80, s29, s13, $0xb8;
	[tilespmem:$0x1E800] =	vst v63  }
0x6e: {  	_ =	swait.ge [sflag:s11], $0x4000  }
0x6f: {  	[sflag:s11] =	ssyncset.done $0x0  }
0x70: {  	s30 =	simm.s32 $0x100;
	[sflag:s11] =	ssyncadd.s32 $0xFFFFC000  }
0x71: {  	[tilespmem:s14], [sflag:$0x1] =	stream.indirect.gather [hbm4b:s4+s13], $0x80, s30, s13, $0xb8;
	[tilespmem:$0x1E800] =	vst v63  }
0x72: {  	_ =	swait.ge [sflag:s17], $0x4000  }
0x73: {  	[sflag:s17] =	ssyncset.done $0x0  }
0x74: {  	s31 =	simm.s32 $0x1480;
	[sflag:s17] =	ssyncadd.s32 $0xFFFFC000  }
0x75: {  	[spmem:s2] =	stream.indirect.scatter.add.f32 [tilespmem:s16], [sflag:$0x3], $0x80, s31, s13, $0xb8;
	[tilespmem:$0x1E800] =	vst v63  }
0x76: {  	_ =	swait.ge [sflag:s11], $0x4000  }
0x77: {  	s24 =	simm.s32 $0x100;
	s25 =	simm.s32 $0x800;
	[sflag:s11] =	ssyncset.done $0x0  }
.LBB2_4:
0x78: {  	s26 =	sadd.s32 $0x80, s24  }
0x79: {  	[sflag:s11] =	ssyncadd.s32 $0xFFFFC000;
	s28 =	smov.u32 s25;
	s29 =	sadd.s32 $0x400, s25  }
0x7a: {  	[tilespmem:s16], [sflag:$0x2] =	stream.indirect.gather [hbm4b:s4+s13], $0x80, s26, s13, $0xb8;
	[tilespmem:$0x1E800] =	vst v63  }
0x7b: {  	p0 =	sne.s32 s25, $0x4800;
	_ =	swait.ge [sflag:s15], $0x4000  }
0x7c: {  	[sflag:s15] =	ssyncset.done $0x0  }
0x7d: {  	s25 =	sadd.s32 $0x1400, s24;
	[sflag:s15] =	ssyncadd.s32 $0xFFFFC000  }
0x7e: {  	[spmem:s2] =	stream.indirect.scatter.add.f32 [tilespmem:s14], [sflag:$0x3], $0x80, s25, s13, $0xb8;
	[tilespmem:$0x1E800] =	vst v63  }
0x7f: {  	_ =	swait.ge [sflag:s11], $0x4000  }
0x80: {  	[sflag:s11] =	ssyncset.done $0x0  }
0x81: {  	s25 =	sadd.s32 $0x100, s24;
	[sflag:s11] =	ssyncadd.s32 $0xFFFFC000  }
0x82: {  	[tilespmem:s14], [sflag:$0x1] =	stream.indirect.gather [hbm4b:s4+s13], $0x80, s25, s13, $0xb8;
	[tilespmem:$0x1E800] =	vst v63  }
0x83: {  	_ =	swait.ge [sflag:s17], $0x4000  }
.Ltmp1:
0x84: {  	[sflag:s17] =	ssyncset.done $0x0;
	(pc) =	sbr.rel @p0 .LBB2_4-.Ltmp1, $4  }
0x85: {  	s24 =	sadd.s32 $0x1480, s24;
	[sflag:s17] =	ssyncadd.s32 $0xFFFFC000  }
0x86: {  	[spmem:s2] =	stream.indirect.scatter.add.f32 [tilespmem:s16], [sflag:$0x3], $0x80, s24, s13, $0xb8;
	[tilespmem:$0x1E800] =	vst v63  }
0x87: {  	_ =	swait.ge [sflag:s11], $0x4000  }
0x88: {  	s25 =	smov.u32 s29;
	s24 =	sshra.s32 s28, $0x2;
	[sflag:s11] =	ssyncset.done $0x0  }
0x89: {  	s25 =	sadd.s32 $0x80, s24;
	[sflag:s11] =	ssyncadd.s32 $0xFFFFC000  }
0x8a: {  	[tilespmem:s16], [sflag:$0x2] =	stream.indirect.gather [hbm4b:s4+s13], $0x80, s25, s13, $0xb8;
	[tilespmem:$0x1E800] =	vst v63  }
0x8b: {  	_ =	swait.ge [sflag:s15], $0x4000  }
0x8c: {  	[sflag:s15] =	ssyncset.done $0x0  }
0x8d: {  	s29 =	sadd.s32 $0x1400, s24;
	[sflag:s15] =	ssyncadd.s32 $0xFFFFC000  }
0x8e: {  	[spmem:s2] =	stream.indirect.scatter.add.f32 [tilespmem:s14], [sflag:$0x3], $0x80, s29, s13, $0xb8;
	[tilespmem:$0x1E800] =	vst v63  }
0x8f: {  	_ =	swait.ge [sflag:s11], $0x4000  }
0x90: {  	[sflag:s11] =	ssyncset.done $0x0  }
0x91: {  	s30 =	sadd.s32 $0x100, s24;
	[sflag:s11] =	ssyncadd.s32 $0xFFFFC000  }
0x92: {  	[tilespmem:s14], [sflag:$0x1] =	stream.indirect.gather [hbm4b:s4+s13], $0x80, s30, s13, $0xb8;
	[tilespmem:$0x1E800] =	vst v63  }
0x93: {  	_ =	swait.ge [sflag:s17], $0x4000  }
0x94: {  	[sflag:s17] =	ssyncset.done $0x0  }
0x95: {  	s31 =	sadd.s32 $0x1480, s24;
	[sflag:s17] =	ssyncadd.s32 $0xFFFFC000  }
0x96: {  	[spmem:s2] =	stream.indirect.scatter.add.f32 [tilespmem:s16], [sflag:$0x3], $0x80, s31, s13, $0xb8;
	[tilespmem:$0x1E800] =	vst v63  }
0x97: {  	_ =	swait.ge [sflag:s11], $0x4000  }
0x98: {  	[sflag:s11] =	ssyncset.done $0x0  }
0x99: {  	[sflag:s11] =	ssyncadd.s32 $0xFFFFC000  }
0x9a: {  	_ =	swait.ge [sflag:s15], $0x4000  }
0x9b: {  	[sflag:s15] =	ssyncset.done $0x0  }
0x9c: {  	[sflag:s15] =	ssyncadd.s32 $0xFFFFC000  }
0x9d: {  	[spmem:s2] =	stream.indirect.scatter.add.f32 [tilespmem:s14], [sflag:$0x3], $0x80, s21, s13, $0xb8;
	[tilespmem:$0x1E800] =	vst v63  }
0x9e: {  	_ =	swait.ge [sflag:s11], $0x4000  }
0x9f: {  	s23 =	sadd.s32 $0x1, s23;
	[sflag:s11] =	ssyncset.done $0x0  }
0xa0: {  	p0 =	sne.s32 s23, s9;
	[sflag:s11] =	ssyncadd.s32 $0xFFFFC000  }
.Ltmp2:
0xa1: {  	[bflag:$0x0] =	sbarrier.arrive $0xFFFF;
	(pc) =	sbr.rel @p0 .LBB2_1-.Ltmp2, $4  }
0xa2: {  	[hbm:s22], [sflag:s6] =	dma.local [spmem:s10], $0x2800  }
0xa3: {  	_ =	swait.ge [sflag:s11], $0x2800  }
0xa4: {  	[sflag:s11] =	ssyncset.done $0x0  }
0xa5: {  	[sflag:s11] =	ssyncadd.s32 $0xFFFFD800  }
0xa6: {  	_ =	sfence.sel $0x180000  }
0xa7: {  	[bflag:$0x0] =	sbarrier.arrive $0xFFFF  }
0xa8: {  	p0 =	sne.s32 s0, $0x0;
	_ =	strace $0x9000004A  }
0xa9: {  	s0 =	sadd.s32 @!p0 $0x100000, s1;
	[bflag:$0x2] =	sbarrier.arrive $0xFFFF  }
0xaa: {  	[sflag:s0] =	ssyncadd.tile.s32 @!p0 $0x1;
	_ =	shalt  }
.Lfunc_end2:
_tile_overlayer_lowered:
.L_overlay_start_2:
0xab: {  	(tag) =	ssettag $0x2  }
0xac: {  	s0 =	rddreg [dreg:$0x0];
	s2 =	stileid.u32  }
0xad: {  	s1 =	rddreg [dreg:$0x1];
	p0 =	sne.s32 s2, $0x0  }
0xae: {  	s3 =	rddreg [dreg:$0x2];
	[bflag:$0x3] =	sbarrier.arrive $0xFFFF;
	s2 =	simm.s32 @!p0 $0x1C03  }
0xaf: {  	[timem:s3], [sflag:s2] =	dma.local @!p0 [hbm:s0], s1  }
0xb0: {  	s0 =	simm.s32 @!p0 $0x3  }
0xb1: {  	_ =	swait.ge @!p0 [sflag:s0], s1  }
0xb2: {  	s1 =	ssub.s32 @!p0 $0x0, s1;
	[sflag:s0] =	ssyncset.done @!p0 $0x0  }
0xb3: {  	[sflag:s0] =	ssyncadd.s32 @!p0 s1  }
0xb4: {  	[bflag:$0x3] =	sbarrier.arrive $0xFFFF  }
0xb5: {  	_ =	shalt  }

// kernel: kernel.8.cloned.1.call-start
scs
__scs_entry_jumppad:
0x0: {  	(pc) =	sbr.rel $0x88, $3  }
0x1: {  	(tag) =	ssettag $0x0;
	lr =	simm.s32 $0x1  }
0x2: {  	[smem:$0x3F8E] =	sst lr;
	_ =	strace $0xD0000000  }
0x3: {  	_ = 	snop  }
0x4: {  	_ = 	snop  }
0x5: {  	_ = 	snop  }
0x6: {  	_ = 	snop  }
0x7: {  	_ = 	snop  }
__scs_overlays_trampoline_lowered:
0x8: {  	[smem:$0x3F9D] =	sst s0  }
0x9: {  	[smem:$0x3F9E] =	sst s1  }
0xa: {  	[smem:$0x3F9F] =	sst s2  }
0xb: {  	[smem:$0x3FA0] =	sst s3  }
0xc: {  	[smem:$0x3FA1] =	sst s4  }
0xd: {  	[smem:$0x3FA2] =	sst s5  }
0xe: {  	[smem:$0x3FA3] =	sst s6  }
0xf: {  	[smem:$0x3FA4] =	sst s7  }
0x10: {  	[smem:$0x3FA5] =	sst s8  }
0x11: {  	[smem:$0x3FA6] =	sst s9;
	s0 =	simm.s32 @!p0 $0x0  }
0x12: {  	s1 =	sld [smem:$0x3F8C];
	s0 =	simm.s32 @p0 $0x1  }
0x13: {  	[smem:$0x3FA7] =	sst s0;
	s0 =	simm.s32 @!p1 $0x0  }
0x14: {  	s2 =	sld [smem:$0x3F8B];
	s0 =	simm.s32 @p1 $0x1  }
0x15: {  	[smem:$0x3FA8] =	sst s0;
	s0 =	simm.s32 @!p2 $0x0  }
0x16: {  	s3 =	sld [smem:$0x3FDB];
	s0 =	simm.s32 @p2 $0x1  }
0x17: {  	s4 =	simm.s32 $0x1BF5;
	[smem:$0x3FAA] =	sst s0  }
0x18: {  	s0 =	sld [smem:$0x3F8D];
	_ =	swait.ge [sflag:s4], $0x0  }
0x19: {  	s7 =	sld [smem:$0x3F8E]  }
0x1a: {  	s8 =	sadd.s32 $0xFFFFE003, lr  }
0x1b: {  	s9 =	sadd.s32 $0xFFFFFEF7, lr;
	s5 =	simm.s32 $0xFFFFFFFF;
	p2 =	slt.u32 s8, $0xFFFFF086  }
0x1c: {  	p1 =	slt.u32 s9, $0xF7A;
	s5 =	simm.s32 @!p2 $0x0  }
0x1d: {  	s5 =	simm.s32 @p1 $0x1;
	p0 =	seq.s32 s7, s2  }
0x1e: {  	s7 =	smul.u32 @!p0 $0xF7A, s2;
	p2 =	seq.s32 @!p0 s5, $0x0  }
0x1f: {  	s9 =	smul.u32 $0xF7A, s1;
	s8 =	simm.s32 @!p0 $0x1BF5;
	p2 =	por !p2, p0  }
0x20: {  	[sflag:s8] =	ssyncset.s32 @!p0 $0xFFFFF086;
	s6 =	sadd.s32 @!p0 s3, s7;
	s7 =	simm.s32 @!p0 $0x108  }
0x21: {  	s3 =	sadd.s32 s3, s9;
	s6 =	sadd.s32 @!p0 $0x88, s6;
	s7 =	simm.s32 @p2 $0x1082  }
0x22: {  	[simem:s7], [sflag:s8] =	dma.local @!p0 [hbm:s6], $0xF7A  }
0x23: {  	s9 =	sor.u32 $0xD0000000, s2;
	s6 =	simm.s32 $0x108;
	_ =	swait.ge @!p0 [sflag:s8], $0x0  }
0x24: {  	s3 =	sadd.s32 $0x88, s3;
	s6 =	simm.s32 @!p1 $0x1082;
	[sflag:s4] =	ssyncset.s32 $0xFFFFF086  }
0x25: {  	[simem:s6], [sflag:s4] =	dma.local [hbm:s3], $0xF7A  }
0x26: {  	[smem:$0x3F8E] =	sst s1;
	(tag) =	ssettag s2;
	_ =	strace s9  }
0x27: {  	s1 =	sld [smem:$0x3F9E]  }
0x28: {  	s2 =	sld [smem:$0x3F9F]  }
0x29: {  	s4 =	sld [smem:$0x3FA1]  }
0x2a: {  	p0 =	seq.s32 s5, $0x0;
	s5 =	sld [smem:$0x3FA2]  }
0x2b: {  	s6 =	sld [smem:$0x3FA3]  }
0x2c: {  	s7 =	sld [smem:$0x3FA4]  }
0x2d: {  	s3 =	simm.s32 $0x108;
	s8 =	sld [smem:$0x3FA5]  }
0x2e: {  	s3 =	simm.s32 @!p0 $0x1082;
	s9 =	sld [smem:$0x3FA6]  }
0x2f: {  	lr =	sadd.s32 s0, s3;
	s0 =	sld [smem:$0x3F9D]  }
0x30: {  	s3 =	sld [smem:$0x3FA0]  }
0x31: {  	[smem:$0x3FA9] =	sst s10  }
0x32: {  	s10 =	sld [smem:$0x3FA7];
	_ =	sdelay $0x3  }
0x33: {  	p0 =	seq.s32 s10, $0x1;
	s10 =	sld [smem:$0x3FA9];
	_ =	sdelay $0x3  }
0x34: {  	[smem:$0x3FA9] =	sst s10  }
0x35: {  	s10 =	sld [smem:$0x3FA8];
	_ =	sdelay $0x3  }
0x36: {  	p1 =	seq.s32 s10, $0x1;
	s10 =	sld [smem:$0x3FA9];
	_ =	sdelay $0x3  }
0x37: {  	[smem:$0x3FA9] =	sst s10  }
0x38: {  	s10 =	sld [smem:$0x3FAA]  }
0x39: {  	_ = 	snop;
	(pc) =	sbr.ind lr, $3  }
0x3a: {  	_ = 	snop  }
0x3b: {  	_ = 	snop  }
0x3c: {  	p2 =	seq.s32 s10, $0x1;
	s10 =	sld [smem:$0x3FA9]  }
0x3d: {  	_ =	shalt  }
0x3e: {  	_ =	shalt  }
0x3f: {  	_ =	shalt  }
0x40: {  	_ =	shalt  }
0x41: {  	_ =	shalt  }
0x42: {  	_ =	shalt  }
0x43: {  	_ =	shalt  }
0x44: {  	_ =	shalt  }
0x45: {  	_ =	shalt  }
0x46: {  	_ =	shalt  }
0x47: {  	_ =	shalt  }
0x48: {  	_ =	shalt  }
0x49: {  	_ =	shalt  }
0x4a: {  	_ =	shalt  }
0x4b: {  	_ =	shalt  }
0x4c: {  	_ =	shalt  }
0x4d: {  	_ =	shalt  }
0x4e: {  	_ =	shalt  }
0x4f: {  	_ =	shalt  }
0x50: {  	_ =	shalt  }
0x51: {  	_ =	shalt  }
0x52: {  	_ =	shalt  }
0x53: {  	_ =	shalt  }
0x54: {  	_ =	shalt  }
0x55: {  	_ =	shalt  }
0x56: {  	_ =	shalt  }
0x57: {  	_ =	shalt  }
0x58: {  	_ =	shalt  }
0x59: {  	_ =	shalt  }
0x5a: {  	_ =	shalt  }
0x5b: {  	_ =	shalt  }
0x5c: {  	_ =	shalt  }
0x5d: {  	_ =	shalt  }
0x5e: {  	_ =	shalt  }
0x5f: {  	_ =	shalt  }
0x60: {  	_ =	shalt  }
0x61: {  	_ =	shalt  }
0x62: {  	_ =	shalt  }
0x63: {  	_ =	shalt  }
0x64: {  	_ =	shalt  }
0x65: {  	_ =	shalt  }
0x66: {  	_ =	shalt  }
0x67: {  	_ =	shalt  }
0x68: {  	_ =	shalt  }
0x69: {  	_ =	shalt  }
0x6a: {  	_ =	shalt  }
0x6b: {  	_ =	shalt  }
0x6c: {  	_ =	shalt  }
0x6d: {  	_ =	shalt  }
0x6e: {  	_ =	shalt  }
0x6f: {  	_ =	shalt  }
0x70: {  	_ =	shalt  }
0x71: {  	_ =	shalt  }
0x72: {  	_ =	shalt  }
0x73: {  	_ =	shalt  }
0x74: {  	_ =	shalt  }
0x75: {  	_ =	shalt  }
0x76: {  	_ =	shalt  }
0x77: {  	_ =	shalt  }
0x78: {  	_ =	shalt  }
0x79: {  	_ =	shalt  }
0x7a: {  	_ =	shalt  }
0x7b: {  	_ =	shalt  }
0x7c: {  	_ =	shalt  }
0x7d: {  	_ =	shalt  }
0x7e: {  	_ =	shalt  }
0x7f: {  	_ =	shalt  }
0x80: {  	_ =	shalt  }
0x81: {  	_ =	shalt  }
0x82: {  	_ =	shalt  }
0x83: {  	_ =	shalt  }
0x84: {  	_ =	shalt  }
0x85: {  	_ =	shalt  }
0x86: {  	_ =	shalt  }
0x87: {  	_ =	shalt  }
.Lfunc_end0:
.L_simem_size_0:
called_computation_lowered:
.L_overlay_start_0:
0x88: {  	s2 =	sld [smem:$0x3FD9]  }
0x89: {  	s3 =	sld [smem:$0x3FFE];
	_ =	sdelay $0x1  }
0x8a: {  	s1 =	srdreg.scid  }
0x8b: {  	s0 =	sand.u32 $0x1, s1  }
0x8c: {  	s14 =	sshll.u32 s0, $0xA;
	s2 =	sadd.s32 s3, s2  }
0x8d: {  	s2 =	sadd.s32 s2, s14  }
0x8e: {  	[smem:$0x3FB5] =	sst s2  }
0x8f: {  	_ = 	snop  }
0x90: {  	s2 =	sld [smem:$0x3FD0];
	_ =	sdelay $0x2  }
0x91: {  	s15 =	simm.s32 $0xA;
	s4 =	simm.s32 $0x10  }
0x92: {  	[smem:s4], [sflag:s15] =	dma.local [hbm:s2], $0x1  }
0x93: {  	_ =	swait.eq [sflag:s15], $0x1  }
0x94: {  	[sflag:s15] =	ssyncset.done $0x0  }
0x95: {  	[sflag:s15] =	ssyncadd.s32 $0xFFFFFFFF  }
0x96: {  	s16 =	sld [smem:$0x10];
	(tm) =	ssettm $0x1  }
0x97: {  	s17 =	sld [smem:$0x3FFB];
	_ =	sdelay $0x3  }
0x98: {  	_ =	strace s17  }
0x99: {  	s3 =	sld [smem:$0x3FFC];
	_ =	sdelay $0x3  }
0x9a: {  	_ =	strace s3  }
0x9b: {  	s3 =	sld [smem:$0x3FFD];
	_ =	sdelay $0x3  }
0x9c: {  	_ =	strace s3  }
0x9d: {  	_ =	strace $0x8FFFFFFF  }
0x9e: {  	s18 =	sld [smem:$0x3FDB];
	_ =	sdelay $0x1  }
0x9f: {  	s19 =	simm.s32 $_scs_section_size  }
0xa0: {  	s5 =	simm.s32 $_size__tile_overlayer_lowered;
	s6 =	simm.s32 $_tile_overlayer_lowered  }
0xa1: {  	s22 =	simm.s32 $0x1BFF;
	s21 =	sshll.u32 s6, $0x1;
	s3 =	sadd.s32 s19, s18  }
0xa2: {  	s7 =	simm.s32 $0x0;
	s20 =	sshll.u32 s5, $0x1;
	s5 =	sadd.s32 s21, s3  }
0xa3: {  	[timem:s7], [sflag:s22] =	dma.local [hbm:s5], s20  }
0xa4: {  	_ =	swait.ge [sflag:s22], s20  }
0xa5: {  	s4 =	ssub.s32 $0x0, s20;
	[sflag:s22] =	ssyncset.done $0x0  }
0xa6: {  	[sflag:s22] =	ssyncadd.s32 s4;
	_ =	sdelay $0x1  }
0xa7: {  	s23 =	simm.s32 $0x1B8B  }
0xa8: {  	_ =	swait.ge [sflag:s23], $0x1  }
0xa9: {  	[sflag:s23] =	ssyncset.done $0x0  }
0xaa: {  	s25 =	simm.s32 $0x1B8E;
	s24 =	sld [smem:$0x3FFE];
	[sflag:s23] =	ssyncadd.s32 $0xFFFFFFFF  }
0xab: {  	s26 =	simm.s32 $execute0_lowered;
	[smem:$0x3FD2] =	sst s25  }
0xac: {  	s5 =	sshll.u32 s26, $0x1;
	_ =	strace $0x80000046;
	[dreg:$0x1] =	wrdreg $0xFFFFFFFF  }
0xad: {  	s28 =	simm.s32 $_size_execute0_lowered;
	s3 =	sadd.s32 s3, s5;
	[dreg:$0x0] =	wrdreg $0x0  }
0xae: {  	s5 =	sshll.u32 s28, $0x1;
	[dreg:$0x2] =	wrdreg s3  }
0xaf: {  	[dreg:$0x3] =	wrdreg s5  }
0xb0: {  	[dreg:$0x4] =	wrdreg $0xC0  }
0xb1: {  	_ =	task [dreg:s7], $0x5FFFF  }
0xb2: {  	[dreg:$0x1] =	wrdreg $0xFFFFFFFF  }
0xb3: {  	[dreg:$0x0] =	wrdreg $0x60  }
0xb4: {  	[dreg:$0x2] =	wrdreg s24  }
0xb5: {  	[dreg:$0x3] =	wrdreg s16  }
0xb6: {  	[dreg:$0x4] =	wrdreg $0x9  }
0xb7: {  	_ =	task.clear_ibuf [dreg:s7], $0x5FFFF;
	_ =	strace $0x90000046  }
0xb8: {  	s29 =	simm.s32 $0x9;
	_ =	strace $0x80000048  }
0xb9: {  	_ =	swait.ge [sflag:s29], $0x1  }
0xba: {  	[sflag:s29] =	ssyncadd.s32 $0xFFFFFFFF  }
0xbb: {  	_ =	strace $0x90000048  }
0xbc: {  	_ =	sfence  }
0xbd: {  	s30 =	sld [smem:$0x0];
	_ =	sdelay $0x2  }
0xbe: {  	s31 =	sshll.u32 s1, $0xD;
	s1 =	sshrl.u32 s1, $0x2  }
0xbf: {  	s3 =	sand.u32 $0x4000, s31;
	s1 =	sadd.s32 s1, s30  }
0xc0: {  	s0 =	sor.u32 s3, s0;
	s1 =	sshll.u32 s1, $0x11  }
0xc1: {  	s0 =	sor.u32 s1, s0  }
0xc2: {  	s0 =	sadd.s32 $0x8F2B, s0  }
0xc3: {  	[sflag:s0] =	ssyncadd.remote.s32 $0x1  }
0xc4: {  	_ =	sfence.sel $0xFFFF  }
0xc5: {  	[dreg:$0x0] =	wrdreg $0xFFFFFFFF;
	(pc) =	sbr.abs _section_cstart, $3  }
0xc6: {  	[dreg:$0x1] =	wrdreg $0xFFFFFFFF  }
0xc7: {  	_ =	task.clear_ibuf [dreg:s7], $0x2FFFF;
	_ =	strace $0x9FFFFFFF  }
0xc8: {  	(tm) =	ssettm $0x7FFFFFFF  }
0xc9: {  	_ =	shalt  }
tec
execute0_lowered:
.L_overlay_start_1:
0x0: {  	(tag) =	ssettag $0x1  }
0x1: {  	v0 =	vimm.s32 $0xA380;
	vm0 =	vcmask $0x300  }
0x2: {  	vm14 =	vcmask $0x704;
	v0 =	vsel vm0, $0x0, v0  }
0x3: {  	s5 =	rddreg [dreg:$0x0];
	vm15 =	vcmask $0xB08;
	v0 =	vsel vm14, $0x80, v0  }
0x4: {  	s1 =	rddreg [dreg:$0x1];
	vm4 =	vcmask $0xF0C;
	v0 =	vsel vm15, $0x100, v0  }
0x5: {  	s0 =	rddreg [dreg:$0x2];
	vm5 =	vcmask $0x1310;
	v0 =	vsel vm4, $0x180, v0  }
0x6: {  	s2 =	simm.s32 $0x0;
	vm6 =	vcmask $0x1714;
	s4 =	srdreg.scid;
	s3 =	stileid.u32;
	v0 =	vsel vm5, $0x200, v0  }
0x7: {  	vm7 =	vcmask $0x1B18;
	[smem:$0x7FF] =	sst s2;
	s6 =	sadd.s32 $0xCA00, s5;
	s16 =	smul.u32 $0x5000, s3;
	v0 =	vsel vm6, $0x280, v0  }
0x8: {  	vm8 =	vcmask $0x1F1C;
	s8 =	sadd.s32 $0x2A00, s5;
	s9 =	sand.u32 $0x1, s4;
	s12 =	smul.u32 $0xA00, s3;
	v0 =	vsel vm7, $0x300, v0  }
0x9: {  	vm9 =	vcmask $0x2320;
	s4 =	sadd.s32 $0x16A00, s5;
	s7 =	smul.u32 $0x50000, s9;
	s10 =	ssub.s32 $0x2, s9;
	v0 =	vsel vm8, $0x380, v0  }
0xa: {  	vm10 =	vcmask $0x2724;
	_ =	strace $0x80000047;
	s15 =	smul.u32 $0x1400, s9;
	s11 =	sshrl.u32 s10, $0x1;
	v0 =	vsel vm9, $0xA000, v0  }
0xb: {  	vm11 =	vcmask $0x2B28;
	s13 =	sshrl.u32 s16, $0x3;
	s14 =	sadd.s32 s7, s5;
	s10 =	ssub.s32 s10, s11;
	v0 =	vsel vm10, $0xA080, v0  }
0xc: {  	vm12 =	vcmask $0x2F2C;
	s31 =	sadd.s32 $0x500, s13;
	s5 =	sadd.s32 s6, s12;
	s7 =	sadd.s32 s8, s12;
	v0 =	vsel vm11, $0xA100, v0  }
0xd: {  	vm13 =	vcmask $0x3330;
	s11 =	simm.s32 $0x2800;
	s12 =	simm.s32 $0x5000;
	s13 =	simm.s32 $0x7800;
	v0 =	vsel vm12, $0xA180, v0  }
0xe: {  	vm14 =	vcmask $0x3734;
	s6 =	sadd.s32 s6, s31;
	s8 =	sadd.s32 s8, s31;
	s17 =	sadd.s32 $0x19200, s14;
	v0 =	vsel vm13, $0xA200, v0  }
0xf: {  	vm15 =	vcmask $0x3B38;
	s9 =	smax.u32 s10, $0x1;
	s10 =	simm.s32 $0x1;
	s14 =	simm.s32 $0xA000;
	v1 =	vsel vm14, $0xA280, v0  }
0x10: {  	v2 =	vimm.f32 $1.000000000e+00;
	s16 =	sadd.s32 s16, s17;
	s17 =	simm.s32 $0x0;
	v0 =	vmov s15;
	s15 =	simm.s32 $0xA080;
	v1 =	vsel vm15, $0xA300, v1  }
.LBB2_1:
0x11: {  	[tilespmem:s2], [sflag:$0x1] =	stream.linear.gather [hbm4b:s5+s2], $0x2780, $0x38;
	[tilespmem:$0x1E080] =	vst v63  }
0x12: {  	_ =	swait.ge [sflag:s10], $0x2780  }
0x13: {  	[sflag:s10] =	ssyncset.done $0x0  }
0x14: {  	[sflag:s10] =	ssyncadd.s32 $0xFFFFD880  }
0x15: {  	[tilespmem:s11], [sflag:$0x1] =	stream.linear.gather [hbm4b:s6+s2], $0x2780, $0x38;
	[tilespmem:$0x1E080] =	vst v63  }
0x16: {  	_ =	swait.ge [sflag:s10], $0x2780  }
0x17: {  	[sflag:s10] =	ssyncset.done $0x0  }
0x18: {  	[sflag:s10] =	ssyncadd.s32 $0xFFFFD880  }
0x19: {  	[tilespmem:s12], [sflag:$0x1] =	stream.linear.gather [hbm4b:s7+s2], $0x2780, $0x38;
	[tilespmem:$0x1E080] =	vst v63  }
0x1a: {  	_ =	swait.ge [sflag:s10], $0x2780  }
0x1b: {  	[sflag:s10] =	ssyncset.done $0x0  }
0x1c: {  	[sflag:s10] =	ssyncadd.s32 $0xFFFFD880  }
0x1d: {  	[tilespmem:s13], [sflag:$0x1] =	stream.linear.gather [hbm4b:s8+s2], $0x2780, $0x38;
	[tilespmem:$0x1E080] =	vst v63  }
0x1e: {  	_ =	swait.ge [sflag:s10], $0x2780  }
0x1f: {  	[sflag:s10] =	ssyncset.done $0x0  }
0x20: {  	[sflag:s10] =	ssyncadd.s32 $0xFFFFD880  }
0x21: {  	[tilespmem:s14], [sflag:$0x1] =	stream.linear.gather [hbm4b:s1+s2], $0x80, $0x38;
	[tilespmem:$0x1E080] =	vst v63  }
0x22: {  	_ =	swait.ge [sflag:s10], $0x80  }
0x23: {  	[sflag:s10] =	ssyncset.done $0x0  }
0x24: {  	[sflag:s10] =	ssyncadd.s32 $0xFFFFFF80  }
0x25: {  	v3 =	vld [tilespmem:$0xA000];
	[tilespmem:s15], [sflag:$0x1] =	stream.linear.gather [hbm4b:s4+s2], $0x14000, $0x38  }
0x26: {  	_ =	swait.ge [sflag:s10], $0x14000  }
0x27: {  	[sflag:s10] =	ssyncset.done $0x0  }
0x28: {  	s18 =	simm.s32 $0x0;
	[sflag:s10] =	ssyncadd.s32 $0xFFFEC000  }
.LBB2_2:
0x29: {  	s19 =	sshra.s32 s18, $0x2  }
0x2a: {  	v4 =	vld [tilespmem:s19+$0x5000];
	_ =	sdelay $0x4  }
0x2b: {  	v5 =	vsub.s32 v4, v0  }
0x2c: {  	v6 =	vshll.u32 v5, $0x3  }
0x2d: {  	v4 =	vand.u32 $0x7F, v4;
	v6 =	vand.u32 $0xFFFFFC00, v6  }
0x2e: {  	vm0 =	vlt.u32 v5, $0x1400;
	v4 =	vor.u32 v4, v6  }
0x2f: {  	v4 =	vadd.s32 v1, v4;
	_ =	sdelay $0x4  }
0x30: {  	[tilespmem:v4+s15+$0x0] =	vst.idx.add.f32.msk vm0, v2  }
0x31: {  	v4 =	vld [tilespmem:s19+$0x5010];
	_ =	sdelay $0x4  }
0x32: {  	v5 =	vsub.s32 v4, v0  }
0x33: {  	v57 =	vshll.u32 v5, $0x3  }
0x34: {  	v4 =	vand.u32 $0x7F, v4;
	v6 =	vand.u32 $0xFFFFFC00, v57  }
0x35: {  	vm9 =	vlt.u32 v5, $0x1400;
	v4 =	vor.u32 v4, v6  }
0x36: {  	v4 =	vadd.s32 v1, v4;
	_ =	sdelay $0x4  }
0x37: {  	[tilespmem:v4+s15+$0x0] =	vst.idx.add.f32.msk vm9, v2  }
0x38: {  	v4 =	vld [tilespmem:s19+$0x5020];
	_ =	sdelay $0x4  }
0x39: {  	v5 =	vsub.s32 v4, v0  }
0x3a: {  	v58 =	vshll.u32 v5, $0x3  }
0x3b: {  	v4 =	vand.u32 $0x7F, v4;
	v6 =	vand.u32 $0xFFFFFC00, v58  }
0x3c: {  	vm10 =	vlt.u32 v5, $0x1400;
	v4 =	vor.u32 v4, v6  }
0x3d: {  	v4 =	vadd.s32 v1, v4;
	_ =	sdelay $0x4  }
0x3e: {  	[tilespmem:v4+s15+$0x0] =	vst.idx.add.f32.msk vm10, v2  }
0x3f: {  	v4 =	vld [tilespmem:s19+$0x5030];
	_ =	sdelay $0x4  }
0x40: {  	v5 =	vsub.s32 v4, v0  }
0x41: {  	v59 =	vshll.u32 v5, $0x3  }
0x42: {  	v4 =	vand.u32 $0x7F, v4;
	v6 =	vand.u32 $0xFFFFFC00, v59  }
0x43: {  	vm11 =	vlt.u32 v5, $0x1400;
	v4 =	vor.u32 v4, v6  }
0x44: {  	v4 =	vadd.s32 v1, v4;
	_ =	sdelay $0x4  }
0x45: {  	[tilespmem:v4+s15+$0x0] =	vst.idx.add.f32.msk vm11, v2  }
0x46: {  	v4 =	vld [tilespmem:s19+$0x5040];
	_ =	sdelay $0x4  }
0x47: {  	v5 =	vsub.s32 v4, v0  }
0x48: {  	v60 =	vshll.u32 v5, $0x3  }
0x49: {  	v4 =	vand.u32 $0x7F, v4;
	v6 =	vand.u32 $0xFFFFFC00, v60  }
0x4a: {  	vm12 =	vlt.u32 v5, $0x1400;
	v4 =	vor.u32 v4, v6  }
0x4b: {  	v4 =	vadd.s32 v1, v4;
	_ =	sdelay $0x4  }
0x4c: {  	[tilespmem:v4+s15+$0x0] =	vst.idx.add.f32.msk vm12, v2  }
0x4d: {  	v4 =	vld [tilespmem:s19+$0x5050];
	_ =	sdelay $0x4  }
0x4e: {  	v5 =	vsub.s32 v4, v0  }
0x4f: {  	v61 =	vshll.u32 v5, $0x3  }
0x50: {  	v4 =	vand.u32 $0x7F, v4;
	v6 =	vand.u32 $0xFFFFFC00, v61  }
0x51: {  	vm13 =	vlt.u32 v5, $0x1400;
	v4 =	vor.u32 v4, v6  }
0x52: {  	v4 =	vadd.s32 v1, v4;
	_ =	sdelay $0x4  }
0x53: {  	[tilespmem:v4+s15+$0x0] =	vst.idx.add.f32.msk vm13, v2  }
0x54: {  	v4 =	vld [tilespmem:s19+$0x5060];
	_ =	sdelay $0x4  }
0x55: {  	v5 =	vsub.s32 v4, v0  }
0x56: {  	v62 =	vshll.u32 v5, $0x3  }
0x57: {  	v4 =	vand.u32 $0x7F, v4;
	v6 =	vand.u32 $0xFFFFFC00, v62  }
0x58: {  	vm14 =	vlt.u32 v5, $0x1400;
	v4 =	vor.u32 v4, v6  }
0x59: {  	v4 =	vadd.s32 v1, v4;
	_ =	sdelay $0x4  }
0x5a: {  	[tilespmem:v4+s15+$0x0] =	vst.idx.add.f32.msk vm14, v2  }
0x5b: {  	v4 =	vld [tilespmem:s19+$0x5070];
	_ =	sdelay $0x4  }
0x5c: {  	v5 =	vsub.s32 v4, v0  }
0x5d: {  	v63 =	vshll.u32 v5, $0x3  }
0x5e: {  	v4 =	vand.u32 $0x7F, v4;
	v6 =	vand.u32 $0xFFFFFC00, v63  }
0x5f: {  	vm15 =	vlt.u32 v5, $0x1400;
	v4 =	vor.u32 v4, v6  }
0x60: {  	p0 =	sne.s32 s18, $0x9C00;
	v4 =	vadd.s32 v1, v4  }
.Ltmp0:
0x61: {  	_ = 	snop;
	(pc) =	sbr.rel @p0 .LBB2_2-.Ltmp0, $2  }
0x62: {  	_ =	sdelay $0x2  }
0x63: {  	s18 =	sadd.s32 $0x200, s18;
	[tilespmem:v4+s15+$0x0] =	vst.idx.add.f32.msk vm15, v2  }
0x64: {  	s18 =	simm.s32 $0x0  }
.LBB2_4:
0x65: {  	s19 =	sshra.s32 s18, $0x2  }
0x66: {  	v4 =	vld [tilespmem:s19+$0x7800];
	_ =	sdelay $0x4  }
0x67: {  	v5 =	vsub.s32 v4, v0  }
0x68: {  	v6 =	vshll.u32 v5, $0x3  }
0x69: {  	v4 =	vand.u32 $0x7F, v4;
	v6 =	vand.u32 $0xFFFFFC00, v6  }
0x6a: {  	vm0 =	vlt.u32 v5, $0x1400;
	v4 =	vor.u32 v4, v6  }
0x6b: {  	v4 =	vadd.s32 v1, v4;
	_ =	sdelay $0x4  }
0x6c: {  	[tilespmem:v4+s15+$0x0] =	vst.idx.add.f32.msk vm0, v2  }
0x6d: {  	v4 =	vld [tilespmem:s19+$0x7810];
	_ =	sdelay $0x4  }
0x6e: {  	v5 =	vsub.s32 v4, v0  }
0x6f: {  	v57 =	vshll.u32 v5, $0x3  }
0x70: {  	v4 =	vand.u32 $0x7F, v4;
	v6 =	vand.u32 $0xFFFFFC00, v57  }
0x71: {  	vm9 =	vlt.u32 v5, $0x1400;
	v4 =	vor.u32 v4, v6  }
0x72: {  	v4 =	vadd.s32 v1, v4;
	_ =	sdelay $0x4  }
0x73: {  	[tilespmem:v4+s15+$0x0] =	vst.idx.add.f32.msk vm9, v2  }
0x74: {  	v4 =	vld [tilespmem:s19+$0x7820];
	_ =	sdelay $0x4  }
0x75: {  	v5 =	vsub.s32 v4, v0  }
0x76: {  	v58 =	vshll.u32 v5, $0x3  }
0x77: {  	v4 =	vand.u32 $0x7F, v4;
	v6 =	vand.u32 $0xFFFFFC00, v58  }
0x78: {  	vm10 =	vlt.u32 v5, $0x1400;
	v4 =	vor.u32 v4, v6  }
0x79: {  	v4 =	vadd.s32 v1, v4;
	_ =	sdelay $0x4  }
0x7a: {  	[tilespmem:v4+s15+$0x0] =	vst.idx.add.f32.msk vm10, v2  }
0x7b: {  	v4 =	vld [tilespmem:s19+$0x7830];
	_ =	sdelay $0x4  }
0x7c: {  	v5 =	vsub.s32 v4, v0  }
0x7d: {  	v59 =	vshll.u32 v5, $0x3  }
0x7e: {  	v4 =	vand.u32 $0x7F, v4;
	v6 =	vand.u32 $0xFFFFFC00, v59  }
0x7f: {  	vm11 =	vlt.u32 v5, $0x1400;
	v4 =	vor.u32 v4, v6  }
0x80: {  	v4 =	vadd.s32 v1, v4;
	_ =	sdelay $0x4  }
0x81: {  	[tilespmem:v4+s15+$0x0] =	vst.idx.add.f32.msk vm11, v2  }
0x82: {  	v4 =	vld [tilespmem:s19+$0x7840];
	_ =	sdelay $0x4  }
0x83: {  	v5 =	vsub.s32 v4, v0  }
0x84: {  	v60 =	vshll.u32 v5, $0x3  }
0x85: {  	v4 =	vand.u32 $0x7F, v4;
	v6 =	vand.u32 $0xFFFFFC00, v60  }
0x86: {  	vm12 =	vlt.u32 v5, $0x1400;
	v4 =	vor.u32 v4, v6  }
0x87: {  	v4 =	vadd.s32 v1, v4;
	_ =	sdelay $0x4  }
0x88: {  	[tilespmem:v4+s15+$0x0] =	vst.idx.add.f32.msk vm12, v2  }
0x89: {  	v4 =	vld [tilespmem:s19+$0x7850];
	_ =	sdelay $0x4  }
0x8a: {  	v5 =	vsub.s32 v4, v0  }
0x8b: {  	v61 =	vshll.u32 v5, $0x3  }
0x8c: {  	v4 =	vand.u32 $0x7F, v4;
	v6 =	vand.u32 $0xFFFFFC00, v61  }
0x8d: {  	vm13 =	vlt.u32 v5, $0x1400;
	v4 =	vor.u32 v4, v6  }
0x8e: {  	v4 =	vadd.s32 v1, v4;
	_ =	sdelay $0x4  }
0x8f: {  	[tilespmem:v4+s15+$0x0] =	vst.idx.add.f32.msk vm13, v2  }
0x90: {  	v4 =	vld [tilespmem:s19+$0x7860];
	_ =	sdelay $0x4  }
0x91: {  	v5 =	vsub.s32 v4, v0  }
0x92: {  	v62 =	vshll.u32 v5, $0x3  }
0x93: {  	v4 =	vand.u32 $0x7F, v4;
	v6 =	vand.u32 $0xFFFFFC00, v62  }
0x94: {  	vm14 =	vlt.u32 v5, $0x1400;
	v4 =	vor.u32 v4, v6  }
0x95: {  	v4 =	vadd.s32 v1, v4;
	_ =	sdelay $0x4  }
0x96: {  	[tilespmem:v4+s15+$0x0] =	vst.idx.add.f32.msk vm14, v2  }
0x97: {  	v4 =	vld [tilespmem:s19+$0x7870];
	_ =	sdelay $0x4  }
0x98: {  	v5 =	vsub.s32 v4, v0  }
0x99: {  	v63 =	vshll.u32 v5, $0x3  }
0x9a: {  	v4 =	vand.u32 $0x7F, v4;
	v6 =	vand.u32 $0xFFFFFC00, v63  }
0x9b: {  	vm15 =	vlt.u32 v5, $0x1400;
	v4 =	vor.u32 v4, v6  }
0x9c: {  	p0 =	sne.s32 s18, $0x9C00;
	v4 =	vadd.s32 v1, v4  }
.Ltmp1:
0x9d: {  	_ = 	snop;
	(pc) =	sbr.rel @p0 .LBB2_4-.Ltmp1, $2  }
0x9e: {  	_ =	sdelay $0x2  }
0x9f: {  	s18 =	sadd.s32 $0x200, s18;
	[tilespmem:v4+s15+$0x0] =	vst.idx.add.f32.msk vm15, v2  }
0xa0: {  	s18 =	simm.s32 $0x0  }
0xa1: {  	[hbm4b:s16+s18] =	stream.linear.scatter [tilespmem:s15], [sflag:$0x1], $0x14000, $0x38;
	[tilespmem:$0x1E080] =	vst v63  }
0xa2: {  	_ =	swait.ge [sflag:s10], $0x14000  }
0xa3: {  	[sflag:s10] =	ssyncset.done $0x0  }
0xa4: {  	[sflag:s10] =	ssyncadd.s32 $0xFFFEC000  }
0xa5: {  	[tilespmem:s15], [sflag:$0x1] =	stream.linear.gather [hbm4b:s4+s18], $0x14000, $0x38;
	[tilespmem:$0x1E080] =	vst v63  }
0xa6: {  	_ =	swait.ge [sflag:s10], $0x14000  }
0xa7: {  	[sflag:s10] =	ssyncset.done $0x0  }
0xa8: {  	s19 =	simm.s32 $0x0;
	[sflag:s10] =	ssyncadd.s32 $0xFFFEC000  }
.LBB2_6:
0xa9: {  	s20 =	sshra.s32 s19, $0x2  }
0xaa: {  	v4 =	vld [tilespmem:s20+$0x5000];
	_ =	sdelay $0x1  }
0xab: {  	v5 =	vld [tilespmem:s20+$0x0];
	_ =	sdelay $0x2  }
0xac: {  	v6 =	vsub.s32 v4, v0  }
0xad: {  	vm0 =	vlt.u32 v6, $0x1400;
	v6 =	vshll.u32 v6, $0x3  }
0xae: {  	vm1 =	veq.s32 v5, v3;
	v4 =	vand.u32 $0x7F, v4;
	v5 =	vand.u32 $0xFFFFFC00, v6  }
0xaf: {  	vm0 =	vmand vm0, vm1;
	v4 =	vor.u32 v4, v5  }
0xb0: {  	v4 =	vadd.s32 v1, v4;
	_ =	sdelay $0x4  }
0xb1: {  	[tilespmem:v4+s15+$0x0] =	vst.idx.add.f32.msk vm0, v2  }
0xb2: {  	v4 =	vld [tilespmem:s20+$0x5010]  }
0xb3: {  	v5 =	vld [tilespmem:s20+$0x10];
	_ =	sdelay $0x3  }
0xb4: {  	v57 =	vsub.s32 v4, v0  }
0xb5: {  	vm15 =	veq.s32 v5, v3;
	v6 =	vshll.u32 v57, $0x3  }
0xb6: {  	v4 =	vand.u32 $0x7F, v4;
	vm14 =	vlt.u32 v57, $0x1400;
	v5 =	vand.u32 $0xFFFFFC00, v6  }
0xb7: {  	vm0 =	vmand vm14, vm15;
	v4 =	vor.u32 v4, v5  }
0xb8: {  	v4 =	vadd.s32 v1, v4;
	_ =	sdelay $0x4  }
0xb9: {  	[tilespmem:v4+s15+$0x0] =	vst.idx.add.f32.msk vm0, v2  }
0xba: {  	v4 =	vld [tilespmem:s20+$0x5020]  }
0xbb: {  	v5 =	vld [tilespmem:s20+$0x20];
	_ =	sdelay $0x3  }
0xbc: {  	v58 =	vsub.s32 v4, v0  }
0xbd: {  	vm5 =	veq.s32 v5, v3;
	v6 =	vshll.u32 v58, $0x3  }
0xbe: {  	v4 =	vand.u32 $0x7F, v4;
	vm4 =	vlt.u32 v58, $0x1400;
	v5 =	vand.u32 $0xFFFFFC00, v6  }
0xbf: {  	vm0 =	vmand vm4, vm5;
	v4 =	vor.u32 v4, v5  }
0xc0: {  	v4 =	vadd.s32 v1, v4;
	_ =	sdelay $0x4  }
0xc1: {  	[tilespmem:v4+s15+$0x0] =	vst.idx.add.f32.msk vm0, v2  }
0xc2: {  	v4 =	vld [tilespmem:s20+$0x5030]  }
0xc3: {  	v5 =	vld [tilespmem:s20+$0x30];
	_ =	sdelay $0x3  }
0xc4: {  	v59 =	vsub.s32 v4, v0  }
0xc5: {  	vm7 =	veq.s32 v5, v3;
	v6 =	vshll.u32 v59, $0x3  }
0xc6: {  	v4 =	vand.u32 $0x7F, v4;
	vm6 =	vlt.u32 v59, $0x1400;
	v5 =	vand.u32 $0xFFFFFC00, v6  }
0xc7: {  	vm0 =	vmand vm6, vm7;
	v4 =	vor.u32 v4, v5  }
0xc8: {  	v4 =	vadd.s32 v1, v4;
	_ =	sdelay $0x4  }
0xc9: {  	[tilespmem:v4+s15+$0x0] =	vst.idx.add.f32.msk vm0, v2  }
0xca: {  	v4 =	vld [tilespmem:s20+$0x5040]  }
0xcb: {  	v5 =	vld [tilespmem:s20+$0x40];
	_ =	sdelay $0x3  }
0xcc: {  	v60 =	vsub.s32 v4, v0  }
0xcd: {  	vm9 =	veq.s32 v5, v3;
	v6 =	vshll.u32 v60, $0x3  }
0xce: {  	v4 =	vand.u32 $0x7F, v4;
	vm8 =	vlt.u32 v60, $0x1400;
	v5 =	vand.u32 $0xFFFFFC00, v6  }
0xcf: {  	vm0 =	vmand vm8, vm9;
	v4 =	vor.u32 v4, v5  }
0xd0: {  	v4 =	vadd.s32 v1, v4;
	_ =	sdelay $0x4  }
0xd1: {  	[tilespmem:v4+s15+$0x0] =	vst.idx.add.f32.msk vm0, v2  }
0xd2: {  	v4 =	vld [tilespmem:s20+$0x5050]  }
0xd3: {  	v5 =	vld [tilespmem:s20+$0x50];
	_ =	sdelay $0x3  }
0xd4: {  	v61 =	vsub.s32 v4, v0  }
0xd5: {  	vm11 =	veq.s32 v5, v3;
	v6 =	vshll.u32 v61, $0x3  }
0xd6: {  	v4 =	vand.u32 $0x7F, v4;
	vm10 =	vlt.u32 v61, $0x1400;
	v5 =	vand.u32 $0xFFFFFC00, v6  }
0xd7: {  	vm0 =	vmand vm10, vm11;
	v4 =	vor.u32 v4, v5  }
0xd8: {  	v4 =	vadd.s32 v1, v4;
	_ =	sdelay $0x4  }
0xd9: {  	[tilespmem:v4+s15+$0x0] =	vst.idx.add.f32.msk vm0, v2  }
0xda: {  	v4 =	vld [tilespmem:s20+$0x5060]  }
0xdb: {  	v5 =	vld [tilespmem:s20+$0x60];
	_ =	sdelay $0x3  }
0xdc: {  	v62 =	vsub.s32 v4, v0  }
0xdd: {  	vm13 =	veq.s32 v5, v3;
	v6 =	vshll.u32 v62, $0x3  }
0xde: {  	v4 =	vand.u32 $0x7F, v4;
	vm12 =	vlt.u32 v62, $0x1400;
	v5 =	vand.u32 $0xFFFFFC00, v6  }
0xdf: {  	vm0 =	vmand vm12, vm13;
	v4 =	vor.u32 v4, v5  }
0xe0: {  	v4 =	vadd.s32 v1, v4;
	_ =	sdelay $0x4  }
0xe1: {  	[tilespmem:v4+s15+$0x0] =	vst.idx.add.f32.msk vm0, v2  }
0xe2: {  	v4 =	vld [tilespmem:s20+$0x5070]  }
0xe3: {  	v5 =	vld [tilespmem:s20+$0x70];
	_ =	sdelay $0x3  }
0xe4: {  	v63 =	vsub.s32 v4, v0  }
0xe5: {  	vm15 =	veq.s32 v5, v3;
	v6 =	vshll.u32 v63, $0x3  }
0xe6: {  	v4 =	vand.u32 $0x7F, v4;
	vm14 =	vlt.u32 v63, $0x1400;
	v5 =	vand.u32 $0xFFFFFC00, v6  }
0xe7: {  	vm0 =	vmand vm14, vm15;
	v4 =	vor.u32 v4, v5  }
0xe8: {  	p0 =	sne.s32 s19, $0x9C00;
	v4 =	vadd.s32 v1, v4  }
.Ltmp2:
0xe9: {  	_ = 	snop;
	(pc) =	sbr.rel @p0 .LBB2_6-.Ltmp2, $2  }
0xea: {  	_ =	sdelay $0x2  }
0xeb: {  	s19 =	sadd.s32 $0x200, s19;
	[tilespmem:v4+s15+$0x0] =	vst.idx.add.f32.msk vm0, v2  }
.LBB2_7:
0xec: {  	s19 =	sshra.s32 s18, $0x2  }
0xed: {  	v4 =	vld [tilespmem:s19+$0x7800];
	_ =	sdelay $0x1  }
0xee: {  	v5 =	vld [tilespmem:s19+$0x2800];
	_ =	sdelay $0x2  }
0xef: {  	v6 =	vsub.s32 v4, v0  }
0xf0: {  	vm0 =	vlt.u32 v6, $0x1400;
	v6 =	vshll.u32 v6, $0x3  }
0xf1: {  	vm1 =	veq.s32 v5, v3;
	v4 =	vand.u32 $0x7F, v4;
	v5 =	vand.u32 $0xFFFFFC00, v6  }
0xf2: {  	vm0 =	vmand vm0, vm1;
	v4 =	vor.u32 v4, v5  }
0xf3: {  	v4 =	vadd.s32 v1, v4;
	_ =	sdelay $0x4  }
0xf4: {  	[tilespmem:v4+s15+$0x0] =	vst.idx.add.f32.msk vm0, v2  }
0xf5: {  	v4 =	vld [tilespmem:s19+$0x7810]  }
0xf6: {  	v5 =	vld [tilespmem:s19+$0x2810];
	_ =	sdelay $0x3  }
0xf7: {  	v57 =	vsub.s32 v4, v0  }
0xf8: {  	vm15 =	veq.s32 v5, v3;
	v6 =	vshll.u32 v57, $0x3  }
0xf9: {  	v4 =	vand.u32 $0x7F, v4;
	vm14 =	vlt.u32 v57, $0x1400;
	v5 =	vand.u32 $0xFFFFFC00, v6  }
0xfa: {  	vm0 =	vmand vm14, vm15;
	v4 =	vor.u32 v4, v5  }
0xfb: {  	v4 =	vadd.s32 v1, v4;
	_ =	sdelay $0x4  }
0xfc: {  	[tilespmem:v4+s15+$0x0] =	vst.idx.add.f32.msk vm0, v2  }
0xfd: {  	v4 =	vld [tilespmem:s19+$0x7820]  }
0xfe: {  	v5 =	vld [tilespmem:s19+$0x2820];
	_ =	sdelay $0x3  }
0xff: {  	v58 =	vsub.s32 v4, v0  }
0x100: {  	vm5 =	veq.s32 v5, v3;
	v6 =	vshll.u32 v58, $0x3  }
0x101: {  	v4 =	vand.u32 $0x7F, v4;
	vm4 =	vlt.u32 v58, $0x1400;
	v5 =	vand.u32 $0xFFFFFC00, v6  }
0x102: {  	vm0 =	vmand vm4, vm5;
	v4 =	vor.u32 v4, v5  }
0x103: {  	v4 =	vadd.s32 v1, v4;
	_ =	sdelay $0x4  }
0x104: {  	[tilespmem:v4+s15+$0x0] =	vst.idx.add.f32.msk vm0, v2  }
0x105: {  	v4 =	vld [tilespmem:s19+$0x7830]  }
0x106: {  	v5 =	vld [tilespmem:s19+$0x2830];
	_ =	sdelay $0x3  }
0x107: {  	v59 =	vsub.s32 v4, v0  }
0x108: {  	vm7 =	veq.s32 v5, v3;
	v6 =	vshll.u32 v59, $0x3  }
0x109: {  	v4 =	vand.u32 $0x7F, v4;
	vm6 =	vlt.u32 v59, $0x1400;
	v5 =	vand.u32 $0xFFFFFC00, v6  }
0x10a: {  	vm0 =	vmand vm6, vm7;
	v4 =	vor.u32 v4, v5  }
0x10b: {  	v4 =	vadd.s32 v1, v4;
	_ =	sdelay $0x4  }
0x10c: {  	[tilespmem:v4+s15+$0x0] =	vst.idx.add.f32.msk vm0, v2  }
0x10d: {  	v4 =	vld [tilespmem:s19+$0x7840]  }
0x10e: {  	v5 =	vld [tilespmem:s19+$0x2840];
	_ =	sdelay $0x3  }
0x10f: {  	v60 =	vsub.s32 v4, v0  }
0x110: {  	vm9 =	veq.s32 v5, v3;
	v6 =	vshll.u32 v60, $0x3  }
0x111: {  	v4 =	vand.u32 $0x7F, v4;
	vm8 =	vlt.u32 v60, $0x1400;
	v5 =	vand.u32 $0xFFFFFC00, v6  }
0x112: {  	vm0 =	vmand vm8, vm9;
	v4 =	vor.u32 v4, v5  }
0x113: {  	v4 =	vadd.s32 v1, v4;
	_ =	sdelay $0x4  }
0x114: {  	[tilespmem:v4+s15+$0x0] =	vst.idx.add.f32.msk vm0, v2  }
0x115: {  	v4 =	vld [tilespmem:s19+$0x7850]  }
0x116: {  	v5 =	vld [tilespmem:s19+$0x2850];
	_ =	sdelay $0x3  }
0x117: {  	v61 =	vsub.s32 v4, v0  }
0x118: {  	vm11 =	veq.s32 v5, v3;
	v6 =	vshll.u32 v61, $0x3  }
0x119: {  	v4 =	vand.u32 $0x7F, v4;
	vm10 =	vlt.u32 v61, $0x1400;
	v5 =	vand.u32 $0xFFFFFC00, v6  }
0x11a: {  	vm0 =	vmand vm10, vm11;
	v4 =	vor.u32 v4, v5  }
0x11b: {  	v4 =	vadd.s32 v1, v4;
	_ =	sdelay $0x4  }
0x11c: {  	[tilespmem:v4+s15+$0x0] =	vst.idx.add.f32.msk vm0, v2  }
0x11d: {  	v4 =	vld [tilespmem:s19+$0x7860]  }
0x11e: {  	v5 =	vld [tilespmem:s19+$0x2860];
	_ =	sdelay $0x3  }
0x11f: {  	v62 =	vsub.s32 v4, v0  }
0x120: {  	vm13 =	veq.s32 v5, v3;
	v6 =	vshll.u32 v62, $0x3  }
0x121: {  	v4 =	vand.u32 $0x7F, v4;
	vm12 =	vlt.u32 v62, $0x1400;
	v5 =	vand.u32 $0xFFFFFC00, v6  }
0x122: {  	vm0 =	vmand vm12, vm13;
	v4 =	vor.u32 v4, v5  }
0x123: {  	v4 =	vadd.s32 v1, v4;
	_ =	sdelay $0x4  }
0x124: {  	[tilespmem:v4+s15+$0x0] =	vst.idx.add.f32.msk vm0, v2  }
0x125: {  	v4 =	vld [tilespmem:s19+$0x7870]  }
0x126: {  	v5 =	vld [tilespmem:s19+$0x2870];
	_ =	sdelay $0x3  }
0x127: {  	v63 =	vsub.s32 v4, v0  }
0x128: {  	vm15 =	veq.s32 v5, v3;
	v6 =	vshll.u32 v63, $0x3  }
0x129: {  	v4 =	vand.u32 $0x7F, v4;
	vm14 =	vlt.u32 v63, $0x1400;
	v5 =	vand.u32 $0xFFFFFC00, v6  }
0x12a: {  	vm0 =	vmand vm14, vm15;
	v4 =	vor.u32 v4, v5  }
0x12b: {  	p0 =	sne.s32 s18, $0x9C00;
	v4 =	vadd.s32 v1, v4  }
.Ltmp3:
0x12c: {  	_ = 	snop;
	(pc) =	sbr.rel @p0 .LBB2_7-.Ltmp3, $2  }
0x12d: {  	_ =	sdelay $0x2  }
0x12e: {  	s18 =	sadd.s32 $0x200, s18;
	[tilespmem:v4+s15+$0x0] =	vst.idx.add.f32.msk vm0, v2  }
0x12f: {  	s17 =	sadd.s32 $0x1, s17  }
0x130: {  	p0 =	sne.s32 s17, s9  }
.Ltmp4:
0x131: {  	s18 =	sadd.s32 $0x2800, s16;
	(pc) =	sbr.rel @p0 .LBB2_1-.Ltmp4, $4  }
0x132: {  	[hbm4b:s18+s2] =	stream.linear.scatter [tilespmem:s15], [sflag:$0x1], $0x14000, $0x38;
	[tilespmem:$0x1E080] =	vst v63  }
0x133: {  	_ =	swait.ge [sflag:s10], $0x14000  }
0x134: {  	[sflag:s10] =	ssyncset.done $0x0  }
0x135: {  	[sflag:s10] =	ssyncadd.s32 $0xFFFEC000  }
0x136: {  	_ =	sfence.sel $0x180000  }
0x137: {  	[bflag:$0x0] =	sbarrier.arrive $0xFFFF  }
0x138: {  	p0 =	sne.s32 s3, $0x0;
	_ =	strace $0x90000047  }
0x139: {  	s0 =	sadd.s32 @!p0 $0x100000, s0;
	[bflag:$0x2] =	sbarrier.arrive $0xFFFF  }
0x13a: {  	[sflag:s0] =	ssyncadd.tile.s32 @!p0 $0x1;
	_ =	shalt  }
.Lfunc_end2:
_tile_overlayer_lowered:
.L_overlay_start_2:
0x13b: {  	(tag) =	ssettag $0x2  }
0x13c: {  	s0 =	rddreg [dreg:$0x0];
	s2 =	stileid.u32  }
0x13d: {  	s1 =	rddreg [dreg:$0x1];
	p0 =	sne.s32 s2, $0x0  }
0x13e: {  	s3 =	rddreg [dreg:$0x2];
	[bflag:$0x3] =	sbarrier.arrive $0xFFFF;
	s2 =	simm.s32 @!p0 $0x1C01  }
0x13f: {  	[timem:s3], [sflag:s2] =	dma.local @!p0 [hbm:s0], s1  }
0x140: {  	s0 =	simm.s32 @!p0 $0x1  }
0x141: {  	_ =	swait.ge @!p0 [sflag:s0], s1  }
0x142: {  	s1 =	ssub.s32 @!p0 $0x0, s1;
	[sflag:s0] =	ssyncset.done @!p0 $0x0  }
0x143: {  	[sflag:s0] =	ssyncadd.s32 @!p0 s1  }
0x144: {  	[bflag:$0x3] =	sbarrier.arrive $0xFFFF  }
0x145: {  	_ =	shalt  }

</sc_bundles>
